<compile_context>
chip_gen: v7x
topology: tpu7x:2x2x1
jax: 0.10.2.dev20260603
libtpu: 0.0.44.dev20260713+nightly
codegen_flags: <defaults>
</compile_context>

<pallas_src>
import functools

import jax
import jax.numpy as jnp
from jax import lax
from jax.experimental import pallas as pl
from jax.experimental.pallas import tpu as pltpu
from jax.experimental.pallas import tpu_sc as plsc

NC = 2
NS = 16
L = 16
NW = NC * NS
EDGE_BATCH = 128
PK = 1


@functools.lru_cache(maxsize=None)
def _build_sc_kernel(n_nodes, d_feat, e_pad):
  assert n_nodes % NS == 0 and d_feat % L == 0
  assert e_pad % (NW * EDGE_BATCH * PK) == 0
  epw = e_pad // NW
  n_batches = epw // EDGE_BATCH
  n_pk = n_batches // PK
  zt = 10
  rows_per_tile = n_nodes // zt
  assert n_nodes % zt == 0 and rows_per_tile % 8 == 0
  n_chunks = d_feat // L
  n_groups = EDGE_BATCH // L

  mesh = plsc.VectorSubcoreMesh(core_axis_name="c", subcore_axis_name="s",
                                num_cores=NC, num_subcores=NS)

  @functools.partial(
      pl.kernel,
      out_type=jax.ShapeDtypeStruct((NC, n_nodes, d_feat), jnp.float32),
      mesh=mesh,
      scratch_types=[
          pltpu.VMEM_SHARED((n_nodes, d_feat), jnp.float32),
          pltpu.VMEM((PK * 3 * EDGE_BATCH,), jnp.int32),
          pltpu.VMEM((EDGE_BATCH,), jnp.int32),
          pltpu.VMEM((EDGE_BATCH,), jnp.int32),
          pltpu.VMEM((EDGE_BATCH, d_feat), jnp.float32),
          pltpu.SemaphoreType.DMA,
      ],
  )
  def sc_kernel(x_hbm, pack_hbm, out_hbm, acc, pkv, sidx_s, didx_s, rows_v,
                sem):
    cid = lax.axis_index("c")
    sid = lax.axis_index("s")
    wid = cid * NS + sid

    @pl.when(sid < zt)
    def _():
      def zfill(j, _):
        for c in range(n_chunks):
          rows_v[j, pl.ds(c * L, L)] = jnp.zeros((L,), jnp.float32)
        return 0
      lax.fori_loop(0, EDGE_BATCH, zfill, 0)

      full, rem = divmod(rows_per_tile, EDGE_BATCH)
      for j in range(full):
        pltpu.sync_copy(
            rows_v,
            acc.at[pl.ds(sid * rows_per_tile + j * EDGE_BATCH, EDGE_BATCH)])
      if rem:
        pltpu.sync_copy(
            rows_v.at[pl.ds(0, rem)],
            acc.at[pl.ds(sid * rows_per_tile + full * EDGE_BATCH, rem)])
    plsc.subcore_barrier()

    pkbase = wid * (n_batches * 3 * EDGE_BATCH)

    def pk_chunk(u, _):
      pltpu.sync_copy(
          pack_hbm.at[pl.ds(pkbase + u * (PK * 3 * EDGE_BATCH),
                            PK * 3 * EDGE_BATCH)],
          pkv)
      def pk_batch(j, _):
        base = pl.multiple_of(j * 3 * EDGE_BATCH, EDGE_BATCH)
        for c in range(n_groups):
          sidx_s[pl.ds(c * L, L)] = pkv[pl.ds(base + c * L, L)]
          didx_s[pl.ds(c * L, L)] = pkv[pl.ds(base + EDGE_BATCH + c * L, L)]
        pltpu.async_copy(x_hbm.at[sidx_s], rows_v, sem).wait()

        def scale_group(g, _):
          wvec = pkv[pl.ds(base + 2 * EDGE_BATCH + g * L, L)]
          for jj in range(L):
            s = jnp.full((L,),
                         lax.bitcast_convert_type(wvec[jj], jnp.float32),
                         jnp.float32)
            e = g * L + jj
            for c in range(n_chunks):
              rows_v[e, pl.ds(c * L, L)] = rows_v[e, pl.ds(c * L, L)] * s
          return 0
        lax.fori_loop(0, n_groups, scale_group, 0)

        pltpu.sync_copy(rows_v, acc.at[didx_s], add=True)
        return 0
      lax.fori_loop(0, PK, pk_batch, 0)
      return 0
    lax.fori_loop(0, n_pk, pk_chunk, 0)
    plsc.subcore_barrier()

    @pl.when(sid < zt)
    def _():
      pltpu.sync_copy(
          acc.at[pl.ds(sid * rows_per_tile, rows_per_tile)],
          out_hbm.at[cid, pl.ds(sid * rows_per_tile, rows_per_tile)])

  return sc_kernel


def _combine_body(p_ref, o_ref):
  o_ref[...] = p_ref[0] + p_ref[1]


@functools.lru_cache(maxsize=None)
def _build_combine(n_nodes, d_feat):
  grid = 10 if n_nodes % 80 == 0 else 1
  blk = n_nodes // grid
  return pl.pallas_call(
      _combine_body,
      grid=(grid,),
      in_specs=[pl.BlockSpec((NC, blk, d_feat), lambda i: (0, i, 0))],
      out_specs=pl.BlockSpec((blk, d_feat), lambda i: (i, 0)),
      out_shape=jax.ShapeDtypeStruct((n_nodes, d_feat), jnp.float32),
  )


def kernel(x, edge_index, edge_weight):
  n_nodes, d_feat = x.shape
  n_edges = edge_index.shape[1]
  src = edge_index[0].astype(jnp.int32)
  dst = edge_index[1].astype(jnp.int32)
  w = edge_weight.astype(jnp.float32)

  chunk = NW * EDGE_BATCH * PK
  e_pad = ((n_edges + chunk - 1) // chunk) * chunk
  if e_pad != n_edges:
    pad = e_pad - n_edges
    src = jnp.concatenate([src, jnp.zeros((pad,), jnp.int32)])
    dst = jnp.concatenate([dst, jnp.zeros((pad,), jnp.int32)])
    w = jnp.concatenate([w, jnp.zeros((pad,), jnp.float32)])

  nb_total = e_pad // EDGE_BATCH
  pack = jnp.concatenate(
      [src.reshape(nb_total, EDGE_BATCH),
       dst.reshape(nb_total, EDGE_BATCH),
       lax.bitcast_convert_type(w, jnp.int32).reshape(nb_total, EDGE_BATCH)],
      axis=1).reshape(-1)

  partial = _build_sc_kernel(n_nodes, d_feat, e_pad)(x, pack)
  return _build_combine(n_nodes, d_feat)(partial)

# --- scband reference (transcript-rebuilt; emitter-appended) ---
"""Pipeline reference for scband-block-light-gcnconv-3358664426025 (READ-ONLY COPY).

The authoritative reference and input builder live on the scoring server;
editing this copy changes nothing except your own understanding.
"""

import jax, jax.numpy as jnp
import numpy as np

N_NODES = 10000
N_EDGES = 320000
D_FEAT = 128

def setup_inputs(seed: int = 0) -> dict:
    key = jax.random.key(seed)
    k1, k2, k3 = jax.random.split(key, 3)
    x = jax.random.normal(k1, (N_NODES, D_FEAT), dtype=jnp.float32)
    edge_index = jax.random.randint(k2, (2, N_EDGES), 0, N_NODES, dtype=jnp.int64)
    edge_weight = jax.random.uniform(k3, (N_EDGES,), dtype=jnp.float32)
    return {"x": x, "edge_index": edge_index, "edge_weight": edge_weight}

def reference(x, edge_index, edge_weight):
    # LightGCN conv over a single DGL block:
    #   message m_e = h[src_e] * ew_e   (u_mul_e)
    #   h_dst = sum over incoming edges (sum reduce)
    src = edge_index[0]
    dst = edge_index[1]
    m = jnp.take(x, src, axis=0) * edge_weight[:, None]   # gather + elementwise
    out = jax.ops.segment_sum(m, dst, num_segments=x.shape[0])  # scatter-add
    return out

if __name__ == "__main__":
    import jax
    _d = setup_inputs()
    print(jax.jit(kernel)(*tuple(_d.values())))

</pallas_src>

<mosaic_0001>
#map = affine_map<(d0, d1) -> (0, 0)>
#map1 = affine_map<(d0, d1) -> (0)>
#map2 = affine_map<(d0, d1) -> (0, 0, 0)>
module attributes {stable_mosaic.version = 14 : i64} {
  func.func @sc_kernel(%arg0: i32, %arg1: i32, %arg2: memref<10000x128xf32, #tpu.memory_space<hbm>>, %arg3: memref<970752xi32, #tpu.memory_space<hbm>>, %arg4: memref<2x10000x128xf32, #tpu.memory_space<hbm>>, %arg5: memref<10000x128xf32, #tpu.memory_space<vmem_shared>>, %arg6: memref<384xi32, #tpu.memory_space<vmem>>, %arg7: memref<128xi32, #tpu.memory_space<vmem>>, %arg8: memref<128xi32, #tpu.memory_space<vmem>>, %arg9: memref<128x128xf32, #tpu.memory_space<vmem>>, %arg10: memref<!tpu.dma_semaphore, #tpu.memory_space<semaphore_mem>>) attributes {dimension_semantics = [#tpu.dimension_semantics<core_parallel>, #tpu.dimension_semantics<subcore_parallel>], iteration_bounds = array<i64: 2, 16>, scalar_prefetch = 0 : i64, scratch_operands = 6 : i64, tpu.core_type = #tpu.core_type<sc_vector_subcore>, window_params = [{transform_indices = #map}, {transform_indices = #map1}, {transform_indices = #map2}]} {
    %mul3A = arith.constant 16 : i32
    %mul3A_0 = arith.muli %arg0, %mul3A : i32
    %add3A = arith.addi %mul3A_0, %arg1 : i32
    %lt3A = arith.constant 10 : i32
    %lt3A_1 = arith.cmpi slt, %arg1, %lt3A : i32
    %convert_element_type3A = arith.extui %lt3A_1 : i1 to i32
    %cond3A = arith.constant 0 : i32
    %cond3A_2 = arith.cmpi ne, %convert_element_type3A, %cond3A : i32
    scf.if %cond3A_2 {
      %scan3A_17 = arith.constant 0 : i32
      %scan3A_18 = arith.constant 0 : i32
      %scan3A_19 = arith.constant 128 : i32
      %scan3A_20 = arith.addi %scan3A_18, %scan3A_19 : i32
      %scan3A_21 = arith.constant 1 : i32
      %scan3A_22 = scf.for %scan3A_56 = %scan3A_18 to %scan3A_20 step %scan3A_21 iter_args(%scan3A_57 = %scan3A_17) -> (i32)  : i32 {
        %broadcast_in_dim3A = arith.constant 0.000000e+00 : f32
        %broadcast_in_dim3A_58 = vector.broadcast %broadcast_in_dim3A : f32 to vector<16xf32>
        %swap3A = arith.index_cast %scan3A_56 : i32 to index
        %swap3A_59 = arith.constant 0 : index
        %swap3A_60 = tpu.vector_load %arg9[%swap3A, %swap3A_59] {strides = array<i32>} : memref<128x128xf32, #tpu.memory_space<vmem>>, vector<1x16xf32>,
        %swap3A_61 = vector.shape_cast %swap3A_60 : vector<1x16xf32> to vector<16xf32>
        %swap3A_62 = vector.shape_cast %broadcast_in_dim3A_58 : vector<16xf32> to vector<1x16xf32>
        tpu.vector_store %arg9[%swap3A, %swap3A_59], %swap3A_62 {strides = array<i32>} : memref<128x128xf32, #tpu.memory_space<vmem>>, vector<1x16xf32>,
        %broadcast_in_dim3A_63 = arith.constant 0.000000e+00 : f32
        %broadcast_in_dim3A_64 = vector.broadcast %broadcast_in_dim3A_63 : f32 to vector<16xf32>
        %swap3A_65 = arith.index_cast %scan3A_56 : i32 to index
        %swap3A_66 = arith.constant 16 : index
        %swap3A_67 = tpu.vector_load %arg9[%swap3A_65, %swap3A_66] {strides = array<i32>} : memref<128x128xf32, #tpu.memory_space<vmem>>, vector<1x16xf32>,
        %swap3A_68 = vector.shape_cast %swap3A_67 : vector<1x16xf32> to vector<16xf32>
        %swap3A_69 = vector.shape_cast %broadcast_in_dim3A_64 : vector<16xf32> to vector<1x16xf32>
        tpu.vector_store %arg9[%swap3A_65, %swap3A_66], %swap3A_69 {strides = array<i32>} : memref<128x128xf32, #tpu.memory_space<vmem>>, vector<1x16xf32>,
        %broadcast_in_dim3A_70 = arith.constant 0.000000e+00 : f32
        %broadcast_in_dim3A_71 = vector.broadcast %broadcast_in_dim3A_70 : f32 to vector<16xf32>
        %swap3A_72 = arith.index_cast %scan3A_56 : i32 to index
        %swap3A_73 = arith.constant 32 : index
        %swap3A_74 = tpu.vector_load %arg9[%swap3A_72, %swap3A_73] {strides = array<i32>} : memref<128x128xf32, #tpu.memory_space<vmem>>, vector<1x16xf32>,
        %swap3A_75 = vector.shape_cast %swap3A_74 : vector<1x16xf32> to vector<16xf32>
        %swap3A_76 = vector.shape_cast %broadcast_in_dim3A_71 : vector<16xf32> to vector<1x16xf32>
        tpu.vector_store %arg9[%swap3A_72, %swap3A_73], %swap3A_76 {strides = array<i32>} : memref<128x128xf32, #tpu.memory_space<vmem>>, vector<1x16xf32>,
        %broadcast_in_dim3A_77 = arith.constant 0.000000e+00 : f32
        %broadcast_in_dim3A_78 = vector.broadcast %broadcast_in_dim3A_77 : f32 to vector<16xf32>
        %swap3A_79 = arith.index_cast %scan3A_56 : i32 to index
        %swap3A_80 = arith.constant 48 : index
        %swap3A_81 = tpu.vector_load %arg9[%swap3A_79, %swap3A_80] {strides = array<i32>} : memref<128x128xf32, #tpu.memory_space<vmem>>, vector<1x16xf32>,
        %swap3A_82 = vector.shape_cast %swap3A_81 : vector<1x16xf32> to vector<16xf32>
        %swap3A_83 = vector.shape_cast %broadcast_in_dim3A_78 : vector<16xf32> to vector<1x16xf32>
        tpu.vector_store %arg9[%swap3A_79, %swap3A_80], %swap3A_83 {strides = array<i32>} : memref<128x128xf32, #tpu.memory_space<vmem>>, vector<1x16xf32>,
        %broadcast_in_dim3A_84 = arith.constant 0.000000e+00 : f32
        %broadcast_in_dim3A_85 = vector.broadcast %broadcast_in_dim3A_84 : f32 to vector<16xf32>
        %swap3A_86 = arith.index_cast %scan3A_56 : i32 to index
        %swap3A_87 = arith.constant 64 : index
        %swap3A_88 = tpu.vector_load %arg9[%swap3A_86, %swap3A_87] {strides = array<i32>} : memref<128x128xf32, #tpu.memory_space<vmem>>, vector<1x16xf32>,
        %swap3A_89 = vector.shape_cast %swap3A_88 : vector<1x16xf32> to vector<16xf32>
        %swap3A_90 = vector.shape_cast %broadcast_in_dim3A_85 : vector<16xf32> to vector<1x16xf32>
        tpu.vector_store %arg9[%swap3A_86, %swap3A_87], %swap3A_90 {strides = array<i32>} : memref<128x128xf32, #tpu.memory_space<vmem>>, vector<1x16xf32>,
        %broadcast_in_dim3A_91 = arith.constant 0.000000e+00 : f32
        %broadcast_in_dim3A_92 = vector.broadcast %broadcast_in_dim3A_91 : f32 to vector<16xf32>
        %swap3A_93 = arith.index_cast %scan3A_56 : i32 to index
        %swap3A_94 = arith.constant 80 : index
        %swap3A_95 = tpu.vector_load %arg9[%swap3A_93, %swap3A_94] {strides = array<i32>} : memref<128x128xf32, #tpu.memory_space<vmem>>, vector<1x16xf32>,
        %swap3A_96 = vector.shape_cast %swap3A_95 : vector<1x16xf32> to vector<16xf32>
        %swap3A_97 = vector.shape_cast %broadcast_in_dim3A_92 : vector<16xf32> to vector<1x16xf32>
        tpu.vector_store %arg9[%swap3A_93, %swap3A_94], %swap3A_97 {strides = array<i32>} : memref<128x128xf32, #tpu.memory_space<vmem>>, vector<1x16xf32>,
        %broadcast_in_dim3A_98 = arith.constant 0.000000e+00 : f32
        %broadcast_in_dim3A_99 = vector.broadcast %broadcast_in_dim3A_98 : f32 to vector<16xf32>
        %swap3A_100 = arith.index_cast %scan3A_56 : i32 to index
        %swap3A_101 = arith.constant 96 : index
        %swap3A_102 = tpu.vector_load %arg9[%swap3A_100, %swap3A_101] {strides = array<i32>} : memref<128x128xf32, #tpu.memory_space<vmem>>, vector<1x16xf32>,
        %swap3A_103 = vector.shape_cast %swap3A_102 : vector<1x16xf32> to vector<16xf32>
        %swap3A_104 = vector.shape_cast %broadcast_in_dim3A_99 : vector<16xf32> to vector<1x16xf32>
        tpu.vector_store %arg9[%swap3A_100, %swap3A_101], %swap3A_104 {strides = array<i32>} : memref<128x128xf32, #tpu.memory_space<vmem>>, vector<1x16xf32>,
        %broadcast_in_dim3A_105 = arith.constant 0.000000e+00 : f32
        %broadcast_in_dim3A_106 = vector.broadcast %broadcast_in_dim3A_105 : f32 to vector<16xf32>
        %swap3A_107 = arith.index_cast %scan3A_56 : i32 to index
        %swap3A_108 = arith.constant 112 : index
        %swap3A_109 = tpu.vector_load %arg9[%swap3A_107, %swap3A_108] {strides = array<i32>} : memref<128x128xf32, #tpu.memory_space<vmem>>, vector<1x16xf32>,
        %swap3A_110 = vector.shape_cast %swap3A_109 : vector<1x16xf32> to vector<16xf32>
        %swap3A_111 = vector.shape_cast %broadcast_in_dim3A_106 : vector<16xf32> to vector<1x16xf32>
        tpu.vector_store %arg9[%swap3A_107, %swap3A_108], %swap3A_111 {strides = array<i32>} : memref<128x128xf32, #tpu.memory_space<vmem>>, vector<1x16xf32>,
        %scan3A_112 = arith.constant 0 : i32
        scf.yield %scan3A_112 : i32
      }
      %scan3A_23 = arith.constant 128 : i32
      %mul3A_24 = arith.constant 1000 : i32
      %mul3A_25 = arith.muli %arg1, %mul3A_24 : i32
      %add3A_26 = arith.constant 0 : i32
      %add3A_27 = arith.addi %mul3A_25, %add3A_26 : i32
      "tpu.region"() ({
        %run_scoped3A = tpu.sem_alloc : memref<!tpu.dma_semaphore, #tpu.memory_space<semaphore_mem>>
        %dma_start3A = arith.constant 0 : i32
        %dma_start3A_56 = tpu.memref_slice %arg5[%add3A_27, %dma_start3A] : memref<10000x128xf32, #tpu.memory_space<vmem_shared>> -> memref<128x128xf32, #tpu.memory_space<vmem_shared>>
        %dma_start3A_57 = arith.constant 0 : i32
        %dma_start3A_58 = tpu.memref_slice %arg5[%add3A_27, %dma_start3A_57] : memref<10000x128xf32, #tpu.memory_space<vmem_shared>> -> memref<128x128xf32, #tpu.memory_space<vmem_shared>>
        tpu.enqueue_dma source(%arg9 : memref<128x128xf32, #tpu.memory_space<vmem>>) target(%dma_start3A_58 : memref<128x128xf32, #tpu.memory_space<vmem_shared>>) target_semaphore(%run_scoped3A : memref<!tpu.dma_semaphore, #tpu.memory_space<semaphore_mem>>)
        %dma_wait3A = arith.constant 0 : i32
        %dma_wait3A_59 = tpu.memref_slice %arg5[%add3A_27, %dma_wait3A] : memref<10000x128xf32, #tpu.memory_space<vmem_shared>> -> memref<128x128xf32, #tpu.memory_space<vmem_shared>>
        %dma_wait3A_60 = arith.constant 0 : i32
        %dma_wait3A_61 = tpu.memref_slice %arg5[%add3A_27, %dma_wait3A_60] : memref<10000x128xf32, #tpu.memory_space<vmem_shared>> -> memref<128x128xf32, #tpu.memory_space<vmem_shared>>
        tpu.wait_dma2 semaphore(%run_scoped3A : memref<!tpu.dma_semaphore, #tpu.memory_space<semaphore_mem>>) src(%arg9 : memref<128x128xf32, #tpu.memory_space<vmem>>) dst(%dma_wait3A_61 : memref<128x128xf32, #tpu.memory_space<vmem_shared>>)
        tpu.yield
      }) : () -> ()
      %mul3A_28 = arith.constant 1000 : i32
      %mul3A_29 = arith.muli %arg1, %mul3A_28 : i32
      %add3A_30 = arith.constant 128 : i32
      %add3A_31 = arith.addi %mul3A_29, %add3A_30 : i32
      "tpu.region"() ({
        %run_scoped3A = tpu.sem_alloc : memref<!tpu.dma_semaphore, #tpu.memory_space<semaphore_mem>>
        %dma_start3A = arith.constant 0 : i32
        %dma_start3A_56 = tpu.memref_slice %arg5[%add3A_31, %dma_start3A] : memref<10000x128xf32, #tpu.memory_space<vmem_shared>> -> memref<128x128xf32, #tpu.memory_space<vmem_shared>>
        %dma_start3A_57 = arith.constant 0 : i32
        %dma_start3A_58 = tpu.memref_slice %arg5[%add3A_31, %dma_start3A_57] : memref<10000x128xf32, #tpu.memory_space<vmem_shared>> -> memref<128x128xf32, #tpu.memory_space<vmem_shared>>
        tpu.enqueue_dma source(%arg9 : memref<128x128xf32, #tpu.memory_space<vmem>>) target(%dma_start3A_58 : memref<128x128xf32, #tpu.memory_space<vmem_shared>>) target_semaphore(%run_scoped3A : memref<!tpu.dma_semaphore, #tpu.memory_space<semaphore_mem>>)
        %dma_wait3A = arith.constant 0 : i32
        %dma_wait3A_59 = tpu.memref_slice %arg5[%add3A_31, %dma_wait3A] : memref<10000x128xf32, #tpu.memory_space<vmem_shared>> -> memref<128x128xf32, #tpu.memory_space<vmem_shared>>
        %dma_wait3A_60 = arith.constant 0 : i32
        %dma_wait3A_61 = tpu.memref_slice %arg5[%add3A_31, %dma_wait3A_60] : memref<10000x128xf32, #tpu.memory_space<vmem_shared>> -> memref<128x128xf32, #tpu.memory_space<vmem_shared>>
        tpu.wait_dma2 semaphore(%run_scoped3A : memref<!tpu.dma_semaphore, #tpu.memory_space<semaphore_mem>>) src(%arg9 : memref<128x128xf32, #tpu.memory_space<vmem>>) dst(%dma_wait3A_61 : memref<128x128xf32, #tpu.memory_space<vmem_shared>>)
        tpu.yield
      }) : () -> ()
      %mul3A_32 = arith.constant 1000 : i32
      %mul3A_33 = arith.muli %arg1, %mul3A_32 : i32
      %add3A_34 = arith.constant 256 : i32
      %add3A_35 = arith.addi %mul3A_33, %add3A_34 : i32
      "tpu.region"() ({
        %run_scoped3A = tpu.sem_alloc : memref<!tpu.dma_semaphore, #tpu.memory_space<semaphore_mem>>
        %dma_start3A = arith.constant 0 : i32
        %dma_start3A_56 = tpu.memref_slice %arg5[%add3A_35, %dma_start3A] : memref<10000x128xf32, #tpu.memory_space<vmem_shared>> -> memref<128x128xf32, #tpu.memory_space<vmem_shared>>
        %dma_start3A_57 = arith.constant 0 : i32
        %dma_start3A_58 = tpu.memref_slice %arg5[%add3A_35, %dma_start3A_57] : memref<10000x128xf32, #tpu.memory_space<vmem_shared>> -> memref<128x128xf32, #tpu.memory_space<vmem_shared>>
        tpu.enqueue_dma source(%arg9 : memref<128x128xf32, #tpu.memory_space<vmem>>) target(%dma_start3A_58 : memref<128x128xf32, #tpu.memory_space<vmem_shared>>) target_semaphore(%run_scoped3A : memref<!tpu.dma_semaphore, #tpu.memory_space<semaphore_mem>>)
        %dma_wait3A = arith.constant 0 : i32
        %dma_wait3A_59 = tpu.memref_slice %arg5[%add3A_35, %dma_wait3A] : memref<10000x128xf32, #tpu.memory_space<vmem_shared>> -> memref<128x128xf32, #tpu.memory_space<vmem_shared>>
        %dma_wait3A_60 = arith.constant 0 : i32
        %dma_wait3A_61 = tpu.memref_slice %arg5[%add3A_35, %dma_wait3A_60] : memref<10000x128xf32, #tpu.memory_space<vmem_shared>> -> memref<128x128xf32, #tpu.memory_space<vmem_shared>>
        tpu.wait_dma2 semaphore(%run_scoped3A : memref<!tpu.dma_semaphore, #tpu.memory_space<semaphore_mem>>) src(%arg9 : memref<128x128xf32, #tpu.memory_space<vmem>>) dst(%dma_wait3A_61 : memref<128x128xf32, #tpu.memory_space<vmem_shared>>)
        tpu.yield
      }) : () -> ()
      %mul3A_36 = arith.constant 1000 : i32
      %mul3A_37 = arith.muli %arg1, %mul3A_36 : i32
      %add3A_38 = arith.constant 384 : i32
      %add3A_39 = arith.addi %mul3A_37, %add3A_38 : i32
      "tpu.region"() ({
        %run_scoped3A = tpu.sem_alloc : memref<!tpu.dma_semaphore, #tpu.memory_space<semaphore_mem>>
        %dma_start3A = arith.constant 0 : i32
        %dma_start3A_56 = tpu.memref_slice %arg5[%add3A_39, %dma_start3A] : memref<10000x128xf32, #tpu.memory_space<vmem_shared>> -> memref<128x128xf32, #tpu.memory_space<vmem_shared>>
        %dma_start3A_57 = arith.constant 0 : i32
        %dma_start3A_58 = tpu.memref_slice %arg5[%add3A_39, %dma_start3A_57] : memref<10000x128xf32, #tpu.memory_space<vmem_shared>> -> memref<128x128xf32, #tpu.memory_space<vmem_shared>>
        tpu.enqueue_dma source(%arg9 : memref<128x128xf32, #tpu.memory_space<vmem>>) target(%dma_start3A_58 : memref<128x128xf32, #tpu.memory_space<vmem_shared>>) target_semaphore(%run_scoped3A : memref<!tpu.dma_semaphore, #tpu.memory_space<semaphore_mem>>)
        %dma_wait3A = arith.constant 0 : i32
        %dma_wait3A_59 = tpu.memref_slice %arg5[%add3A_39, %dma_wait3A] : memref<10000x128xf32, #tpu.memory_space<vmem_shared>> -> memref<128x128xf32, #tpu.memory_space<vmem_shared>>
        %dma_wait3A_60 = arith.constant 0 : i32
        %dma_wait3A_61 = tpu.memref_slice %arg5[%add3A_39, %dma_wait3A_60] : memref<10000x128xf32, #tpu.memory_space<vmem_shared>> -> memref<128x128xf32, #tpu.memory_space<vmem_shared>>
        tpu.wait_dma2 semaphore(%run_scoped3A : memref<!tpu.dma_semaphore, #tpu.memory_space<semaphore_mem>>) src(%arg9 : memref<128x128xf32, #tpu.memory_space<vmem>>) dst(%dma_wait3A_61 : memref<128x128xf32, #tpu.memory_space<vmem_shared>>)
        tpu.yield
      }) : () -> ()
      %mul3A_40 = arith.constant 1000 : i32
      %mul3A_41 = arith.muli %arg1, %mul3A_40 : i32
      %add3A_42 = arith.constant 512 : i32
      %add3A_43 = arith.addi %mul3A_41, %add3A_42 : i32
      "tpu.region"() ({
        %run_scoped3A = tpu.sem_alloc : memref<!tpu.dma_semaphore, #tpu.memory_space<semaphore_mem>>
        %dma_start3A = arith.constant 0 : i32
        %dma_start3A_56 = tpu.memref_slice %arg5[%add3A_43, %dma_start3A] : memref<10000x128xf32, #tpu.memory_space<vmem_shared>> -> memref<128x128xf32, #tpu.memory_space<vmem_shared>>
        %dma_start3A_57 = arith.constant 0 : i32
        %dma_start3A_58 = tpu.memref_slice %arg5[%add3A_43, %dma_start3A_57] : memref<10000x128xf32, #tpu.memory_space<vmem_shared>> -> memref<128x128xf32, #tpu.memory_space<vmem_shared>>
        tpu.enqueue_dma source(%arg9 : memref<128x128xf32, #tpu.memory_space<vmem>>) target(%dma_start3A_58 : memref<128x128xf32, #tpu.memory_space<vmem_shared>>) target_semaphore(%run_scoped3A : memref<!tpu.dma_semaphore, #tpu.memory_space<semaphore_mem>>)
        %dma_wait3A = arith.constant 0 : i32
        %dma_wait3A_59 = tpu.memref_slice %arg5[%add3A_43, %dma_wait3A] : memref<10000x128xf32, #tpu.memory_space<vmem_shared>> -> memref<128x128xf32, #tpu.memory_space<vmem_shared>>
        %dma_wait3A_60 = arith.constant 0 : i32
        %dma_wait3A_61 = tpu.memref_slice %arg5[%add3A_43, %dma_wait3A_60] : memref<10000x128xf32, #tpu.memory_space<vmem_shared>> -> memref<128x128xf32, #tpu.memory_space<vmem_shared>>
        tpu.wait_dma2 semaphore(%run_scoped3A : memref<!tpu.dma_semaphore, #tpu.memory_space<semaphore_mem>>) src(%arg9 : memref<128x128xf32, #tpu.memory_space<vmem>>) dst(%dma_wait3A_61 : memref<128x128xf32, #tpu.memory_space<vmem_shared>>)
        tpu.yield
      }) : () -> ()
      %mul3A_44 = arith.constant 1000 : i32
      %mul3A_45 = arith.muli %arg1, %mul3A_44 : i32
      %add3A_46 = arith.constant 640 : i32
      %add3A_47 = arith.addi %mul3A_45, %add3A_46 : i32
      "tpu.region"() ({
        %run_scoped3A = tpu.sem_alloc : memref<!tpu.dma_semaphore, #tpu.memory_space<semaphore_mem>>
        %dma_start3A = arith.constant 0 : i32
        %dma_start3A_56 = tpu.memref_slice %arg5[%add3A_47, %dma_start3A] : memref<10000x128xf32, #tpu.memory_space<vmem_shared>> -> memref<128x128xf32, #tpu.memory_space<vmem_shared>>
        %dma_start3A_57 = arith.constant 0 : i32
        %dma_start3A_58 = tpu.memref_slice %arg5[%add3A_47, %dma_start3A_57] : memref<10000x128xf32, #tpu.memory_space<vmem_shared>> -> memref<128x128xf32, #tpu.memory_space<vmem_shared>>
        tpu.enqueue_dma source(%arg9 : memref<128x128xf32, #tpu.memory_space<vmem>>) target(%dma_start3A_58 : memref<128x128xf32, #tpu.memory_space<vmem_shared>>) target_semaphore(%run_scoped3A : memref<!tpu.dma_semaphore, #tpu.memory_space<semaphore_mem>>)
        %dma_wait3A = arith.constant 0 : i32
        %dma_wait3A_59 = tpu.memref_slice %arg5[%add3A_47, %dma_wait3A] : memref<10000x128xf32, #tpu.memory_space<vmem_shared>> -> memref<128x128xf32, #tpu.memory_space<vmem_shared>>
        %dma_wait3A_60 = arith.constant 0 : i32
        %dma_wait3A_61 = tpu.memref_slice %arg5[%add3A_47, %dma_wait3A_60] : memref<10000x128xf32, #tpu.memory_space<vmem_shared>> -> memref<128x128xf32, #tpu.memory_space<vmem_shared>>
        tpu.wait_dma2 semaphore(%run_scoped3A : memref<!tpu.dma_semaphore, #tpu.memory_space<semaphore_mem>>) src(%arg9 : memref<128x128xf32, #tpu.memory_space<vmem>>) dst(%dma_wait3A_61 : memref<128x128xf32, #tpu.memory_space<vmem_shared>>)
        tpu.yield
      }) : () -> ()
      %mul3A_48 = arith.constant 1000 : i32
      %mul3A_49 = arith.muli %arg1, %mul3A_48 : i32
      %add3A_50 = arith.constant 768 : i32
      %add3A_51 = arith.addi %mul3A_49, %add3A_50 : i32
      "tpu.region"() ({
        %run_scoped3A = tpu.sem_alloc : memref<!tpu.dma_semaphore, #tpu.memory_space<semaphore_mem>>
        %dma_start3A = arith.constant 0 : i32
        %dma_start3A_56 = tpu.memref_slice %arg5[%add3A_51, %dma_start3A] : memref<10000x128xf32, #tpu.memory_space<vmem_shared>> -> memref<128x128xf32, #tpu.memory_space<vmem_shared>>
        %dma_start3A_57 = arith.constant 0 : i32
        %dma_start3A_58 = tpu.memref_slice %arg5[%add3A_51, %dma_start3A_57] : memref<10000x128xf32, #tpu.memory_space<vmem_shared>> -> memref<128x128xf32, #tpu.memory_space<vmem_shared>>
        tpu.enqueue_dma source(%arg9 : memref<128x128xf32, #tpu.memory_space<vmem>>) target(%dma_start3A_58 : memref<128x128xf32, #tpu.memory_space<vmem_shared>>) target_semaphore(%run_scoped3A : memref<!tpu.dma_semaphore, #tpu.memory_space<semaphore_mem>>)
        %dma_wait3A = arith.constant 0 : i32
        %dma_wait3A_59 = tpu.memref_slice %arg5[%add3A_51, %dma_wait3A] : memref<10000x128xf32, #tpu.memory_space<vmem_shared>> -> memref<128x128xf32, #tpu.memory_space<vmem_shared>>
        %dma_wait3A_60 = arith.constant 0 : i32
        %dma_wait3A_61 = tpu.memref_slice %arg5[%add3A_51, %dma_wait3A_60] : memref<10000x128xf32, #tpu.memory_space<vmem_shared>> -> memref<128x128xf32, #tpu.memory_space<vmem_shared>>
        tpu.wait_dma2 semaphore(%run_scoped3A : memref<!tpu.dma_semaphore, #tpu.memory_space<semaphore_mem>>) src(%arg9 : memref<128x128xf32, #tpu.memory_space<vmem>>) dst(%dma_wait3A_61 : memref<128x128xf32, #tpu.memory_space<vmem_shared>>)
        tpu.yield
      }) : () -> ()
      %mul3A_52 = arith.constant 1000 : i32
      %mul3A_53 = arith.muli %arg1, %mul3A_52 : i32
      %add3A_54 = arith.constant 896 : i32
      %add3A_55 = arith.addi %mul3A_53, %add3A_54 : i32
      "tpu.region"() ({
        %run_scoped3A = tpu.sem_alloc : memref<!tpu.dma_semaphore, #tpu.memory_space<semaphore_mem>>
        %dma_start3A = arith.constant 0 : i32
        %dma_start3A_56 = arith.constant 0 : i32
        %dma_start3A_57 = tpu.memref_slice %arg9[%dma_start3A, %dma_start3A_56] : memref<128x128xf32, #tpu.memory_space<vmem>> -> memref<104x128xf32, #tpu.memory_space<vmem>>
        %dma_start3A_58 = arith.constant 0 : i32
        %dma_start3A_59 = tpu.memref_slice %arg5[%add3A_55, %dma_start3A_58] : memref<10000x128xf32, #tpu.memory_space<vmem_shared>> -> memref<104x128xf32, #tpu.memory_space<vmem_shared>>
        %dma_start3A_60 = arith.constant 0 : i32
        %dma_start3A_61 = tpu.memref_slice %arg5[%add3A_55, %dma_start3A_60] : memref<10000x128xf32, #tpu.memory_space<vmem_shared>> -> memref<104x128xf32, #tpu.memory_space<vmem_shared>>
        %dma_start3A_62 = arith.constant 0 : i32
        %dma_start3A_63 = arith.constant 0 : i32
        %dma_start3A_64 = tpu.memref_slice %arg9[%dma_start3A_62, %dma_start3A_63] : memref<128x128xf32, #tpu.memory_space<vmem>> -> memref<104x128xf32, #tpu.memory_space<vmem>>
        tpu.enqueue_dma source(%dma_start3A_64 : memref<104x128xf32, #tpu.memory_space<vmem>>) target(%dma_start3A_61 : memref<104x128xf32, #tpu.memory_space<vmem_shared>>) target_semaphore(%run_scoped3A : memref<!tpu.dma_semaphore, #tpu.memory_space<semaphore_mem>>)
        %dma_wait3A = arith.constant 0 : i32
        %dma_wait3A_65 = arith.constant 0 : i32
        %dma_wait3A_66 = tpu.memref_slice %arg9[%dma_wait3A, %dma_wait3A_65] : memref<128x128xf32, #tpu.memory_space<vmem>> -> memref<104x128xf32, #tpu.memory_space<vmem>>
        %dma_wait3A_67 = arith.constant 0 : i32
        %dma_wait3A_68 = tpu.memref_slice %arg5[%add3A_55, %dma_wait3A_67] : memref<10000x128xf32, #tpu.memory_space<vmem_shared>> -> memref<104x128xf32, #tpu.memory_space<vmem_shared>>
        %dma_wait3A_69 = arith.constant 0 : i32
        %dma_wait3A_70 = tpu.memref_slice %arg5[%add3A_55, %dma_wait3A_69] : memref<10000x128xf32, #tpu.memory_space<vmem_shared>> -> memref<104x128xf32, #tpu.memory_space<vmem_shared>>
        %dma_wait3A_71 = arith.constant 0 : i32
        %dma_wait3A_72 = arith.constant 0 : i32
        %dma_wait3A_73 = tpu.memref_slice %arg9[%dma_wait3A_71, %dma_wait3A_72] : memref<128x128xf32, #tpu.memory_space<vmem>> -> memref<104x128xf32, #tpu.memory_space<vmem>>
        tpu.wait_dma2 semaphore(%run_scoped3A : memref<!tpu.dma_semaphore, #tpu.memory_space<semaphore_mem>>) src(%dma_wait3A_73 : memref<104x128xf32, #tpu.memory_space<vmem>>) dst(%dma_wait3A_70 : memref<104x128xf32, #tpu.memory_space<vmem_shared>>)
        tpu.yield
      }) : () -> ()
    } else {
    }
    %barrier3A = arith.constant 0 : index
    tpu.barrier barrier_id(%barrier3A)
    %mul3A_3 = arith.constant 30336 : i32
    %mul3A_4 = arith.muli %add3A, %mul3A_3 : i32
    %scan3A = arith.constant 0 : i32
    %scan3A_5 = arith.constant 0 : i32
    %scan3A_6 = arith.constant 79 : i32
    %scan3A_7 = arith.addi %scan3A_5, %scan3A_6 : i32
    %scan3A_8 = arith.constant 1 : i32
    %scan3A_9 = scf.for %scan3A_17 = %scan3A_5 to %scan3A_7 step %scan3A_8 iter_args(%scan3A_18 = %scan3A) -> (i32)  : i32 {
      %mul3A_19 = arith.constant 384 : i32
      %mul3A_20 = arith.muli %scan3A_17, %mul3A_19 : i32
      %add3A_21 = arith.addi %mul3A_4, %mul3A_20 : i32
      "tpu.region"() ({
        %run_scoped3A = tpu.sem_alloc : memref<!tpu.dma_semaphore, #tpu.memory_space<semaphore_mem>>
        %dma_start3A_200 = tpu.memref_slice %arg3[%add3A_21] : memref<970752xi32, #tpu.memory_space<hbm>> -> memref<384xi32, #tpu.memory_space<hbm>>
        %dma_start3A_201 = tpu.memref_slice %arg3[%add3A_21] : memref<970752xi32, #tpu.memory_space<hbm>> -> memref<384xi32, #tpu.memory_space<hbm>>
        tpu.enqueue_dma source(%dma_start3A_201 : memref<384xi32, #tpu.memory_space<hbm>>) target(%arg6 : memref<384xi32, #tpu.memory_space<vmem>>) target_semaphore(%run_scoped3A : memref<!tpu.dma_semaphore, #tpu.memory_space<semaphore_mem>>)
        %dma_wait3A_202 = tpu.memref_slice %arg3[%add3A_21] : memref<970752xi32, #tpu.memory_space<hbm>> -> memref<384xi32, #tpu.memory_space<hbm>>
        %dma_wait3A_203 = tpu.memref_slice %arg3[%add3A_21] : memref<970752xi32, #tpu.memory_space<hbm>> -> memref<384xi32, #tpu.memory_space<hbm>>
        tpu.wait_dma2 semaphore(%run_scoped3A : memref<!tpu.dma_semaphore, #tpu.memory_space<semaphore_mem>>) src(%dma_wait3A_203 : memref<384xi32, #tpu.memory_space<hbm>>) dst(%arg6 : memref<384xi32, #tpu.memory_space<vmem>>)
        tpu.yield
      }) : () -> ()
      %scan3A_22 = arith.constant 0 : i32
      %scan3A_23 = arith.constant 0 : i32
      %mul3A_24 = arith.constant 3 : i32
      %mul3A_25 = arith.muli %scan3A_23, %mul3A_24 : i32
      %mul3A_26 = arith.constant 128 : i32
      %mul3A_27 = arith.muli %mul3A_25, %mul3A_26 : i32
      %multiple_of3A = tpu.assume_multiple %mul3A_27, 128 : i32
      %add3A_28 = arith.constant 0 : i32
      %add3A_29 = arith.addi %multiple_of3A, %add3A_28 : i32
      %get3A = arith.index_cast %add3A_29 : i32 to index
      %get3A_30 = tpu.vector_load %arg6[%get3A] {strides = array<i32>} : memref<384xi32, #tpu.memory_space<vmem>>, vector<16xi32>,
      %get3A_31 = vector.shape_cast %get3A_30 : vector<16xi32> to vector<16xi32>
      %swap3A = arith.constant 0 : index
      %swap3A_32 = tpu.vector_load %arg7[%swap3A] {strides = array<i32>} : memref<128xi32, #tpu.memory_space<vmem>>, vector<16xi32>,
      %swap3A_33 = vector.shape_cast %swap3A_32 : vector<16xi32> to vector<16xi32>
      %swap3A_34 = vector.shape_cast %get3A_31 : vector<16xi32> to vector<16xi32>
      tpu.vector_store %arg7[%swap3A], %swap3A_34 {strides = array<i32>} : memref<128xi32, #tpu.memory_space<vmem>>, vector<16xi32>,
      %add3A_35 = arith.constant 128 : i32
      %add3A_36 = arith.addi %multiple_of3A, %add3A_35 : i32
      %add3A_37 = arith.constant 0 : i32
      %add3A_38 = arith.addi %add3A_36, %add3A_37 : i32
      %get3A_39 = arith.index_cast %add3A_38 : i32 to index
      %get3A_40 = tpu.vector_load %arg6[%get3A_39] {strides = array<i32>} : memref<384xi32, #tpu.memory_space<vmem>>, vector<16xi32>,
      %get3A_41 = vector.shape_cast %get3A_40 : vector<16xi32> to vector<16xi32>
      %swap3A_42 = arith.constant 0 : index
      %swap3A_43 = tpu.vector_load %arg8[%swap3A_42] {strides = array<i32>} : memref<128xi32, #tpu.memory_space<vmem>>, vector<16xi32>,
      %swap3A_44 = vector.shape_cast %swap3A_43 : vector<16xi32> to vector<16xi32>
      %swap3A_45 = vector.shape_cast %get3A_41 : vector<16xi32> to vector<16xi32>
      tpu.vector_store %arg8[%swap3A_42], %swap3A_45 {strides = array<i32>} : memref<128xi32, #tpu.memory_space<vmem>>, vector<16xi32>,
      %add3A_46 = arith.constant 16 : i32
      %add3A_47 = arith.addi %multiple_of3A, %add3A_46 : i32
      %get3A_48 = arith.index_cast %add3A_47 : i32 to index
      %get3A_49 = tpu.vector_load %arg6[%get3A_48] {strides = array<i32>} : memref<384xi32, #tpu.memory_space<vmem>>, vector<16xi32>,
      %get3A_50 = vector.shape_cast %get3A_49 : vector<16xi32> to vector<16xi32>
      %swap3A_51 = arith.constant 16 : index
      %swap3A_52 = tpu.vector_load %arg7[%swap3A_51] {strides = array<i32>} : memref<128xi32, #tpu.memory_space<vmem>>, vector<16xi32>,
      %swap3A_53 = vector.shape_cast %swap3A_52 : vector<16xi32> to vector<16xi32>
      %swap3A_54 = vector.shape_cast %get3A_50 : vector<16xi32> to vector<16xi32>
      tpu.vector_store %arg7[%swap3A_51], %swap3A_54 {strides = array<i32>} : memref<128xi32, #tpu.memory_space<vmem>>, vector<16xi32>,
      %add3A_55 = arith.constant 128 : i32
      %add3A_56 = arith.addi %multiple_of3A, %add3A_55 : i32
      %add3A_57 = arith.constant 16 : i32
      %add3A_58 = arith.addi %add3A_56, %add3A_57 : i32
      %get3A_59 = arith.index_cast %add3A_58 : i32 to index
      %get3A_60 = tpu.vector_load %arg6[%get3A_59] {strides = array<i32>} : memref<384xi32, #tpu.memory_space<vmem>>, vector<16xi32>,
      %get3A_61 = vector.shape_cast %get3A_60 : vector<16xi32> to vector<16xi32>
      %swap3A_62 = arith.constant 16 : index
      %swap3A_63 = tpu.vector_load %arg8[%swap3A_62] {strides = array<i32>} : memref<128xi32, #tpu.memory_space<vmem>>, vector<16xi32>,
      %swap3A_64 = vector.shape_cast %swap3A_63 : vector<16xi32> to vector<16xi32>
      %swap3A_65 = vector.shape_cast %get3A_61 : vector<16xi32> to vector<16xi32>
      tpu.vector_store %arg8[%swap3A_62], %swap3A_65 {strides = array<i32>} : memref<128xi32, #tpu.memory_space<vmem>>, vector<16xi32>,
      %add3A_66 = arith.constant 32 : i32
      %add3A_67 = arith.addi %multiple_of3A, %add3A_66 : i32
      %get3A_68 = arith.index_cast %add3A_67 : i32 to index
      %get3A_69 = tpu.vector_load %arg6[%get3A_68] {strides = array<i32>} : memref<384xi32, #tpu.memory_space<vmem>>, vector<16xi32>,
      %get3A_70 = vector.shape_cast %get3A_69 : vector<16xi32> to vector<16xi32>
      %swap3A_71 = arith.constant 32 : index
      %swap3A_72 = tpu.vector_load %arg7[%swap3A_71] {strides = array<i32>} : memref<128xi32, #tpu.memory_space<vmem>>, vector<16xi32>,
      %swap3A_73 = vector.shape_cast %swap3A_72 : vector<16xi32> to vector<16xi32>
      %swap3A_74 = vector.shape_cast %get3A_70 : vector<16xi32> to vector<16xi32>
      tpu.vector_store %arg7[%swap3A_71], %swap3A_74 {strides = array<i32>} : memref<128xi32, #tpu.memory_space<vmem>>, vector<16xi32>,
      %add3A_75 = arith.constant 128 : i32
      %add3A_76 = arith.addi %multiple_of3A, %add3A_75 : i32
      %add3A_77 = arith.constant 32 : i32
      %add3A_78 = arith.addi %add3A_76, %add3A_77 : i32
      %get3A_79 = arith.index_cast %add3A_78 : i32 to index
      %get3A_80 = tpu.vector_load %arg6[%get3A_79] {strides = array<i32>} : memref<384xi32, #tpu.memory_space<vmem>>, vector<16xi32>,
      %get3A_81 = vector.shape_cast %get3A_80 : vector<16xi32> to vector<16xi32>
      %swap3A_82 = arith.constant 32 : index
      %swap3A_83 = tpu.vector_load %arg8[%swap3A_82] {strides = array<i32>} : memref<128xi32, #tpu.memory_space<vmem>>, vector<16xi32>,
      %swap3A_84 = vector.shape_cast %swap3A_83 : vector<16xi32> to vector<16xi32>
      %swap3A_85 = vector.shape_cast %get3A_81 : vector<16xi32> to vector<16xi32>
      tpu.vector_store %arg8[%swap3A_82], %swap3A_85 {strides = array<i32>} : memref<128xi32, #tpu.memory_space<vmem>>, vector<16xi32>,
      %add3A_86 = arith.constant 48 : i32
      %add3A_87 = arith.addi %multiple_of3A, %add3A_86 : i32
      %get3A_88 = arith.index_cast %add3A_87 : i32 to index
      %get3A_89 = tpu.vector_load %arg6[%get3A_88] {strides = array<i32>} : memref<384xi32, #tpu.memory_space<vmem>>, vector<16xi32>,
      %get3A_90 = vector.shape_cast %get3A_89 : vector<16xi32> to vector<16xi32>
      %swap3A_91 = arith.constant 48 : index
      %swap3A_92 = tpu.vector_load %arg7[%swap3A_91] {strides = array<i32>} : memref<128xi32, #tpu.memory_space<vmem>>, vector<16xi32>,
      %swap3A_93 = vector.shape_cast %swap3A_92 : vector<16xi32> to vector<16xi32>
      %swap3A_94 = vector.shape_cast %get3A_90 : vector<16xi32> to vector<16xi32>
      tpu.vector_store %arg7[%swap3A_91], %swap3A_94 {strides = array<i32>} : memref<128xi32, #tpu.memory_space<vmem>>, vector<16xi32>,
      %add3A_95 = arith.constant 128 : i32
      %add3A_96 = arith.addi %multiple_of3A, %add3A_95 : i32
      %add3A_97 = arith.constant 48 : i32
      %add3A_98 = arith.addi %add3A_96, %add3A_97 : i32
      %get3A_99 = arith.index_cast %add3A_98 : i32 to index
      %get3A_100 = tpu.vector_load %arg6[%get3A_99] {strides = array<i32>} : memref<384xi32, #tpu.memory_space<vmem>>, vector<16xi32>,
      %get3A_101 = vector.shape_cast %get3A_100 : vector<16xi32> to vector<16xi32>
      %swap3A_102 = arith.constant 48 : index
      %swap3A_103 = tpu.vector_load %arg8[%swap3A_102] {strides = array<i32>} : memref<128xi32, #tpu.memory_space<vmem>>, vector<16xi32>,
      %swap3A_104 = vector.shape_cast %swap3A_103 : vector<16xi32> to vector<16xi32>
      %swap3A_105 = vector.shape_cast %get3A_101 : vector<16xi32> to vector<16xi32>
      tpu.vector_store %arg8[%swap3A_102], %swap3A_105 {strides = array<i32>} : memref<128xi32, #tpu.memory_space<vmem>>, vector<16xi32>,
      %add3A_106 = arith.constant 64 : i32
      %add3A_107 = arith.addi %multiple_of3A, %add3A_106 : i32
      %get3A_108 = arith.index_cast %add3A_107 : i32 to index
      %get3A_109 = tpu.vector_load %arg6[%get3A_108] {strides = array<i32>} : memref<384xi32, #tpu.memory_space<vmem>>, vector<16xi32>,
      %get3A_110 = vector.shape_cast %get3A_109 : vector<16xi32> to vector<16xi32>
      %swap3A_111 = arith.constant 64 : index
      %swap3A_112 = tpu.vector_load %arg7[%swap3A_111] {strides = array<i32>} : memref<128xi32, #tpu.memory_space<vmem>>, vector<16xi32>,
      %swap3A_113 = vector.shape_cast %swap3A_112 : vector<16xi32> to vector<16xi32>
      %swap3A_114 = vector.shape_cast %get3A_110 : vector<16xi32> to vector<16xi32>
      tpu.vector_store %arg7[%swap3A_111], %swap3A_114 {strides = array<i32>} : memref<128xi32, #tpu.memory_space<vmem>>, vector<16xi32>,
      %add3A_115 = arith.constant 128 : i32
      %add3A_116 = arith.addi %multiple_of3A, %add3A_115 : i32
      %add3A_117 = arith.constant 64 : i32
      %add3A_118 = arith.addi %add3A_116, %add3A_117 : i32
      %get3A_119 = arith.index_cast %add3A_118 : i32 to index
      %get3A_120 = tpu.vector_load %arg6[%get3A_119] {strides = array<i32>} : memref<384xi32, #tpu.memory_space<vmem>>, vector<16xi32>,
      %get3A_121 = vector.shape_cast %get3A_120 : vector<16xi32> to vector<16xi32>
      %swap3A_122 = arith.constant 64 : index
      %swap3A_123 = tpu.vector_load %arg8[%swap3A_122] {strides = array<i32>} : memref<128xi32, #tpu.memory_space<vmem>>, vector<16xi32>,
      %swap3A_124 = vector.shape_cast %swap3A_123 : vector<16xi32> to vector<16xi32>
      %swap3A_125 = vector.shape_cast %get3A_121 : vector<16xi32> to vector<16xi32>
      tpu.vector_store %arg8[%swap3A_122], %swap3A_125 {strides = array<i32>} : memref<128xi32, #tpu.memory_space<vmem>>, vector<16xi32>,
      %add3A_126 = arith.constant 80 : i32
      %add3A_127 = arith.addi %multiple_of3A, %add3A_126 : i32
      %get3A_128 = arith.index_cast %add3A_127 : i32 to index
      %get3A_129 = tpu.vector_load %arg6[%get3A_128] {strides = array<i32>} : memref<384xi32, #tpu.memory_space<vmem>>, vector<16xi32>,
      %get3A_130 = vector.shape_cast %get3A_129 : vector<16xi32> to vector<16xi32>
      %swap3A_131 = arith.constant 80 : index
      %swap3A_132 = tpu.vector_load %arg7[%swap3A_131] {strides = array<i32>} : memref<128xi32, #tpu.memory_space<vmem>>, vector<16xi32>,
      %swap3A_133 = vector.shape_cast %swap3A_132 : vector<16xi32> to vector<16xi32>
      %swap3A_134 = vector.shape_cast %get3A_130 : vector<16xi32> to vector<16xi32>
      tpu.vector_store %arg7[%swap3A_131], %swap3A_134 {strides = array<i32>} : memref<128xi32, #tpu.memory_space<vmem>>, vector<16xi32>,
      %add3A_135 = arith.constant 128 : i32
      %add3A_136 = arith.addi %multiple_of3A, %add3A_135 : i32
      %add3A_137 = arith.constant 80 : i32
      %add3A_138 = arith.addi %add3A_136, %add3A_137 : i32
      %get3A_139 = arith.index_cast %add3A_138 : i32 to index
      %get3A_140 = tpu.vector_load %arg6[%get3A_139] {strides = array<i32>} : memref<384xi32, #tpu.memory_space<vmem>>, vector<16xi32>,
      %get3A_141 = vector.shape_cast %get3A_140 : vector<16xi32> to vector<16xi32>
      %swap3A_142 = arith.constant 80 : index
      %swap3A_143 = tpu.vector_load %arg8[%swap3A_142] {strides = array<i32>} : memref<128xi32, #tpu.memory_space<vmem>>, vector<16xi32>,
      %swap3A_144 = vector.shape_cast %swap3A_143 : vector<16xi32> to vector<16xi32>
      %swap3A_145 = vector.shape_cast %get3A_141 : vector<16xi32> to vector<16xi32>
      tpu.vector_store %arg8[%swap3A_142], %swap3A_145 {strides = array<i32>} : memref<128xi32, #tpu.memory_space<vmem>>, vector<16xi32>,
      %add3A_146 = arith.constant 96 : i32
      %add3A_147 = arith.addi %multiple_of3A, %add3A_146 : i32
      %get3A_148 = arith.index_cast %add3A_147 : i32 to index
      %get3A_149 = tpu.vector_load %arg6[%get3A_148] {strides = array<i32>} : memref<384xi32, #tpu.memory_space<vmem>>, vector<16xi32>,
      %get3A_150 = vector.shape_cast %get3A_149 : vector<16xi32> to vector<16xi32>
      %swap3A_151 = arith.constant 96 : index
      %swap3A_152 = tpu.vector_load %arg7[%swap3A_151] {strides = array<i32>} : memref<128xi32, #tpu.memory_space<vmem>>, vector<16xi32>,
      %swap3A_153 = vector.shape_cast %swap3A_152 : vector<16xi32> to vector<16xi32>
      %swap3A_154 = vector.shape_cast %get3A_150 : vector<16xi32> to vector<16xi32>
      tpu.vector_store %arg7[%swap3A_151], %swap3A_154 {strides = array<i32>} : memref<128xi32, #tpu.memory_space<vmem>>, vector<16xi32>,
      %add3A_155 = arith.constant 128 : i32
      %add3A_156 = arith.addi %multiple_of3A, %add3A_155 : i32
      %add3A_157 = arith.constant 96 : i32
      %add3A_158 = arith.addi %add3A_156, %add3A_157 : i32
      %get3A_159 = arith.index_cast %add3A_158 : i32 to index
      %get3A_160 = tpu.vector_load %arg6[%get3A_159] {strides = array<i32>} : memref<384xi32, #tpu.memory_space<vmem>>, vector<16xi32>,
      %get3A_161 = vector.shape_cast %get3A_160 : vector<16xi32> to vector<16xi32>
      %swap3A_162 = arith.constant 96 : index
      %swap3A_163 = tpu.vector_load %arg8[%swap3A_162] {strides = array<i32>} : memref<128xi32, #tpu.memory_space<vmem>>, vector<16xi32>,
      %swap3A_164 = vector.shape_cast %swap3A_163 : vector<16xi32> to vector<16xi32>
      %swap3A_165 = vector.shape_cast %get3A_161 : vector<16xi32> to vector<16xi32>
      tpu.vector_store %arg8[%swap3A_162], %swap3A_165 {strides = array<i32>} : memref<128xi32, #tpu.memory_space<vmem>>, vector<16xi32>,
      %add3A_166 = arith.constant 112 : i32
      %add3A_167 = arith.addi %multiple_of3A, %add3A_166 : i32
      %get3A_168 = arith.index_cast %add3A_167 : i32 to index
      %get3A_169 = tpu.vector_load %arg6[%get3A_168] {strides = array<i32>} : memref<384xi32, #tpu.memory_space<vmem>>, vector<16xi32>,
      %get3A_170 = vector.shape_cast %get3A_169 : vector<16xi32> to vector<16xi32>
      %swap3A_171 = arith.constant 112 : index
      %swap3A_172 = tpu.vector_load %arg7[%swap3A_171] {strides = array<i32>} : memref<128xi32, #tpu.memory_space<vmem>>, vector<16xi32>,
      %swap3A_173 = vector.shape_cast %swap3A_172 : vector<16xi32> to vector<16xi32>
      %swap3A_174 = vector.shape_cast %get3A_170 : vector<16xi32> to vector<16xi32>
      tpu.vector_store %arg7[%swap3A_171], %swap3A_174 {strides = array<i32>} : memref<128xi32, #tpu.memory_space<vmem>>, vector<16xi32>,
      %add3A_175 = arith.constant 128 : i32
      %add3A_176 = arith.addi %multiple_of3A, %add3A_175 : i32
      %add3A_177 = arith.constant 112 : i32
      %add3A_178 = arith.addi %add3A_176, %add3A_177 : i32
      %get3A_179 = arith.index_cast %add3A_178 : i32 to index
      %get3A_180 = tpu.vector_load %arg6[%get3A_179] {strides = array<i32>} : memref<384xi32, #tpu.memory_space<vmem>>, vector<16xi32>,
      %get3A_181 = vector.shape_cast %get3A_180 : vector<16xi32> to vector<16xi32>
      %swap3A_182 = arith.constant 112 : index
      %swap3A_183 = tpu.vector_load %arg8[%swap3A_182] {strides = array<i32>} : memref<128xi32, #tpu.memory_space<vmem>>, vector<16xi32>,
      %swap3A_184 = vector.shape_cast %swap3A_183 : vector<16xi32> to vector<16xi32>
      %swap3A_185 = vector.shape_cast %get3A_181 : vector<16xi32> to vector<16xi32>
      tpu.vector_store %arg8[%swap3A_182], %swap3A_185 {strides = array<i32>} : memref<128xi32, #tpu.memory_space<vmem>>, vector<16xi32>,
      %dma_start3A = arith.constant 0 : i32
      %dma_start3A_186 = arith.constant 0 : i32
      %dma_start3A_187 = tpu.memref_slice %arg2[%dma_start3A, %dma_start3A_186] : memref<10000x128xf32, #tpu.memory_space<hbm>> -> memref<10000x128xf32, #tpu.memory_space<hbm>>
      tpu.enqueue_indirect_dma source(%dma_start3A_187 : memref<10000x128xf32, #tpu.memory_space<hbm>>) target(%arg9 : memref<128x128xf32, #tpu.memory_space<vmem>>) offsets(%arg7 : memref<128xi32, #tpu.memory_space<vmem>>) semaphore(%arg10 : memref<!tpu.dma_semaphore, #tpu.memory_space<semaphore_mem>>)
      %dma_wait3A = arith.constant 0 : i32
      %dma_wait3A_188 = arith.constant 0 : i32
      %dma_wait3A_189 = tpu.memref_slice %arg2[%dma_wait3A, %dma_wait3A_188] : memref<10000x128xf32, #tpu.memory_space<hbm>> -> memref<10000x128xf32, #tpu.memory_space<hbm>>
      tpu.wait_indirect_dma semaphore(%arg10 : memref<!tpu.dma_semaphore, #tpu.memory_space<semaphore_mem>>) src(%dma_wait3A_189 : memref<10000x128xf32, #tpu.memory_space<hbm>>) dst(%arg9 : memref<128x128xf32, #tpu.memory_space<vmem>>)
      %scan3A_190 = arith.constant 0 : i32
      %scan3A_191 = arith.constant 0 : i32
      %scan3A_192 = arith.constant 8 : i32
      %scan3A_193 = arith.addi %scan3A_191, %scan3A_192 : i32
      %scan3A_194 = arith.constant 1 : i32
      %scan3A_195 = scf.for %scan3A_200 = %scan3A_191 to %scan3A_193 step %scan3A_194 iter_args(%scan3A_201 = %scan3A_190) -> (i32)  : i32 {
        %add3A_202 = arith.constant 256 : i32
        %add3A_203 = arith.addi %multiple_of3A, %add3A_202 : i32
        %mul3A_204 = arith.constant 16 : i32
        %mul3A_205 = arith.muli %scan3A_200, %mul3A_204 : i32
        %add3A_206 = arith.addi %add3A_203, %mul3A_205 : i32
        %get3A_207 = arith.index_cast %add3A_206 : i32 to index
        %get3A_208 = tpu.vector_load %arg6[%get3A_207] {strides = array<i32>} : memref<384xi32, #tpu.memory_space<vmem>>, vector<16xi32>,
        %get3A_209 = vector.shape_cast %get3A_208 : vector<16xi32> to vector<16xi32>
        %slice3A = vector.extract_strided_slice %get3A_209 {offsets = [0], sizes = [1], strides = [1]} : vector<16xi32> to vector<1xi32>
        %squeeze3A = vector.extract %slice3A[0] : i32 from vector<1xi32>
        %bitcast_convert_type3A = arith.bitcast %squeeze3A : i32 to f32
        %broadcast_in_dim3A = vector.broadcast %bitcast_convert_type3A : f32 to vector<16xf32>
        %mul3A_210 = arith.constant 16 : i32
        %mul3A_211 = arith.muli %scan3A_200, %mul3A_210 : i32
        %add3A_212 = arith.constant 0 : i32
        %add3A_213 = arith.addi %mul3A_211, %add3A_212 : i32
        %get3A_214 = arith.index_cast %add3A_213 : i32 to index
        %get3A_215 = arith.constant 0 : index
        %get3A_216 = tpu.vector_load %arg9[%get3A_214, %get3A_215] {strides = array<i32>} : memref<128x128xf32, #tpu.memory_space<vmem>>, vector<1x16xf32>,
        %get3A_217 = vector.shape_cast %get3A_216 : vector<1x16xf32> to vector<16xf32>
        %mul3A_218 = arith.mulf %get3A_217, %broadcast_in_dim3A : vector<16xf32>
        %swap3A_219 = arith.index_cast %add3A_213 : i32 to index
        %swap3A_220 = arith.constant 0 : index
        %swap3A_221 = tpu.vector_load %arg9[%swap3A_219, %swap3A_220] {strides = array<i32>} : memref<128x128xf32, #tpu.memory_space<vmem>>, vector<1x16xf32>,
        %swap3A_222 = vector.shape_cast %swap3A_221 : vector<1x16xf32> to vector<16xf32>
        %swap3A_223 = vector.shape_cast %mul3A_218 : vector<16xf32> to vector<1x16xf32>
        tpu.vector_store %arg9[%swap3A_219, %swap3A_220], %swap3A_223 {strides = array<i32>} : memref<128x128xf32, #tpu.memory_space<vmem>>, vector<1x16xf32>,
        %get3A_224 = arith.index_cast %add3A_213 : i32 to index
        %get3A_225 = arith.constant 16 : index
        %get3A_226 = tpu.vector_load %arg9[%get3A_224, %get3A_225] {strides = array<i32>} : memref<128x128xf32, #tpu.memory_space<vmem>>, vector<1x16xf32>,
        %get3A_227 = vector.shape_cast %get3A_226 : vector<1x16xf32> to vector<16xf32>
        %mul3A_228 = arith.mulf %get3A_227, %broadcast_in_dim3A : vector<16xf32>
        %swap3A_229 = arith.index_cast %add3A_213 : i32 to index
        %swap3A_230 = arith.constant 16 : index
        %swap3A_231 = tpu.vector_load %arg9[%swap3A_229, %swap3A_230] {strides = array<i32>} : memref<128x128xf32, #tpu.memory_space<vmem>>, vector<1x16xf32>,
        %swap3A_232 = vector.shape_cast %swap3A_231 : vector<1x16xf32> to vector<16xf32>
        %swap3A_233 = vector.shape_cast %mul3A_228 : vector<16xf32> to vector<1x16xf32>
        tpu.vector_store %arg9[%swap3A_229, %swap3A_230], %swap3A_233 {strides = array<i32>} : memref<128x128xf32, #tpu.memory_space<vmem>>, vector<1x16xf32>,
        %get3A_234 = arith.index_cast %add3A_213 : i32 to index
        %get3A_235 = arith.constant 32 : index
        %get3A_236 = tpu.vector_load %arg9[%get3A_234, %get3A_235] {strides = array<i32>} : memref<128x128xf32, #tpu.memory_space<vmem>>, vector<1x16xf32>,
        %get3A_237 = vector.shape_cast %get3A_236 : vector<1x16xf32> to vector<16xf32>
        %mul3A_238 = arith.mulf %get3A_237, %broadcast_in_dim3A : vector<16xf32>
        %swap3A_239 = arith.index_cast %add3A_213 : i32 to index
        %swap3A_240 = arith.constant 32 : index
        %swap3A_241 = tpu.vector_load %arg9[%swap3A_239, %swap3A_240] {strides = array<i32>} : memref<128x128xf32, #tpu.memory_space<vmem>>, vector<1x16xf32>,
        %swap3A_242 = vector.shape_cast %swap3A_241 : vector<1x16xf32> to vector<16xf32>
        %swap3A_243 = vector.shape_cast %mul3A_238 : vector<16xf32> to vector<1x16xf32>
        tpu.vector_store %arg9[%swap3A_239, %swap3A_240], %swap3A_243 {strides = array<i32>} : memref<128x128xf32, #tpu.memory_space<vmem>>, vector<1x16xf32>,
        %get3A_244 = arith.index_cast %add3A_213 : i32 to index
        %get3A_245 = arith.constant 48 : index
        %get3A_246 = tpu.vector_load %arg9[%get3A_244, %get3A_245] {strides = array<i32>} : memref<128x128xf32, #tpu.memory_space<vmem>>, vector<1x16xf32>,
        %get3A_247 = vector.shape_cast %get3A_246 : vector<1x16xf32> to vector<16xf32>
        %mul3A_248 = arith.mulf %get3A_247, %broadcast_in_dim3A : vector<16xf32>
        %swap3A_249 = arith.index_cast %add3A_213 : i32 to index
        %swap3A_250 = arith.constant 48 : index
        %swap3A_251 = tpu.vector_load %arg9[%swap3A_249, %swap3A_250] {strides = array<i32>} : memref<128x128xf32, #tpu.memory_space<vmem>>, vector<1x16xf32>,
        %swap3A_252 = vector.shape_cast %swap3A_251 : vector<1x16xf32> to vector<16xf32>
        %swap3A_253 = vector.shape_cast %mul3A_248 : vector<16xf32> to vector<1x16xf32>
        tpu.vector_store %arg9[%swap3A_249, %swap3A_250], %swap3A_253 {strides = array<i32>} : memref<128x128xf32, #tpu.memory_space<vmem>>, vector<1x16xf32>,
        %get3A_254 = arith.index_cast %add3A_213 : i32 to index
        %get3A_255 = arith.constant 64 : index
        %get3A_256 = tpu.vector_load %arg9[%get3A_254, %get3A_255] {strides = array<i32>} : memref<128x128xf32, #tpu.memory_space<vmem>>, vector<1x16xf32>,
        %get3A_257 = vector.shape_cast %get3A_256 : vector<1x16xf32> to vector<16xf32>
        %mul3A_258 = arith.mulf %get3A_257, %broadcast_in_dim3A : vector<16xf32>
        %swap3A_259 = arith.index_cast %add3A_213 : i32 to index
        %swap3A_260 = arith.constant 64 : index
        %swap3A_261 = tpu.vector_load %arg9[%swap3A_259, %swap3A_260] {strides = array<i32>} : memref<128x128xf32, #tpu.memory_space<vmem>>, vector<1x16xf32>,
        %swap3A_262 = vector.shape_cast %swap3A_261 : vector<1x16xf32> to vector<16xf32>
        %swap3A_263 = vector.shape_cast %mul3A_258 : vector<16xf32> to vector<1x16xf32>
        tpu.vector_store %arg9[%swap3A_259, %swap3A_260], %swap3A_263 {strides = array<i32>} : memref<128x128xf32, #tpu.memory_space<vmem>>, vector<1x16xf32>,
        %get3A_264 = arith.index_cast %add3A_213 : i32 to index
        %get3A_265 = arith.constant 80 : index
        %get3A_266 = tpu.vector_load %arg9[%get3A_264, %get3A_265] {strides = array<i32>} : memref<128x128xf32, #tpu.memory_space<vmem>>, vector<1x16xf32>,
        %get3A_267 = vector.shape_cast %get3A_266 : vector<1x16xf32> to vector<16xf32>
        %mul3A_268 = arith.mulf %get3A_267, %broadcast_in_dim3A : vector<16xf32>
        %swap3A_269 = arith.index_cast %add3A_213 : i32 to index
        %swap3A_270 = arith.constant 80 : index
        %swap3A_271 = tpu.vector_load %arg9[%swap3A_269, %swap3A_270] {strides = array<i32>} : memref<128x128xf32, #tpu.memory_space<vmem>>, vector<1x16xf32>,
        %swap3A_272 = vector.shape_cast %swap3A_271 : vector<1x16xf32> to vector<16xf32>
        %swap3A_273 = vector.shape_cast %mul3A_268 : vector<16xf32> to vector<1x16xf32>
        tpu.vector_store %arg9[%swap3A_269, %swap3A_270], %swap3A_273 {strides = array<i32>} : memref<128x128xf32, #tpu.memory_space<vmem>>, vector<1x16xf32>,
        %get3A_274 = arith.index_cast %add3A_213 : i32 to index
        %get3A_275 = arith.constant 96 : index
        %get3A_276 = tpu.vector_load %arg9[%get3A_274, %get3A_275] {strides = array<i32>} : memref<128x128xf32, #tpu.memory_space<vmem>>, vector<1x16xf32>,
        %get3A_277 = vector.shape_cast %get3A_276 : vector<1x16xf32> to vector<16xf32>
        %mul3A_278 = arith.mulf %get3A_277, %broadcast_in_dim3A : vector<16xf32>
        %swap3A_279 = arith.index_cast %add3A_213 : i32 to index
        %swap3A_280 = arith.constant 96 : index
        %swap3A_281 = tpu.vector_load %arg9[%swap3A_279, %swap3A_280] {strides = array<i32>} : memref<128x128xf32, #tpu.memory_space<vmem>>, vector<1x16xf32>,
        %swap3A_282 = vector.shape_cast %swap3A_281 : vector<1x16xf32> to vector<16xf32>
        %swap3A_283 = vector.shape_cast %mul3A_278 : vector<16xf32> to vector<1x16xf32>
        tpu.vector_store %arg9[%swap3A_279, %swap3A_280], %swap3A_283 {strides = array<i32>} : memref<128x128xf32, #tpu.memory_space<vmem>>, vector<1x16xf32>,
        %get3A_284 = arith.index_cast %add3A_213 : i32 to index
        %get3A_285 = arith.constant 112 : index
        %get3A_286 = tpu.vector_load %arg9[%get3A_284, %get3A_285] {strides = array<i32>} : memref<128x128xf32, #tpu.memory_space<vmem>>, vector<1x16xf32>,
        %get3A_287 = vector.shape_cast %get3A_286 : vector<1x16xf32> to vector<16xf32>
        %mul3A_288 = arith.mulf %get3A_287, %broadcast_in_dim3A : vector<16xf32>
        %swap3A_289 = arith.index_cast %add3A_213 : i32 to index
        %swap3A_290 = arith.constant 112 : index
        %swap3A_291 = tpu.vector_load %arg9[%swap3A_289, %swap3A_290] {strides = array<i32>} : memref<128x128xf32, #tpu.memory_space<vmem>>, vector<1x16xf32>,
        %swap3A_292 = vector.shape_cast %swap3A_291 : vector<1x16xf32> to vector<16xf32>
        %swap3A_293 = vector.shape_cast %mul3A_288 : vector<16xf32> to vector<1x16xf32>
        tpu.vector_store %arg9[%swap3A_289, %swap3A_290], %swap3A_293 {strides = array<i32>} : memref<128x128xf32, #tpu.memory_space<vmem>>, vector<1x16xf32>,
        %slice3A_294 = vector.extract_strided_slice %get3A_209 {offsets = [1], sizes = [1], strides = [1]} : vector<16xi32> to vector<1xi32>
        %squeeze3A_295 = vector.extract %slice3A_294[0] : i32 from vector<1xi32>
        %bitcast_convert_type3A_296 = arith.bitcast %squeeze3A_295 : i32 to f32
        %broadcast_in_dim3A_297 = vector.broadcast %bitcast_convert_type3A_296 : f32 to vector<16xf32>
        %mul3A_298 = arith.constant 16 : i32
        %mul3A_299 = arith.muli %scan3A_200, %mul3A_298 : i32
        %add3A_300 = arith.constant 1 : i32
        %add3A_301 = arith.addi %mul3A_299, %add3A_300 : i32
        %get3A_302 = arith.index_cast %add3A_301 : i32 to index
        %get3A_303 = arith.constant 0 : index
        %get3A_304 = tpu.vector_load %arg9[%get3A_302, %get3A_303] {strides = array<i32>} : memref<128x128xf32, #tpu.memory_space<vmem>>, vector<1x16xf32>,
        %get3A_305 = vector.shape_cast %get3A_304 : vector<1x16xf32> to vector<16xf32>
        %mul3A_306 = arith.mulf %get3A_305, %broadcast_in_dim3A_297 : vector<16xf32>
        %swap3A_307 = arith.index_cast %add3A_301 : i32 to index
        %swap3A_308 = arith.constant 0 : index
        %swap3A_309 = tpu.vector_load %arg9[%swap3A_307, %swap3A_308] {strides = array<i32>} : memref<128x128xf32, #tpu.memory_space<vmem>>, vector<1x16xf32>,
        %swap3A_310 = vector.shape_cast %swap3A_309 : vector<1x16xf32> to vector<16xf32>
        %swap3A_311 = vector.shape_cast %mul3A_306 : vector<16xf32> to vector<1x16xf32>
        tpu.vector_store %arg9[%swap3A_307, %swap3A_308], %swap3A_311 {strides = array<i32>} : memref<128x128xf32, #tpu.memory_space<vmem>>, vector<1x16xf32>,
        %get3A_312 = arith.index_cast %add3A_301 : i32 to index
        %get3A_313 = arith.constant 16 : index
        %get3A_314 = tpu.vector_load %arg9[%get3A_312, %get3A_313] {strides = array<i32>} : memref<128x128xf32, #tpu.memory_space<vmem>>, vector<1x16xf32>,
        %get3A_315 = vector.shape_cast %get3A_314 : vector<1x16xf32> to vector<16xf32>
        %mul3A_316 = arith.mulf %get3A_315, %broadcast_in_dim3A_297 : vector<16xf32>
        %swap3A_317 = arith.index_cast %add3A_301 : i32 to index
        %swap3A_318 = arith.constant 16 : index
        %swap3A_319 = tpu.vector_load %arg9[%swap3A_317, %swap3A_318] {strides = array<i32>} : memref<128x128xf32, #tpu.memory_space<vmem>>, vector<1x16xf32>,
        %swap3A_320 = vector.shape_cast %swap3A_319 : vector<1x16xf32> to vector<16xf32>
        %swap3A_321 = vector.shape_cast %mul3A_316 : vector<16xf32> to vector<1x16xf32>
        tpu.vector_store %arg9[%swap3A_317, %swap3A_318], %swap3A_321 {strides = array<i32>} : memref<128x128xf32, #tpu.memory_space<vmem>>, vector<1x16xf32>,
        %get3A_322 = arith.index_cast %add3A_301 : i32 to index
        %get3A_323 = arith.constant 32 : index
        %get3A_324 = tpu.vector_load %arg9[%get3A_322, %get3A_323] {strides = array<i32>} : memref<128x128xf32, #tpu.memory_space<vmem>>, vector<1x16xf32>,
        %get3A_325 = vector.shape_cast %get3A_324 : vector<1x16xf32> to vector<16xf32>
        %mul3A_326 = arith.mulf %get3A_325, %broadcast_in_dim3A_297 : vector<16xf32>
        %swap3A_327 = arith.index_cast %add3A_301 : i32 to index
        %swap3A_328 = arith.constant 32 : index
        %swap3A_329 = tpu.vector_load %arg9[%swap3A_327, %swap3A_328] {strides = array<i32>} : memref<128x128xf32, #tpu.memory_space<vmem>>, vector<1x16xf32>,
        %swap3A_330 = vector.shape_cast %swap3A_329 : vector<1x16xf32> to vector<16xf32>
        %swap3A_331 = vector.shape_cast %mul3A_326 : vector<16xf32> to vector<1x16xf32>
        tpu.vector_store %arg9[%swap3A_327, %swap3A_328], %swap3A_331 {strides = array<i32>} : memref<128x128xf32, #tpu.memory_space<vmem>>, vector<1x16xf32>,
        %get3A_332 = arith.index_cast %add3A_301 : i32 to index
        %get3A_333 = arith.constant 48 : index
        %get3A_334 = tpu.vector_load %arg9[%get3A_332, %get3A_333] {strides = array<i32>} : memref<128x128xf32, #tpu.memory_space<vmem>>, vector<1x16xf32>,
        %get3A_335 = vector.shape_cast %get3A_334 : vector<1x16xf32> to vector<16xf32>
        %mul3A_336 = arith.mulf %get3A_335, %broadcast_in_dim3A_297 : vector<16xf32>
        %swap3A_337 = arith.index_cast %add3A_301 : i32 to index
        %swap3A_338 = arith.constant 48 : index
        %swap3A_339 = tpu.vector_load %arg9[%swap3A_337, %swap3A_338] {strides = array<i32>} : memref<128x128xf32, #tpu.memory_space<vmem>>, vector<1x16xf32>,
        %swap3A_340 = vector.shape_cast %swap3A_339 : vector<1x16xf32> to vector<16xf32>
        %swap3A_341 = vector.shape_cast %mul3A_336 : vector<16xf32> to vector<1x16xf32>
        tpu.vector_store %arg9[%swap3A_337, %swap3A_338], %swap3A_341 {strides = array<i32>} : memref<128x128xf32, #tpu.memory_space<vmem>>, vector<1x16xf32>,
        %get3A_342 = arith.index_cast %add3A_301 : i32 to index
        %get3A_343 = arith.constant 64 : index
        %get3A_344 = tpu.vector_load %arg9[%get3A_342, %get3A_343] {strides = array<i32>} : memref<128x128xf32, #tpu.memory_space<vmem>>, vector<1x16xf32>,
        %get3A_345 = vector.shape_cast %get3A_344 : vector<1x16xf32> to vector<16xf32>
        %mul3A_346 = arith.mulf %get3A_345, %broadcast_in_dim3A_297 : vector<16xf32>
        %swap3A_347 = arith.index_cast %add3A_301 : i32 to index
        %swap3A_348 = arith.constant 64 : index
        %swap3A_349 = tpu.vector_load %arg9[%swap3A_347, %swap3A_348] {strides = array<i32>} : memref<128x128xf32, #tpu.memory_space<vmem>>, vector<1x16xf32>,
        %swap3A_350 = vector.shape_cast %swap3A_349 : vector<1x16xf32> to vector<16xf32>
        %swap3A_351 = vector.shape_cast %mul3A_346 : vector<16xf32> to vector<1x16xf32>
        tpu.vector_store %arg9[%swap3A_347, %swap3A_348], %swap3A_351 {strides = array<i32>} : memref<128x128xf32, #tpu.memory_space<vmem>>, vector<1x16xf32>,
        %get3A_352 = arith.index_cast %add3A_301 : i32 to index
        %get3A_353 = arith.constant 80 : index
        %get3A_354 = tpu.vector_load %arg9[%get3A_352, %get3A_353] {strides = array<i32>} : memref<128x128xf32, #tpu.memory_space<vmem>>, vector<1x16xf32>,
        %get3A_355 = vector.shape_cast %get3A_354 : vector<1x16xf32> to vector<16xf32>
        %mul3A_356 = arith.mulf %get3A_355, %broadcast_in_dim3A_297 : vector<16xf32>
        %swap3A_357 = arith.index_cast %add3A_301 : i32 to index
        %swap3A_358 = arith.constant 80 : index
        %swap3A_359 = tpu.vector_load %arg9[%swap3A_357, %swap3A_358] {strides = array<i32>} : memref<128x128xf32, #tpu.memory_space<vmem>>, vector<1x16xf32>,
        %swap3A_360 = vector.shape_cast %swap3A_359 : vector<1x16xf32> to vector<16xf32>
        %swap3A_361 = vector.shape_cast %mul3A_356 : vector<16xf32> to vector<1x16xf32>
        tpu.vector_store %arg9[%swap3A_357, %swap3A_358], %swap3A_361 {strides = array<i32>} : memref<128x128xf32, #tpu.memory_space<vmem>>, vector<1x16xf32>,
        %get3A_362 = arith.index_cast %add3A_301 : i32 to index
        %get3A_363 = arith.constant 96 : index
        %get3A_364 = tpu.vector_load %arg9[%get3A_362, %get3A_363] {strides = array<i32>} : memref<128x128xf32, #tpu.memory_space<vmem>>, vector<1x16xf32>,
        %get3A_365 = vector.shape_cast %get3A_364 : vector<1x16xf32> to vector<16xf32>
        %mul3A_366 = arith.mulf %get3A_365, %broadcast_in_dim3A_297 : vector<16xf32>
        %swap3A_367 = arith.index_cast %add3A_301 : i32 to index
        %swap3A_368 = arith.constant 96 : index
        %swap3A_369 = tpu.vector_load %arg9[%swap3A_367, %swap3A_368] {strides = array<i32>} : memref<128x128xf32, #tpu.memory_space<vmem>>, vector<1x16xf32>,
        %swap3A_370 = vector.shape_cast %swap3A_369 : vector<1x16xf32> to vector<16xf32>
        %swap3A_371 = vector.shape_cast %mul3A_366 : vector<16xf32> to vector<1x16xf32>
        tpu.vector_store %arg9[%swap3A_367, %swap3A_368], %swap3A_371 {strides = array<i32>} : memref<128x128xf32, #tpu.memory_space<vmem>>, vector<1x16xf32>,
        %get3A_372 = arith.index_cast %add3A_301 : i32 to index
        %get3A_373 = arith.constant 112 : index
        %get3A_374 = tpu.vector_load %arg9[%get3A_372, %get3A_373] {strides = array<i32>} : memref<128x128xf32, #tpu.memory_space<vmem>>, vector<1x16xf32>,
        %get3A_375 = vector.shape_cast %get3A_374 : vector<1x16xf32> to vector<16xf32>
        %mul3A_376 = arith.mulf %get3A_375, %broadcast_in_dim3A_297 : vector<16xf32>
        %swap3A_377 = arith.index_cast %add3A_301 : i32 to index
        %swap3A_378 = arith.constant 112 : index
        %swap3A_379 = tpu.vector_load %arg9[%swap3A_377, %swap3A_378] {strides = array<i32>} : memref<128x128xf32, #tpu.memory_space<vmem>>, vector<1x16xf32>,
        %swap3A_380 = vector.shape_cast %swap3A_379 : vector<1x16xf32> to vector<16xf32>
        %swap3A_381 = vector.shape_cast %mul3A_376 : vector<16xf32> to vector<1x16xf32>
        tpu.vector_store %arg9[%swap3A_377, %swap3A_378], %swap3A_381 {strides = array<i32>} : memref<128x128xf32, #tpu.memory_space<vmem>>, vector<1x16xf32>,
        %slice3A_382 = vector.extract_strided_slice %get3A_209 {offsets = [2], sizes = [1], strides = [1]} : vector<16xi32> to vector<1xi32>
        %squeeze3A_383 = vector.extract %slice3A_382[0] : i32 from vector<1xi32>
        %bitcast_convert_type3A_384 = arith.bitcast %squeeze3A_383 : i32 to f32
        %broadcast_in_dim3A_385 = vector.broadcast %bitcast_convert_type3A_384 : f32 to vector<16xf32>
        %mul3A_386 = arith.constant 16 : i32
        %mul3A_387 = arith.muli %scan3A_200, %mul3A_386 : i32
        %add3A_388 = arith.constant 2 : i32
        %add3A_389 = arith.addi %mul3A_387, %add3A_388 : i32
        %get3A_390 = arith.index_cast %add3A_389 : i32 to index
        %get3A_391 = arith.constant 0 : index
        %get3A_392 = tpu.vector_load %arg9[%get3A_390, %get3A_391] {strides = array<i32>} : memref<128x128xf32, #tpu.memory_space<vmem>>, vector<1x16xf32>,
        %get3A_393 = vector.shape_cast %get3A_392 : vector<1x16xf32> to vector<16xf32>
        %mul3A_394 = arith.mulf %get3A_393, %broadcast_in_dim3A_385 : vector<16xf32>
        %swap3A_395 = arith.index_cast %add3A_389 : i32 to index
        %swap3A_396 = arith.constant 0 : index
        %swap3A_397 = tpu.vector_load %arg9[%swap3A_395, %swap3A_396] {strides = array<i32>} : memref<128x128xf32, #tpu.memory_space<vmem>>, vector<1x16xf32>,
        %swap3A_398 = vector.shape_cast %swap3A_397 : vector<1x16xf32> to vector<16xf32>
        %swap3A_399 = vector.shape_cast %mul3A_394 : vector<16xf32> to vector<1x16xf32>
        tpu.vector_store %arg9[%swap3A_395, %swap3A_396], %swap3A_399 {strides = array<i32>} : memref<128x128xf32, #tpu.memory_space<vmem>>, vector<1x16xf32>,
        %get3A_400 = arith.index_cast %add3A_389 : i32 to index
        %get3A_401 = arith.constant 16 : index
        %get3A_402 = tpu.vector_load %arg9[%get3A_400, %get3A_401] {strides = array<i32>} : memref<128x128xf32, #tpu.memory_space<vmem>>, vector<1x16xf32>,
        %get3A_403 = vector.shape_cast %get3A_402 : vector<1x16xf32> to vector<16xf32>
        %mul3A_404 = arith.mulf %get3A_403, %broadcast_in_dim3A_385 : vector<16xf32>
        %swap3A_405 = arith.index_cast %add3A_389 : i32 to index
        %swap3A_406 = arith.constant 16 : index
        %swap3A_407 = tpu.vector_load %arg9[%swap3A_405, %swap3A_406] {strides = array<i32>} : memref<128x128xf32, #tpu.memory_space<vmem>>, vector<1x16xf32>,
        %swap3A_408 = vector.shape_cast %swap3A_407 : vector<1x16xf32> to vector<16xf32>
        %swap3A_409 = vector.shape_cast %mul3A_404 : vector<16xf32> to vector<1x16xf32>
        tpu.vector_store %arg9[%swap3A_405, %swap3A_406], %swap3A_409 {strides = array<i32>} : memref<128x128xf32, #tpu.memory_space<vmem>>, vector<1x16xf32>,
        %get3A_410 = arith.index_cast %add3A_389 : i32 to index
        %get3A_411 = arith.constant 32 : index
        %get3A_412 = tpu.vector_load %arg9[%get3A_410, %get3A_411] {strides = array<i32>} : memref<128x128xf32, #tpu.memory_space<vmem>>, vector<1x16xf32>,
        %get3A_413 = vector.shape_cast %get3A_412 : vector<1x16xf32> to vector<16xf32>
        %mul3A_414 = arith.mulf %get3A_413, %broadcast_in_dim3A_385 : vector<16xf32>
        %swap3A_415 = arith.index_cast %add3A_389 : i32 to index
        %swap3A_416 = arith.constant 32 : index
        %swap3A_417 = tpu.vector_load %arg9[%swap3A_415, %swap3A_416] {strides = array<i32>} : memref<128x128xf32, #tpu.memory_space<vmem>>, vector<1x16xf32>,
        %swap3A_418 = vector.shape_cast %swap3A_417 : vector<1x16xf32> to vector<16xf32>
        %swap3A_419 = vector.shape_cast %mul3A_414 : vector<16xf32> to vector<1x16xf32>
        tpu.vector_store %arg9[%swap3A_415, %swap3A_416], %swap3A_419 {strides = array<i32>} : memref<128x128xf32, #tpu.memory_space<vmem>>, vector<1x16xf32>,
        %get3A_420 = arith.index_cast %add3A_389 : i32 to index
        %get3A_421 = arith.constant 48 : index
        %get3A_422 = tpu.vector_load %arg9[%get3A_420, %get3A_421] {strides = array<i32>} : memref<128x128xf32, #tpu.memory_space<vmem>>, vector<1x16xf32>,
        %get3A_423 = vector.shape_cast %get3A_422 : vector<1x16xf32> to vector<16xf32>
        %mul3A_424 = arith.mulf %get3A_423, %broadcast_in_dim3A_385 : vector<16xf32>
        %swap3A_425 = arith.index_cast %add3A_389 : i32 to index
        %swap3A_426 = arith.constant 48 : index
        %swap3A_427 = tpu.vector_load %arg9[%swap3A_425, %swap3A_426] {strides = array<i32>} : memref<128x128xf32, #tpu.memory_space<vmem>>, vector<1x16xf32>,
        %swap3A_428 = vector.shape_cast %swap3A_427 : vector<1x16xf32> to vector<16xf32>
        %swap3A_429 = vector.shape_cast %mul3A_424 : vector<16xf32> to vector<1x16xf32>
        tpu.vector_store %arg9[%swap3A_425, %swap3A_426], %swap3A_429 {strides = array<i32>} : memref<128x128xf32, #tpu.memory_space<vmem>>, vector<1x16xf32>,
        %get3A_430 = arith.index_cast %add3A_389 : i32 to index
        %get3A_431 = arith.constant 64 : index
        %get3A_432 = tpu.vector_load %arg9[%get3A_430, %get3A_431] {strides = array<i32>} : memref<128x128xf32, #tpu.memory_space<vmem>>, vector<1x16xf32>,
        %get3A_433 = vector.shape_cast %get3A_432 : vector<1x16xf32> to vector<16xf32>
        %mul3A_434 = arith.mulf %get3A_433, %broadcast_in_dim3A_385 : vector<16xf32>
        %swap3A_435 = arith.index_cast %add3A_389 : i32 to index
        %swap3A_436 = arith.constant 64 : index
        %swap3A_437 = tpu.vector_load %arg9[%swap3A_435, %swap3A_436] {strides = array<i32>} : memref<128x128xf32, #tpu.memory_space<vmem>>, vector<1x16xf32>,
        %swap3A_438 = vector.shape_cast %swap3A_437 : vector<1x16xf32> to vector<16xf32>
        %swap3A_439 = vector.shape_cast %mul3A_434 : vector<16xf32> to vector<1x16xf32>
        tpu.vector_store %arg9[%swap3A_435, %swap3A_436], %swap3A_439 {strides = array<i32>} : memref<128x128xf32, #tpu.memory_space<vmem>>, vector<1x16xf32>,
        %get3A_440 = arith.index_cast %add3A_389 : i32 to index
        %get3A_441 = arith.constant 80 : index
        %get3A_442 = tpu.vector_load %arg9[%get3A_440, %get3A_441] {strides = array<i32>} : memref<128x128xf32, #tpu.memory_space<vmem>>, vector<1x16xf32>,
        %get3A_443 = vector.shape_cast %get3A_442 : vector<1x16xf32> to vector<16xf32>
        %mul3A_444 = arith.mulf %get3A_443, %broadcast_in_dim3A_385 : vector<16xf32>
        %swap3A_445 = arith.index_cast %add3A_389 : i32 to index
        %swap3A_446 = arith.constant 80 : index
        %swap3A_447 = tpu.vector_load %arg9[%swap3A_445, %swap3A_446] {strides = array<i32>} : memref<128x128xf32, #tpu.memory_space<vmem>>, vector<1x16xf32>,
        %swap3A_448 = vector.shape_cast %swap3A_447 : vector<1x16xf32> to vector<16xf32>
        %swap3A_449 = vector.shape_cast %mul3A_444 : vector<16xf32> to vector<1x16xf32>
        tpu.vector_store %arg9[%swap3A_445, %swap3A_446], %swap3A_449 {strides = array<i32>} : memref<128x128xf32, #tpu.memory_space<vmem>>, vector<1x16xf32>,
        %get3A_450 = arith.index_cast %add3A_389 : i32 to index
        %get3A_451 = arith.constant 96 : index
        %get3A_452 = tpu.vector_load %arg9[%get3A_450, %get3A_451] {strides = array<i32>} : memref<128x128xf32, #tpu.memory_space<vmem>>, vector<1x16xf32>,
        %get3A_453 = vector.shape_cast %get3A_452 : vector<1x16xf32> to vector<16xf32>
        %mul3A_454 = arith.mulf %get3A_453, %broadcast_in_dim3A_385 : vector<16xf32>
        %swap3A_455 = arith.index_cast %add3A_389 : i32 to index
        %swap3A_456 = arith.constant 96 : index
        %swap3A_457 = tpu.vector_load %arg9[%swap3A_455, %swap3A_456] {strides = array<i32>} : memref<128x128xf32, #tpu.memory_space<vmem>>, vector<1x16xf32>,
        %swap3A_458 = vector.shape_cast %swap3A_457 : vector<1x16xf32> to vector<16xf32>
        %swap3A_459 = vector.shape_cast %mul3A_454 : vector<16xf32> to vector<1x16xf32>
        tpu.vector_store %arg9[%swap3A_455, %swap3A_456], %swap3A_459 {strides = array<i32>} : memref<128x128xf32, #tpu.memory_space<vmem>>, vector<1x16xf32>,
        %get3A_460 = arith.index_cast %add3A_389 : i32 to index
        %get3A_461 = arith.constant 112 : index
        %get3A_462 = tpu.vector_load %arg9[%get3A_460, %get3A_461] {strides = array<i32>} : memref<128x128xf32, #tpu.memory_space<vmem>>, vector<1x16xf32>,
        %get3A_463 = vector.shape_cast %get3A_462 : vector<1x16xf32> to vector<16xf32>
        %mul3A_464 = arith.mulf %get3A_463, %broadcast_in_dim3A_385 : vector<16xf32>
        %swap3A_465 = arith.index_cast %add3A_389 : i32 to index
        %swap3A_466 = arith.constant 112 : index
        %swap3A_467 = tpu.vector_load %arg9[%swap3A_465, %swap3A_466] {strides = array<i32>} : memref<128x128xf32, #tpu.memory_space<vmem>>, vector<1x16xf32>,
        %swap3A_468 = vector.shape_cast %swap3A_467 : vector<1x16xf32> to vector<16xf32>
        %swap3A_469 = vector.shape_cast %mul3A_464 : vector<16xf32> to vector<1x16xf32>
        tpu.vector_store %arg9[%swap3A_465, %swap3A_466], %swap3A_469 {strides = array<i32>} : memref<128x128xf32, #tpu.memory_space<vmem>>, vector<1x16xf32>,
        %slice3A_470 = vector.extract_strided_slice %get3A_209 {offsets = [3], sizes = [1], strides = [1]} : vector<16xi32> to vector<1xi32>
        %squeeze3A_471 = vector.extract %slice3A_470[0] : i32 from vector<1xi32>
        %bitcast_convert_type3A_472 = arith.bitcast %squeeze3A_471 : i32 to f32
        %broadcast_in_dim3A_473 = vector.broadcast %bitcast_convert_type3A_472 : f32 to vector<16xf32>
        %mul3A_474 = arith.constant 16 : i32
        %mul3A_475 = arith.muli %scan3A_200, %mul3A_474 : i32
        %add3A_476 = arith.constant 3 : i32
        %add3A_477 = arith.addi %mul3A_475, %add3A_476 : i32
        %get3A_478 = arith.index_cast %add3A_477 : i32 to index
        %get3A_479 = arith.constant 0 : index
        %get3A_480 = tpu.vector_load %arg9[%get3A_478, %get3A_479] {strides = array<i32>} : memref<128x128xf32, #tpu.memory_space<vmem>>, vector<1x16xf32>,
        %get3A_481 = vector.shape_cast %get3A_480 : vector<1x16xf32> to vector<16xf32>
        %mul3A_482 = arith.mulf %get3A_481, %broadcast_in_dim3A_473 : vector<16xf32>
        %swap3A_483 = arith.index_cast %add3A_477 : i32 to index
        %swap3A_484 = arith.constant 0 : index
        %swap3A_485 = tpu.vector_load %arg9[%swap3A_483, %swap3A_484] {strides = array<i32>} : memref<128x128xf32, #tpu.memory_space<vmem>>, vector<1x16xf32>,
        %swap3A_486 = vector.shape_cast %swap3A_485 : vector<1x16xf32> to vector<16xf32>
        %swap3A_487 = vector.shape_cast %mul3A_482 : vector<16xf32> to vector<1x16xf32>
        tpu.vector_store %arg9[%swap3A_483, %swap3A_484], %swap3A_487 {strides = array<i32>} : memref<128x128xf32, #tpu.memory_space<vmem>>, vector<1x16xf32>,
        %get3A_488 = arith.index_cast %add3A_477 : i32 to index
        %get3A_489 = arith.constant 16 : index
        %get3A_490 = tpu.vector_load %arg9[%get3A_488, %get3A_489] {strides = array<i32>} : memref<128x128xf32, #tpu.memory_space<vmem>>, vector<1x16xf32>,
        %get3A_491 = vector.shape_cast %get3A_490 : vector<1x16xf32> to vector<16xf32>
        %mul3A_492 = arith.mulf %get3A_491, %broadcast_in_dim3A_473 : vector<16xf32>
        %swap3A_493 = arith.index_cast %add3A_477 : i32 to index
        %swap3A_494 = arith.constant 16 : index
        %swap3A_495 = tpu.vector_load %arg9[%swap3A_493, %swap3A_494] {strides = array<i32>} : memref<128x128xf32, #tpu.memory_space<vmem>>, vector<1x16xf32>,
        %swap3A_496 = vector.shape_cast %swap3A_495 : vector<1x16xf32> to vector<16xf32>
        %swap3A_497 = vector.shape_cast %mul3A_492 : vector<16xf32> to vector<1x16xf32>
        tpu.vector_store %arg9[%swap3A_493, %swap3A_494], %swap3A_497 {strides = array<i32>} : memref<128x128xf32, #tpu.memory_space<vmem>>, vector<1x16xf32>,
        %get3A_498 = arith.index_cast %add3A_477 : i32 to index
        %get3A_499 = arith.constant 32 : index
        %get3A_500 = tpu.vector_load %arg9[%get3A_498, %get3A_499] {strides = array<i32>} : memref<128x128xf32, #tpu.memory_space<vmem>>, vector<1x16xf32>,
        %get3A_501 = vector.shape_cast %get3A_500 : vector<1x16xf32> to vector<16xf32>
        %mul3A_502 = arith.mulf %get3A_501, %broadcast_in_dim3A_473 : vector<16xf32>
        %swap3A_503 = arith.index_cast %add3A_477 : i32 to index
        %swap3A_504 = arith.constant 32 : index
        %swap3A_505 = tpu.vector_load %arg9[%swap3A_503, %swap3A_504] {strides = array<i32>} : memref<128x128xf32, #tpu.memory_space<vmem>>, vector<1x16xf32>,
        %swap3A_506 = vector.shape_cast %swap3A_505 : vector<1x16xf32> to vector<16xf32>
        %swap3A_507 = vector.shape_cast %mul3A_502 : vector<16xf32> to vector<1x16xf32>
        tpu.vector_store %arg9[%swap3A_503, %swap3A_504], %swap3A_507 {strides = array<i32>} : memref<128x128xf32, #tpu.memory_space<vmem>>, vector<1x16xf32>,
        %get3A_508 = arith.index_cast %add3A_477 : i32 to index
        %get3A_509 = arith.constant 48 : index
        %get3A_510 = tpu.vector_load %arg9[%get3A_508, %get3A_509] {strides = array<i32>} : memref<128x128xf32, #tpu.memory_space<vmem>>, vector<1x16xf32>,
        %get3A_511 = vector.shape_cast %get3A_510 : vector<1x16xf32> to vector<16xf32>
        %mul3A_512 = arith.mulf %get3A_511, %broadcast_in_dim3A_473 : vector<16xf32>
        %swap3A_513 = arith.index_cast %add3A_477 : i32 to index
        %swap3A_514 = arith.constant 48 : index
        %swap3A_515 = tpu.vector_load %arg9[%swap3A_513, %swap3A_514] {strides = array<i32>} : memref<128x128xf32, #tpu.memory_space<vmem>>, vector<1x16xf32>,
        %swap3A_516 = vector.shape_cast %swap3A_515 : vector<1x16xf32> to vector<16xf32>
        %swap3A_517 = vector.shape_cast %mul3A_512 : vector<16xf32> to vector<1x16xf32>
        tpu.vector_store %arg9[%swap3A_513, %swap3A_514], %swap3A_517 {strides = array<i32>} : memref<128x128xf32, #tpu.memory_space<vmem>>, vector<1x16xf32>,
        %get3A_518 = arith.index_cast %add3A_477 : i32 to index
        %get3A_519 = arith.constant 64 : index
        %get3A_520 = tpu.vector_load %arg9[%get3A_518, %get3A_519] {strides = array<i32>} : memref<128x128xf32, #tpu.memory_space<vmem>>, vector<1x16xf32>,
        %get3A_521 = vector.shape_cast %get3A_520 : vector<1x16xf32> to vector<16xf32>
        %mul3A_522 = arith.mulf %get3A_521, %broadcast_in_dim3A_473 : vector<16xf32>
        %swap3A_523 = arith.index_cast %add3A_477 : i32 to index
        %swap3A_524 = arith.constant 64 : index
        %swap3A_525 = tpu.vector_load %arg9[%swap3A_523, %swap3A_524] {strides = array<i32>} : memref<128x128xf32, #tpu.memory_space<vmem>>, vector<1x16xf32>,
        %swap3A_526 = vector.shape_cast %swap3A_525 : vector<1x16xf32> to vector<16xf32>
        %swap3A_527 = vector.shape_cast %mul3A_522 : vector<16xf32> to vector<1x16xf32>
        tpu.vector_store %arg9[%swap3A_523, %swap3A_524], %swap3A_527 {strides = array<i32>} : memref<128x128xf32, #tpu.memory_space<vmem>>, vector<1x16xf32>,
        %get3A_528 = arith.index_cast %add3A_477 : i32 to index
        %get3A_529 = arith.constant 80 : index
        %get3A_530 = tpu.vector_load %arg9[%get3A_528, %get3A_529] {strides = array<i32>} : memref<128x128xf32, #tpu.memory_space<vmem>>, vector<1x16xf32>,
        %get3A_531 = vector.shape_cast %get3A_530 : vector<1x16xf32> to vector<16xf32>
        %mul3A_532 = arith.mulf %get3A_531, %broadcast_in_dim3A_473 : vector<16xf32>
        %swap3A_533 = arith.index_cast %add3A_477 : i32 to index
        %swap3A_534 = arith.constant 80 : index
        %swap3A_535 = tpu.vector_load %arg9[%swap3A_533, %swap3A_534] {strides = array<i32>} : memref<128x128xf32, #tpu.memory_space<vmem>>, vector<1x16xf32>,
        %swap3A_536 = vector.shape_cast %swap3A_535 : vector<1x16xf32> to vector<16xf32>
        %swap3A_537 = vector.shape_cast %mul3A_532 : vector<16xf32> to vector<1x16xf32>
        tpu.vector_store %arg9[%swap3A_533, %swap3A_534], %swap3A_537 {strides = array<i32>} : memref<128x128xf32, #tpu.memory_space<vmem>>, vector<1x16xf32>,
        %get3A_538 = arith.index_cast %add3A_477 : i32 to index
        %get3A_539 = arith.constant 96 : index
        %get3A_540 = tpu.vector_load %arg9[%get3A_538, %get3A_539] {strides = array<i32>} : memref<128x128xf32, #tpu.memory_space<vmem>>, vector<1x16xf32>,
        %get3A_541 = vector.shape_cast %get3A_540 : vector<1x16xf32> to vector<16xf32>
        %mul3A_542 = arith.mulf %get3A_541, %broadcast_in_dim3A_473 : vector<16xf32>
        %swap3A_543 = arith.index_cast %add3A_477 : i32 to index
        %swap3A_544 = arith.constant 96 : index
        %swap3A_545 = tpu.vector_load %arg9[%swap3A_543, %swap3A_544] {strides = array<i32>} : memref<128x128xf32, #tpu.memory_space<vmem>>, vector<1x16xf32>,
        %swap3A_546 = vector.shape_cast %swap3A_545 : vector<1x16xf32> to vector<16xf32>
        %swap3A_547 = vector.shape_cast %mul3A_542 : vector<16xf32> to vector<1x16xf32>
        tpu.vector_store %arg9[%swap3A_543, %swap3A_544], %swap3A_547 {strides = array<i32>} : memref<128x128xf32, #tpu.memory_space<vmem>>, vector<1x16xf32>,
        %get3A_548 = arith.index_cast %add3A_477 : i32 to index
        %get3A_549 = arith.constant 112 : index
        %get3A_550 = tpu.vector_load %arg9[%get3A_548, %get3A_549] {strides = array<i32>} : memref<128x128xf32, #tpu.memory_space<vmem>>, vector<1x16xf32>,
        %get3A_551 = vector.shape_cast %get3A_550 : vector<1x16xf32> to vector<16xf32>
        %mul3A_552 = arith.mulf %get3A_551, %broadcast_in_dim3A_473 : vector<16xf32>
        %swap3A_553 = arith.index_cast %add3A_477 : i32 to index
        %swap3A_554 = arith.constant 112 : index
        %swap3A_555 = tpu.vector_load %arg9[%swap3A_553, %swap3A_554] {strides = array<i32>} : memref<128x128xf32, #tpu.memory_space<vmem>>, vector<1x16xf32>,
        %swap3A_556 = vector.shape_cast %swap3A_555 : vector<1x16xf32> to vector<16xf32>
        %swap3A_557 = vector.shape_cast %mul3A_552 : vector<16xf32> to vector<1x16xf32>
        tpu.vector_store %arg9[%swap3A_553, %swap3A_554], %swap3A_557 {strides = array<i32>} : memref<128x128xf32, #tpu.memory_space<vmem>>, vector<1x16xf32>,
        %slice3A_558 = vector.extract_strided_slice %get3A_209 {offsets = [4], sizes = [1], strides = [1]} : vector<16xi32> to vector<1xi32>
        %squeeze3A_559 = vector.extract %slice3A_558[0] : i32 from vector<1xi32>
        %bitcast_convert_type3A_560 = arith.bitcast %squeeze3A_559 : i32 to f32
        %broadcast_in_dim3A_561 = vector.broadcast %bitcast_convert_type3A_560 : f32 to vector<16xf32>
        %mul3A_562 = arith.constant 16 : i32
        %mul3A_563 = arith.muli %scan3A_200, %mul3A_562 : i32
        %add3A_564 = arith.constant 4 : i32
        %add3A_565 = arith.addi %mul3A_563, %add3A_564 : i32
        %get3A_566 = arith.index_cast %add3A_565 : i32 to index
        %get3A_567 = arith.constant 0 : index
        %get3A_568 = tpu.vector_load %arg9[%get3A_566, %get3A_567] {strides = array<i32>} : memref<128x128xf32, #tpu.memory_space<vmem>>, vector<1x16xf32>,
        %get3A_569 = vector.shape_cast %get3A_568 : vector<1x16xf32> to vector<16xf32>
        %mul3A_570 = arith.mulf %get3A_569, %broadcast_in_dim3A_561 : vector<16xf32>
        %swap3A_571 = arith.index_cast %add3A_565 : i32 to index
        %swap3A_572 = arith.constant 0 : index
        %swap3A_573 = tpu.vector_load %arg9[%swap3A_571, %swap3A_572] {strides = array<i32>} : memref<128x128xf32, #tpu.memory_space<vmem>>, vector<1x16xf32>,
        %swap3A_574 = vector.shape_cast %swap3A_573 : vector<1x16xf32> to vector<16xf32>
        %swap3A_575 = vector.shape_cast %mul3A_570 : vector<16xf32> to vector<1x16xf32>
        tpu.vector_store %arg9[%swap3A_571, %swap3A_572], %swap3A_575 {strides = array<i32>} : memref<128x128xf32, #tpu.memory_space<vmem>>, vector<1x16xf32>,
        %get3A_576 = arith.index_cast %add3A_565 : i32 to index
        %get3A_577 = arith.constant 16 : index
        %get3A_578 = tpu.vector_load %arg9[%get3A_576, %get3A_577] {strides = array<i32>} : memref<128x128xf32, #tpu.memory_space<vmem>>, vector<1x16xf32>,
        %get3A_579 = vector.shape_cast %get3A_578 : vector<1x16xf32> to vector<16xf32>
        %mul3A_580 = arith.mulf %get3A_579, %broadcast_in_dim3A_561 : vector<16xf32>
        %swap3A_581 = arith.index_cast %add3A_565 : i32 to index
        %swap3A_582 = arith.constant 16 : index
        %swap3A_583 = tpu.vector_load %arg9[%swap3A_581, %swap3A_582] {strides = array<i32>} : memref<128x128xf32, #tpu.memory_space<vmem>>, vector<1x16xf32>,
        %swap3A_584 = vector.shape_cast %swap3A_583 : vector<1x16xf32> to vector<16xf32>
        %swap3A_585 = vector.shape_cast %mul3A_580 : vector<16xf32> to vector<1x16xf32>
        tpu.vector_store %arg9[%swap3A_581, %swap3A_582], %swap3A_585 {strides = array<i32>} : memref<128x128xf32, #tpu.memory_space<vmem>>, vector<1x16xf32>,
        %get3A_586 = arith.index_cast %add3A_565 : i32 to index
        %get3A_587 = arith.constant 32 : index
        %get3A_588 = tpu.vector_load %arg9[%get3A_586, %get3A_587] {strides = array<i32>} : memref<128x128xf32, #tpu.memory_space<vmem>>, vector<1x16xf32>,
        %get3A_589 = vector.shape_cast %get3A_588 : vector<1x16xf32> to vector<16xf32>
        %mul3A_590 = arith.mulf %get3A_589, %broadcast_in_dim3A_561 : vector<16xf32>
        %swap3A_591 = arith.index_cast %add3A_565 : i32 to index
        %swap3A_592 = arith.constant 32 : index
        %swap3A_593 = tpu.vector_load %arg9[%swap3A_591, %swap3A_592] {strides = array<i32>} : memref<128x128xf32, #tpu.memory_space<vmem>>, vector<1x16xf32>,
        %swap3A_594 = vector.shape_cast %swap3A_593 : vector<1x16xf32> to vector<16xf32>
        %swap3A_595 = vector.shape_cast %mul3A_590 : vector<16xf32> to vector<1x16xf32>
        tpu.vector_store %arg9[%swap3A_591, %swap3A_592], %swap3A_595 {strides = array<i32>} : memref<128x128xf32, #tpu.memory_space<vmem>>, vector<1x16xf32>,
        %get3A_596 = arith.index_cast %add3A_565 : i32 to index
        %get3A_597 = arith.constant 48 : index
        %get3A_598 = tpu.vector_load %arg9[%get3A_596, %get3A_597] {strides = array<i32>} : memref<128x128xf32, #tpu.memory_space<vmem>>, vector<1x16xf32>,
        %get3A_599 = vector.shape_cast %get3A_598 : vector<1x16xf32> to vector<16xf32>
        %mul3A_600 = arith.mulf %get3A_599, %broadcast_in_dim3A_561 : vector<16xf32>
        %swap3A_601 = arith.index_cast %add3A_565 : i32 to index
        %swap3A_602 = arith.constant 48 : index
        %swap3A_603 = tpu.vector_load %arg9[%swap3A_601, %swap3A_602] {strides = array<i32>} : memref<128x128xf32, #tpu.memory_space<vmem>>, vector<1x16xf32>,
        %swap3A_604 = vector.shape_cast %swap3A_603 : vector<1x16xf32> to vector<16xf32>
        %swap3A_605 = vector.shape_cast %mul3A_600 : vector<16xf32> to vector<1x16xf32>
        tpu.vector_store %arg9[%swap3A_601, %swap3A_602], %swap3A_605 {strides = array<i32>} : memref<128x128xf32, #tpu.memory_space<vmem>>, vector<1x16xf32>,
        %get3A_606 = arith.index_cast %add3A_565 : i32 to index
        %get3A_607 = arith.constant 64 : index
        %get3A_608 = tpu.vector_load %arg9[%get3A_606, %get3A_607] {strides = array<i32>} : memref<128x128xf32, #tpu.memory_space<vmem>>, vector<1x16xf32>,
        %get3A_609 = vector.shape_cast %get3A_608 : vector<1x16xf32> to vector<16xf32>
        %mul3A_610 = arith.mulf %get3A_609, %broadcast_in_dim3A_561 : vector<16xf32>
        %swap3A_611 = arith.index_cast %add3A_565 : i32 to index
        %swap3A_612 = arith.constant 64 : index
        %swap3A_613 = tpu.vector_load %arg9[%swap3A_611, %swap3A_612] {strides = array<i32>} : memref<128x128xf32, #tpu.memory_space<vmem>>, vector<1x16xf32>,
        %swap3A_614 = vector.shape_cast %swap3A_613 : vector<1x16xf32> to vector<16xf32>
        %swap3A_615 = vector.shape_cast %mul3A_610 : vector<16xf32> to vector<1x16xf32>
        tpu.vector_store %arg9[%swap3A_611, %swap3A_612], %swap3A_615 {strides = array<i32>} : memref<128x128xf32, #tpu.memory_space<vmem>>, vector<1x16xf32>,
        %get3A_616 = arith.index_cast %add3A_565 : i32 to index
        %get3A_617 = arith.constant 80 : index
        %get3A_618 = tpu.vector_load %arg9[%get3A_616, %get3A_617] {strides = array<i32>} : memref<128x128xf32, #tpu.memory_space<vmem>>, vector<1x16xf32>,
        %get3A_619 = vector.shape_cast %get3A_618 : vector<1x16xf32> to vector<16xf32>
        %mul3A_620 = arith.mulf %get3A_619, %broadcast_in_dim3A_561 : vector<16xf32>
        %swap3A_621 = arith.index_cast %add3A_565 : i32 to index
        %swap3A_622 = arith.constant 80 : index
        %swap3A_623 = tpu.vector_load %arg9[%swap3A_621, %swap3A_622] {strides = array<i32>} : memref<128x128xf32, #tpu.memory_space<vmem>>, vector<1x16xf32>,
        %swap3A_624 = vector.shape_cast %swap3A_623 : vector<1x16xf32> to vector<16xf32>
        %swap3A_625 = vector.shape_cast %mul3A_620 : vector<16xf32> to vector<1x16xf32>
        tpu.vector_store %arg9[%swap3A_621, %swap3A_622], %swap3A_625 {strides = array<i32>} : memref<128x128xf32, #tpu.memory_space<vmem>>, vector<1x16xf32>,
        %get3A_626 = arith.index_cast %add3A_565 : i32 to index
        %get3A_627 = arith.constant 96 : index
        %get3A_628 = tpu.vector_load %arg9[%get3A_626, %get3A_627] {strides = array<i32>} : memref<128x128xf32, #tpu.memory_space<vmem>>, vector<1x16xf32>,
        %get3A_629 = vector.shape_cast %get3A_628 : vector<1x16xf32> to vector<16xf32>
        %mul3A_630 = arith.mulf %get3A_629, %broadcast_in_dim3A_561 : vector<16xf32>
        %swap3A_631 = arith.index_cast %add3A_565 : i32 to index
        %swap3A_632 = arith.constant 96 : index
        %swap3A_633 = tpu.vector_load %arg9[%swap3A_631, %swap3A_632] {strides = array<i32>} : memref<128x128xf32, #tpu.memory_space<vmem>>, vector<1x16xf32>,
        %swap3A_634 = vector.shape_cast %swap3A_633 : vector<1x16xf32> to vector<16xf32>
        %swap3A_635 = vector.shape_cast %mul3A_630 : vector<16xf32> to vector<1x16xf32>
        tpu.vector_store %arg9[%swap3A_631, %swap3A_632], %swap3A_635 {strides = array<i32>} : memref<128x128xf32, #tpu.memory_space<vmem>>, vector<1x16xf32>,
        %get3A_636 = arith.index_cast %add3A_565 : i32 to index
        %get3A_637 = arith.constant 112 : index
        %get3A_638 = tpu.vector_load %arg9[%get3A_636, %get3A_637] {strides = array<i32>} : memref<128x128xf32, #tpu.memory_space<vmem>>, vector<1x16xf32>,
        %get3A_639 = vector.shape_cast %get3A_638 : vector<1x16xf32> to vector<16xf32>
        %mul3A_640 = arith.mulf %get3A_639, %broadcast_in_dim3A_561 : vector<16xf32>
        %swap3A_641 = arith.index_cast %add3A_565 : i32 to index
        %swap3A_642 = arith.constant 112 : index
        %swap3A_643 = tpu.vector_load %arg9[%swap3A_641, %swap3A_642] {strides = array<i32>} : memref<128x128xf32, #tpu.memory_space<vmem>>, vector<1x16xf32>,
        %swap3A_644 = vector.shape_cast %swap3A_643 : vector<1x16xf32> to vector<16xf32>
        %swap3A_645 = vector.shape_cast %mul3A_640 : vector<16xf32> to vector<1x16xf32>
        tpu.vector_store %arg9[%swap3A_641, %swap3A_642], %swap3A_645 {strides = array<i32>} : memref<128x128xf32, #tpu.memory_space<vmem>>, vector<1x16xf32>,
        %slice3A_646 = vector.extract_strided_slice %get3A_209 {offsets = [5], sizes = [1], strides = [1]} : vector<16xi32> to vector<1xi32>
        %squeeze3A_647 = vector.extract %slice3A_646[0] : i32 from vector<1xi32>
        %bitcast_convert_type3A_648 = arith.bitcast %squeeze3A_647 : i32 to f32
        %broadcast_in_dim3A_649 = vector.broadcast %bitcast_convert_type3A_648 : f32 to vector<16xf32>
        %mul3A_650 = arith.constant 16 : i32
        %mul3A_651 = arith.muli %scan3A_200, %mul3A_650 : i32
        %add3A_652 = arith.constant 5 : i32
        %add3A_653 = arith.addi %mul3A_651, %add3A_652 : i32
        %get3A_654 = arith.index_cast %add3A_653 : i32 to index
        %get3A_655 = arith.constant 0 : index
        %get3A_656 = tpu.vector_load %arg9[%get3A_654, %get3A_655] {strides = array<i32>} : memref<128x128xf32, #tpu.memory_space<vmem>>, vector<1x16xf32>,
        %get3A_657 = vector.shape_cast %get3A_656 : vector<1x16xf32> to vector<16xf32>
        %mul3A_658 = arith.mulf %get3A_657, %broadcast_in_dim3A_649 : vector<16xf32>
        %swap3A_659 = arith.index_cast %add3A_653 : i32 to index
        %swap3A_660 = arith.constant 0 : index
        %swap3A_661 = tpu.vector_load %arg9[%swap3A_659, %swap3A_660] {strides = array<i32>} : memref<128x128xf32, #tpu.memory_space<vmem>>, vector<1x16xf32>,
        %swap3A_662 = vector.shape_cast %swap3A_661 : vector<1x16xf32> to vector<16xf32>
        %swap3A_663 = vector.shape_cast %mul3A_658 : vector<16xf32> to vector<1x16xf32>
        tpu.vector_store %arg9[%swap3A_659, %swap3A_660], %swap3A_663 {strides = array<i32>} : memref<128x128xf32, #tpu.memory_space<vmem>>, vector<1x16xf32>,
        %get3A_664 = arith.index_cast %add3A_653 : i32 to index
        %get3A_665 = arith.constant 16 : index
        %get3A_666 = tpu.vector_load %arg9[%get3A_664, %get3A_665] {strides = array<i32>} : memref<128x128xf32, #tpu.memory_space<vmem>>, vector<1x16xf32>,
        %get3A_667 = vector.shape_cast %get3A_666 : vector<1x16xf32> to vector<16xf32>
        %mul3A_668 = arith.mulf %get3A_667, %broadcast_in_dim3A_649 : vector<16xf32>
        %swap3A_669 = arith.index_cast %add3A_653 : i32 to index
        %swap3A_670 = arith.constant 16 : index
        %swap3A_671 = tpu.vector_load %arg9[%swap3A_669, %swap3A_670] {strides = array<i32>} : memref<128x128xf32, #tpu.memory_space<vmem>>, vector<1x16xf32>,
        %swap3A_672 = vector.shape_cast %swap3A_671 : vector<1x16xf32> to vector<16xf32>
        %swap3A_673 = vector.shape_cast %mul3A_668 : vector<16xf32> to vector<1x16xf32>
        tpu.vector_store %arg9[%swap3A_669, %swap3A_670], %swap3A_673 {strides = array<i32>} : memref<128x128xf32, #tpu.memory_space<vmem>>, vector<1x16xf32>,
        %get3A_674 = arith.index_cast %add3A_653 : i32 to index
        %get3A_675 = arith.constant 32 : index
        %get3A_676 = tpu.vector_load %arg9[%get3A_674, %get3A_675] {strides = array<i32>} : memref<128x128xf32, #tpu.memory_space<vmem>>, vector<1x16xf32>,
        %get3A_677 = vector.shape_cast %get3A_676 : vector<1x16xf32> to vector<16xf32>
        %mul3A_678 = arith.mulf %get3A_677, %broadcast_in_dim3A_649 : vector<16xf32>
        %swap3A_679 = arith.index_cast %add3A_653 : i32 to index
        %swap3A_680 = arith.constant 32 : index
        %swap3A_681 = tpu.vector_load %arg9[%swap3A_679, %swap3A_680] {strides = array<i32>} : memref<128x128xf32, #tpu.memory_space<vmem>>, vector<1x16xf32>,
        %swap3A_682 = vector.shape_cast %swap3A_681 : vector<1x16xf32> to vector<16xf32>
        %swap3A_683 = vector.shape_cast %mul3A_678 : vector<16xf32> to vector<1x16xf32>
        tpu.vector_store %arg9[%swap3A_679, %swap3A_680], %swap3A_683 {strides = array<i32>} : memref<128x128xf32, #tpu.memory_space<vmem>>, vector<1x16xf32>,
        %get3A_684 = arith.index_cast %add3A_653 : i32 to index
        %get3A_685 = arith.constant 48 : index
        %get3A_686 = tpu.vector_load %arg9[%get3A_684, %get3A_685] {strides = array<i32>} : memref<128x128xf32, #tpu.memory_space<vmem>>, vector<1x16xf32>,
        %get3A_687 = vector.shape_cast %get3A_686 : vector<1x16xf32> to vector<16xf32>
        %mul3A_688 = arith.mulf %get3A_687, %broadcast_in_dim3A_649 : vector<16xf32>
        %swap3A_689 = arith.index_cast %add3A_653 : i32 to index
        %swap3A_690 = arith.constant 48 : index
        %swap3A_691 = tpu.vector_load %arg9[%swap3A_689, %swap3A_690] {strides = array<i32>} : memref<128x128xf32, #tpu.memory_space<vmem>>, vector<1x16xf32>,
        %swap3A_692 = vector.shape_cast %swap3A_691 : vector<1x16xf32> to vector<16xf32>
        %swap3A_693 = vector.shape_cast %mul3A_688 : vector<16xf32> to vector<1x16xf32>
        tpu.vector_store %arg9[%swap3A_689, %swap3A_690], %swap3A_693 {strides = array<i32>} : memref<128x128xf32, #tpu.memory_space<vmem>>, vector<1x16xf32>,
        %get3A_694 = arith.index_cast %add3A_653 : i32 to index
        %get3A_695 = arith.constant 64 : index
        %get3A_696 = tpu.vector_load %arg9[%get3A_694, %get3A_695] {strides = array<i32>} : memref<128x128xf32, #tpu.memory_space<vmem>>, vector<1x16xf32>,
        %get3A_697 = vector.shape_cast %get3A_696 : vector<1x16xf32> to vector<16xf32>
        %mul3A_698 = arith.mulf %get3A_697, %broadcast_in_dim3A_649 : vector<16xf32>
        %swap3A_699 = arith.index_cast %add3A_653 : i32 to index
        %swap3A_700 = arith.constant 64 : index
        %swap3A_701 = tpu.vector_load %arg9[%swap3A_699, %swap3A_700] {strides = array<i32>} : memref<128x128xf32, #tpu.memory_space<vmem>>, vector<1x16xf32>,
        %swap3A_702 = vector.shape_cast %swap3A_701 : vector<1x16xf32> to vector<16xf32>
        %swap3A_703 = vector.shape_cast %mul3A_698 : vector<16xf32> to vector<1x16xf32>
        tpu.vector_store %arg9[%swap3A_699, %swap3A_700], %swap3A_703 {strides = array<i32>} : memref<128x128xf32, #tpu.memory_space<vmem>>, vector<1x16xf32>,
        %get3A_704 = arith.index_cast %add3A_653 : i32 to index
        %get3A_705 = arith.constant 80 : index
        %get3A_706 = tpu.vector_load %arg9[%get3A_704, %get3A_705] {strides = array<i32>} : memref<128x128xf32, #tpu.memory_space<vmem>>, vector<1x16xf32>,
        %get3A_707 = vector.shape_cast %get3A_706 : vector<1x16xf32> to vector<16xf32>
        %mul3A_708 = arith.mulf %get3A_707, %broadcast_in_dim3A_649 : vector<16xf32>
        %swap3A_709 = arith.index_cast %add3A_653 : i32 to index
        %swap3A_710 = arith.constant 80 : index
        %swap3A_711 = tpu.vector_load %arg9[%swap3A_709, %swap3A_710] {strides = array<i32>} : memref<128x128xf32, #tpu.memory_space<vmem>>, vector<1x16xf32>,
        %swap3A_712 = vector.shape_cast %swap3A_711 : vector<1x16xf32> to vector<16xf32>
        %swap3A_713 = vector.shape_cast %mul3A_708 : vector<16xf32> to vector<1x16xf32>
        tpu.vector_store %arg9[%swap3A_709, %swap3A_710], %swap3A_713 {strides = array<i32>} : memref<128x128xf32, #tpu.memory_space<vmem>>, vector<1x16xf32>,
        %get3A_714 = arith.index_cast %add3A_653 : i32 to index
        %get3A_715 = arith.constant 96 : index
        %get3A_716 = tpu.vector_load %arg9[%get3A_714, %get3A_715] {strides = array<i32>} : memref<128x128xf32, #tpu.memory_space<vmem>>, vector<1x16xf32>,
        %get3A_717 = vector.shape_cast %get3A_716 : vector<1x16xf32> to vector<16xf32>
        %mul3A_718 = arith.mulf %get3A_717, %broadcast_in_dim3A_649 : vector<16xf32>
        %swap3A_719 = arith.index_cast %add3A_653 : i32 to index
        %swap3A_720 = arith.constant 96 : index
        %swap3A_721 = tpu.vector_load %arg9[%swap3A_719, %swap3A_720] {strides = array<i32>} : memref<128x128xf32, #tpu.memory_space<vmem>>, vector<1x16xf32>,
        %swap3A_722 = vector.shape_cast %swap3A_721 : vector<1x16xf32> to vector<16xf32>
        %swap3A_723 = vector.shape_cast %mul3A_718 : vector<16xf32> to vector<1x16xf32>
        tpu.vector_store %arg9[%swap3A_719, %swap3A_720], %swap3A_723 {strides = array<i32>} : memref<128x128xf32, #tpu.memory_space<vmem>>, vector<1x16xf32>,
        %get3A_724 = arith.index_cast %add3A_653 : i32 to index
        %get3A_725 = arith.constant 112 : index
        %get3A_726 = tpu.vector_load %arg9[%get3A_724, %get3A_725] {strides = array<i32>} : memref<128x128xf32, #tpu.memory_space<vmem>>, vector<1x16xf32>,
        %get3A_727 = vector.shape_cast %get3A_726 : vector<1x16xf32> to vector<16xf32>
        %mul3A_728 = arith.mulf %get3A_727, %broadcast_in_dim3A_649 : vector<16xf32>
        %swap3A_729 = arith.index_cast %add3A_653 : i32 to index
        %swap3A_730 = arith.constant 112 : index
        %swap3A_731 = tpu.vector_load %arg9[%swap3A_729, %swap3A_730] {strides = array<i32>} : memref<128x128xf32, #tpu.memory_space<vmem>>, vector<1x16xf32>,
        %swap3A_732 = vector.shape_cast %swap3A_731 : vector<1x16xf32> to vector<16xf32>
        %swap3A_733 = vector.shape_cast %mul3A_728 : vector<16xf32> to vector<1x16xf32>
        tpu.vector_store %arg9[%swap3A_729, %swap3A_730], %swap3A_733 {strides = array<i32>} : memref<128x128xf32, #tpu.memory_space<vmem>>, vector<1x16xf32>,
        %slice3A_734 = vector.extract_strided_slice %get3A_209 {offsets = [6], sizes = [1], strides = [1]} : vector<16xi32> to vector<1xi32>
        %squeeze3A_735 = vector.extract %slice3A_734[0] : i32 from vector<1xi32>
        %bitcast_convert_type3A_736 = arith.bitcast %squeeze3A_735 : i32 to f32
        %broadcast_in_dim3A_737 = vector.broadcast %bitcast_convert_type3A_736 : f32 to vector<16xf32>
        %mul3A_738 = arith.constant 16 : i32
        %mul3A_739 = arith.muli %scan3A_200, %mul3A_738 : i32
        %add3A_740 = arith.constant 6 : i32
        %add3A_741 = arith.addi %mul3A_739, %add3A_740 : i32
        %get3A_742 = arith.index_cast %add3A_741 : i32 to index
        %get3A_743 = arith.constant 0 : index
        %get3A_744 = tpu.vector_load %arg9[%get3A_742, %get3A_743] {strides = array<i32>} : memref<128x128xf32, #tpu.memory_space<vmem>>, vector<1x16xf32>,
        %get3A_745 = vector.shape_cast %get3A_744 : vector<1x16xf32> to vector<16xf32>
        %mul3A_746 = arith.mulf %get3A_745, %broadcast_in_dim3A_737 : vector<16xf32>
        %swap3A_747 = arith.index_cast %add3A_741 : i32 to index
        %swap3A_748 = arith.constant 0 : index
        %swap3A_749 = tpu.vector_load %arg9[%swap3A_747, %swap3A_748] {strides = array<i32>} : memref<128x128xf32, #tpu.memory_space<vmem>>, vector<1x16xf32>,
        %swap3A_750 = vector.shape_cast %swap3A_749 : vector<1x16xf32> to vector<16xf32>
        %swap3A_751 = vector.shape_cast %mul3A_746 : vector<16xf32> to vector<1x16xf32>
        tpu.vector_store %arg9[%swap3A_747, %swap3A_748], %swap3A_751 {strides = array<i32>} : memref<128x128xf32, #tpu.memory_space<vmem>>, vector<1x16xf32>,
        %get3A_752 = arith.index_cast %add3A_741 : i32 to index
        %get3A_753 = arith.constant 16 : index
        %get3A_754 = tpu.vector_load %arg9[%get3A_752, %get3A_753] {strides = array<i32>} : memref<128x128xf32, #tpu.memory_space<vmem>>, vector<1x16xf32>,
        %get3A_755 = vector.shape_cast %get3A_754 : vector<1x16xf32> to vector<16xf32>
        %mul3A_756 = arith.mulf %get3A_755, %broadcast_in_dim3A_737 : vector<16xf32>
        %swap3A_757 = arith.index_cast %add3A_741 : i32 to index
        %swap3A_758 = arith.constant 16 : index
        %swap3A_759 = tpu.vector_load %arg9[%swap3A_757, %swap3A_758] {strides = array<i32>} : memref<128x128xf32, #tpu.memory_space<vmem>>, vector<1x16xf32>,
        %swap3A_760 = vector.shape_cast %swap3A_759 : vector<1x16xf32> to vector<16xf32>
        %swap3A_761 = vector.shape_cast %mul3A_756 : vector<16xf32> to vector<1x16xf32>
        tpu.vector_store %arg9[%swap3A_757, %swap3A_758], %swap3A_761 {strides = array<i32>} : memref<128x128xf32, #tpu.memory_space<vmem>>, vector<1x16xf32>,
        %get3A_762 = arith.index_cast %add3A_741 : i32 to index
        %get3A_763 = arith.constant 32 : index
        %get3A_764 = tpu.vector_load %arg9[%get3A_762, %get3A_763] {strides = array<i32>} : memref<128x128xf32, #tpu.memory_space<vmem>>, vector<1x16xf32>,
        %get3A_765 = vector.shape_cast %get3A_764 : vector<1x16xf32> to vector<16xf32>
        %mul3A_766 = arith.mulf %get3A_765, %broadcast_in_dim3A_737 : vector<16xf32>
        %swap3A_767 = arith.index_cast %add3A_741 : i32 to index
        %swap3A_768 = arith.constant 32 : index
        %swap3A_769 = tpu.vector_load %arg9[%swap3A_767, %swap3A_768] {strides = array<i32>} : memref<128x128xf32, #tpu.memory_space<vmem>>, vector<1x16xf32>,
        %swap3A_770 = vector.shape_cast %swap3A_769 : vector<1x16xf32> to vector<16xf32>
        %swap3A_771 = vector.shape_cast %mul3A_766 : vector<16xf32> to vector<1x16xf32>
        tpu.vector_store %arg9[%swap3A_767, %swap3A_768], %swap3A_771 {strides = array<i32>} : memref<128x128xf32, #tpu.memory_space<vmem>>, vector<1x16xf32>,
        %get3A_772 = arith.index_cast %add3A_741 : i32 to index
        %get3A_773 = arith.constant 48 : index
        %get3A_774 = tpu.vector_load %arg9[%get3A_772, %get3A_773] {strides = array<i32>} : memref<128x128xf32, #tpu.memory_space<vmem>>, vector<1x16xf32>,
        %get3A_775 = vector.shape_cast %get3A_774 : vector<1x16xf32> to vector<16xf32>
        %mul3A_776 = arith.mulf %get3A_775, %broadcast_in_dim3A_737 : vector<16xf32>
        %swap3A_777 = arith.index_cast %add3A_741 : i32 to index
        %swap3A_778 = arith.constant 48 : index
        %swap3A_779 = tpu.vector_load %arg9[%swap3A_777, %swap3A_778] {strides = array<i32>} : memref<128x128xf32, #tpu.memory_space<vmem>>, vector<1x16xf32>,
        %swap3A_780 = vector.shape_cast %swap3A_779 : vector<1x16xf32> to vector<16xf32>
        %swap3A_781 = vector.shape_cast %mul3A_776 : vector<16xf32> to vector<1x16xf32>
        tpu.vector_store %arg9[%swap3A_777, %swap3A_778], %swap3A_781 {strides = array<i32>} : memref<128x128xf32, #tpu.memory_space<vmem>>, vector<1x16xf32>,
        %get3A_782 = arith.index_cast %add3A_741 : i32 to index
        %get3A_783 = arith.constant 64 : index
        %get3A_784 = tpu.vector_load %arg9[%get3A_782, %get3A_783] {strides = array<i32>} : memref<128x128xf32, #tpu.memory_space<vmem>>, vector<1x16xf32>,
        %get3A_785 = vector.shape_cast %get3A_784 : vector<1x16xf32> to vector<16xf32>
        %mul3A_786 = arith.mulf %get3A_785, %broadcast_in_dim3A_737 : vector<16xf32>
        %swap3A_787 = arith.index_cast %add3A_741 : i32 to index
        %swap3A_788 = arith.constant 64 : index
        %swap3A_789 = tpu.vector_load %arg9[%swap3A_787, %swap3A_788] {strides = array<i32>} : memref<128x128xf32, #tpu.memory_space<vmem>>, vector<1x16xf32>,
        %swap3A_790 = vector.shape_cast %swap3A_789 : vector<1x16xf32> to vector<16xf32>
        %swap3A_791 = vector.shape_cast %mul3A_786 : vector<16xf32> to vector<1x16xf32>
        tpu.vector_store %arg9[%swap3A_787, %swap3A_788], %swap3A_791 {strides = array<i32>} : memref<128x128xf32, #tpu.memory_space<vmem>>, vector<1x16xf32>,
        %get3A_792 = arith.index_cast %add3A_741 : i32 to index
        %get3A_793 = arith.constant 80 : index
        %get3A_794 = tpu.vector_load %arg9[%get3A_792, %get3A_793] {strides = array<i32>} : memref<128x128xf32, #tpu.memory_space<vmem>>, vector<1x16xf32>,
        %get3A_795 = vector.shape_cast %get3A_794 : vector<1x16xf32> to vector<16xf32>
        %mul3A_796 = arith.mulf %get3A_795, %broadcast_in_dim3A_737 : vector<16xf32>
        %swap3A_797 = arith.index_cast %add3A_741 : i32 to index
        %swap3A_798 = arith.constant 80 : index
        %swap3A_799 = tpu.vector_load %arg9[%swap3A_797, %swap3A_798] {strides = array<i32>} : memref<128x128xf32, #tpu.memory_space<vmem>>, vector<1x16xf32>,
        %swap3A_800 = vector.shape_cast %swap3A_799 : vector<1x16xf32> to vector<16xf32>
        %swap3A_801 = vector.shape_cast %mul3A_796 : vector<16xf32> to vector<1x16xf32>
        tpu.vector_store %arg9[%swap3A_797, %swap3A_798], %swap3A_801 {strides = array<i32>} : memref<128x128xf32, #tpu.memory_space<vmem>>, vector<1x16xf32>,
        %get3A_802 = arith.index_cast %add3A_741 : i32 to index
        %get3A_803 = arith.constant 96 : index
        %get3A_804 = tpu.vector_load %arg9[%get3A_802, %get3A_803] {strides = array<i32>} : memref<128x128xf32, #tpu.memory_space<vmem>>, vector<1x16xf32>,
        %get3A_805 = vector.shape_cast %get3A_804 : vector<1x16xf32> to vector<16xf32>
        %mul3A_806 = arith.mulf %get3A_805, %broadcast_in_dim3A_737 : vector<16xf32>
        %swap3A_807 = arith.index_cast %add3A_741 : i32 to index
        %swap3A_808 = arith.constant 96 : index
        %swap3A_809 = tpu.vector_load %arg9[%swap3A_807, %swap3A_808] {strides = array<i32>} : memref<128x128xf32, #tpu.memory_space<vmem>>, vector<1x16xf32>,
        %swap3A_810 = vector.shape_cast %swap3A_809 : vector<1x16xf32> to vector<16xf32>
        %swap3A_811 = vector.shape_cast %mul3A_806 : vector<16xf32> to vector<1x16xf32>
        tpu.vector_store %arg9[%swap3A_807, %swap3A_808], %swap3A_811 {strides = array<i32>} : memref<128x128xf32, #tpu.memory_space<vmem>>, vector<1x16xf32>,
        %get3A_812 = arith.index_cast %add3A_741 : i32 to index
        %get3A_813 = arith.constant 112 : index
        %get3A_814 = tpu.vector_load %arg9[%get3A_812, %get3A_813] {strides = array<i32>} : memref<128x128xf32, #tpu.memory_space<vmem>>, vector<1x16xf32>,
        %get3A_815 = vector.shape_cast %get3A_814 : vector<1x16xf32> to vector<16xf32>
        %mul3A_816 = arith.mulf %get3A_815, %broadcast_in_dim3A_737 : vector<16xf32>
        %swap3A_817 = arith.index_cast %add3A_741 : i32 to index
        %swap3A_818 = arith.constant 112 : index
        %swap3A_819 = tpu.vector_load %arg9[%swap3A_817, %swap3A_818] {strides = array<i32>} : memref<128x128xf32, #tpu.memory_space<vmem>>, vector<1x16xf32>,
        %swap3A_820 = vector.shape_cast %swap3A_819 : vector<1x16xf32> to vector<16xf32>
        %swap3A_821 = vector.shape_cast %mul3A_816 : vector<16xf32> to vector<1x16xf32>
        tpu.vector_store %arg9[%swap3A_817, %swap3A_818], %swap3A_821 {strides = array<i32>} : memref<128x128xf32, #tpu.memory_space<vmem>>, vector<1x16xf32>,
        %slice3A_822 = vector.extract_strided_slice %get3A_209 {offsets = [7], sizes = [1], strides = [1]} : vector<16xi32> to vector<1xi32>
        %squeeze3A_823 = vector.extract %slice3A_822[0] : i32 from vector<1xi32>
        %bitcast_convert_type3A_824 = arith.bitcast %squeeze3A_823 : i32 to f32
        %broadcast_in_dim3A_825 = vector.broadcast %bitcast_convert_type3A_824 : f32 to vector<16xf32>
        %mul3A_826 = arith.constant 16 : i32
        %mul3A_827 = arith.muli %scan3A_200, %mul3A_826 : i32
        %add3A_828 = arith.constant 7 : i32
        %add3A_829 = arith.addi %mul3A_827, %add3A_828 : i32
        %get3A_830 = arith.index_cast %add3A_829 : i32 to index
        %get3A_831 = arith.constant 0 : index
        %get3A_832 = tpu.vector_load %arg9[%get3A_830, %get3A_831] {strides = array<i32>} : memref<128x128xf32, #tpu.memory_space<vmem>>, vector<1x16xf32>,
        %get3A_833 = vector.shape_cast %get3A_832 : vector<1x16xf32> to vector<16xf32>
        %mul3A_834 = arith.mulf %get3A_833, %broadcast_in_dim3A_825 : vector<16xf32>
        %swap3A_835 = arith.index_cast %add3A_829 : i32 to index
        %swap3A_836 = arith.constant 0 : index
        %swap3A_837 = tpu.vector_load %arg9[%swap3A_835, %swap3A_836] {strides = array<i32>} : memref<128x128xf32, #tpu.memory_space<vmem>>, vector<1x16xf32>,
        %swap3A_838 = vector.shape_cast %swap3A_837 : vector<1x16xf32> to vector<16xf32>
        %swap3A_839 = vector.shape_cast %mul3A_834 : vector<16xf32> to vector<1x16xf32>
        tpu.vector_store %arg9[%swap3A_835, %swap3A_836], %swap3A_839 {strides = array<i32>} : memref<128x128xf32, #tpu.memory_space<vmem>>, vector<1x16xf32>,
        %get3A_840 = arith.index_cast %add3A_829 : i32 to index
        %get3A_841 = arith.constant 16 : index
        %get3A_842 = tpu.vector_load %arg9[%get3A_840, %get3A_841] {strides = array<i32>} : memref<128x128xf32, #tpu.memory_space<vmem>>, vector<1x16xf32>,
        %get3A_843 = vector.shape_cast %get3A_842 : vector<1x16xf32> to vector<16xf32>
        %mul3A_844 = arith.mulf %get3A_843, %broadcast_in_dim3A_825 : vector<16xf32>
        %swap3A_845 = arith.index_cast %add3A_829 : i32 to index
        %swap3A_846 = arith.constant 16 : index
        %swap3A_847 = tpu.vector_load %arg9[%swap3A_845, %swap3A_846] {strides = array<i32>} : memref<128x128xf32, #tpu.memory_space<vmem>>, vector<1x16xf32>,
        %swap3A_848 = vector.shape_cast %swap3A_847 : vector<1x16xf32> to vector<16xf32>
        %swap3A_849 = vector.shape_cast %mul3A_844 : vector<16xf32> to vector<1x16xf32>
        tpu.vector_store %arg9[%swap3A_845, %swap3A_846], %swap3A_849 {strides = array<i32>} : memref<128x128xf32, #tpu.memory_space<vmem>>, vector<1x16xf32>,
        %get3A_850 = arith.index_cast %add3A_829 : i32 to index
        %get3A_851 = arith.constant 32 : index
        %get3A_852 = tpu.vector_load %arg9[%get3A_850, %get3A_851] {strides = array<i32>} : memref<128x128xf32, #tpu.memory_space<vmem>>, vector<1x16xf32>,
        %get3A_853 = vector.shape_cast %get3A_852 : vector<1x16xf32> to vector<16xf32>
        %mul3A_854 = arith.mulf %get3A_853, %broadcast_in_dim3A_825 : vector<16xf32>
        %swap3A_855 = arith.index_cast %add3A_829 : i32 to index
        %swap3A_856 = arith.constant 32 : index
        %swap3A_857 = tpu.vector_load %arg9[%swap3A_855, %swap3A_856] {strides = array<i32>} : memref<128x128xf32, #tpu.memory_space<vmem>>, vector<1x16xf32>,
        %swap3A_858 = vector.shape_cast %swap3A_857 : vector<1x16xf32> to vector<16xf32>
        %swap3A_859 = vector.shape_cast %mul3A_854 : vector<16xf32> to vector<1x16xf32>
        tpu.vector_store %arg9[%swap3A_855, %swap3A_856], %swap3A_859 {strides = array<i32>} : memref<128x128xf32, #tpu.memory_space<vmem>>, vector<1x16xf32>,
        %get3A_860 = arith.index_cast %add3A_829 : i32 to index
        %get3A_861 = arith.constant 48 : index
        %get3A_862 = tpu.vector_load %arg9[%get3A_860, %get3A_861] {strides = array<i32>} : memref<128x128xf32, #tpu.memory_space<vmem>>, vector<1x16xf32>,
        %get3A_863 = vector.shape_cast %get3A_862 : vector<1x16xf32> to vector<16xf32>
        %mul3A_864 = arith.mulf %get3A_863, %broadcast_in_dim3A_825 : vector<16xf32>
        %swap3A_865 = arith.index_cast %add3A_829 : i32 to index
        %swap3A_866 = arith.constant 48 : index
        %swap3A_867 = tpu.vector_load %arg9[%swap3A_865, %swap3A_866] {strides = array<i32>} : memref<128x128xf32, #tpu.memory_space<vmem>>, vector<1x16xf32>,
        %swap3A_868 = vector.shape_cast %swap3A_867 : vector<1x16xf32> to vector<16xf32>
        %swap3A_869 = vector.shape_cast %mul3A_864 : vector<16xf32> to vector<1x16xf32>
        tpu.vector_store %arg9[%swap3A_865, %swap3A_866], %swap3A_869 {strides = array<i32>} : memref<128x128xf32, #tpu.memory_space<vmem>>, vector<1x16xf32>,
        %get3A_870 = arith.index_cast %add3A_829 : i32 to index
        %get3A_871 = arith.constant 64 : index
        %get3A_872 = tpu.vector_load %arg9[%get3A_870, %get3A_871] {strides = array<i32>} : memref<128x128xf32, #tpu.memory_space<vmem>>, vector<1x16xf32>,
        %get3A_873 = vector.shape_cast %get3A_872 : vector<1x16xf32> to vector<16xf32>
        %mul3A_874 = arith.mulf %get3A_873, %broadcast_in_dim3A_825 : vector<16xf32>
        %swap3A_875 = arith.index_cast %add3A_829 : i32 to index
        %swap3A_876 = arith.constant 64 : index
        %swap3A_877 = tpu.vector_load %arg9[%swap3A_875, %swap3A_876] {strides = array<i32>} : memref<128x128xf32, #tpu.memory_space<vmem>>, vector<1x16xf32>,
        %swap3A_878 = vector.shape_cast %swap3A_877 : vector<1x16xf32> to vector<16xf32>
        %swap3A_879 = vector.shape_cast %mul3A_874 : vector<16xf32> to vector<1x16xf32>
        tpu.vector_store %arg9[%swap3A_875, %swap3A_876], %swap3A_879 {strides = array<i32>} : memref<128x128xf32, #tpu.memory_space<vmem>>, vector<1x16xf32>,
        %get3A_880 = arith.index_cast %add3A_829 : i32 to index
        %get3A_881 = arith.constant 80 : index
        %get3A_882 = tpu.vector_load %arg9[%get3A_880, %get3A_881] {strides = array<i32>} : memref<128x128xf32, #tpu.memory_space<vmem>>, vector<1x16xf32>,
        %get3A_883 = vector.shape_cast %get3A_882 : vector<1x16xf32> to vector<16xf32>
        %mul3A_884 = arith.mulf %get3A_883, %broadcast_in_dim3A_825 : vector<16xf32>
        %swap3A_885 = arith.index_cast %add3A_829 : i32 to index
        %swap3A_886 = arith.constant 80 : index
        %swap3A_887 = tpu.vector_load %arg9[%swap3A_885, %swap3A_886] {strides = array<i32>} : memref<128x128xf32, #tpu.memory_space<vmem>>, vector<1x16xf32>,
        %swap3A_888 = vector.shape_cast %swap3A_887 : vector<1x16xf32> to vector<16xf32>
        %swap3A_889 = vector.shape_cast %mul3A_884 : vector<16xf32> to vector<1x16xf32>
        tpu.vector_store %arg9[%swap3A_885, %swap3A_886], %swap3A_889 {strides = array<i32>} : memref<128x128xf32, #tpu.memory_space<vmem>>, vector<1x16xf32>,
        %get3A_890 = arith.index_cast %add3A_829 : i32 to index
        %get3A_891 = arith.constant 96 : index
        %get3A_892 = tpu.vector_load %arg9[%get3A_890, %get3A_891] {strides = array<i32>} : memref<128x128xf32, #tpu.memory_space<vmem>>, vector<1x16xf32>,
        %get3A_893 = vector.shape_cast %get3A_892 : vector<1x16xf32> to vector<16xf32>
        %mul3A_894 = arith.mulf %get3A_893, %broadcast_in_dim3A_825 : vector<16xf32>
        %swap3A_895 = arith.index_cast %add3A_829 : i32 to index
        %swap3A_896 = arith.constant 96 : index
        %swap3A_897 = tpu.vector_load %arg9[%swap3A_895, %swap3A_896] {strides = array<i32>} : memref<128x128xf32, #tpu.memory_space<vmem>>, vector<1x16xf32>,
        %swap3A_898 = vector.shape_cast %swap3A_897 : vector<1x16xf32> to vector<16xf32>
        %swap3A_899 = vector.shape_cast %mul3A_894 : vector<16xf32> to vector<1x16xf32>
        tpu.vector_store %arg9[%swap3A_895, %swap3A_896], %swap3A_899 {strides = array<i32>} : memref<128x128xf32, #tpu.memory_space<vmem>>, vector<1x16xf32>,
        %get3A_900 = arith.index_cast %add3A_829 : i32 to index
        %get3A_901 = arith.constant 112 : index
        %get3A_902 = tpu.vector_load %arg9[%get3A_900, %get3A_901] {strides = array<i32>} : memref<128x128xf32, #tpu.memory_space<vmem>>, vector<1x16xf32>,
        %get3A_903 = vector.shape_cast %get3A_902 : vector<1x16xf32> to vector<16xf32>
        %mul3A_904 = arith.mulf %get3A_903, %broadcast_in_dim3A_825 : vector<16xf32>
        %swap3A_905 = arith.index_cast %add3A_829 : i32 to index
        %swap3A_906 = arith.constant 112 : index
        %swap3A_907 = tpu.vector_load %arg9[%swap3A_905, %swap3A_906] {strides = array<i32>} : memref<128x128xf32, #tpu.memory_space<vmem>>, vector<1x16xf32>,
        %swap3A_908 = vector.shape_cast %swap3A_907 : vector<1x16xf32> to vector<16xf32>
        %swap3A_909 = vector.shape_cast %mul3A_904 : vector<16xf32> to vector<1x16xf32>
        tpu.vector_store %arg9[%swap3A_905, %swap3A_906], %swap3A_909 {strides = array<i32>} : memref<128x128xf32, #tpu.memory_space<vmem>>, vector<1x16xf32>,
        %slice3A_910 = vector.extract_strided_slice %get3A_209 {offsets = [8], sizes = [1], strides = [1]} : vector<16xi32> to vector<1xi32>
        %squeeze3A_911 = vector.extract %slice3A_910[0] : i32 from vector<1xi32>
        %bitcast_convert_type3A_912 = arith.bitcast %squeeze3A_911 : i32 to f32
        %broadcast_in_dim3A_913 = vector.broadcast %bitcast_convert_type3A_912 : f32 to vector<16xf32>
        %mul3A_914 = arith.constant 16 : i32
        %mul3A_915 = arith.muli %scan3A_200, %mul3A_914 : i32
        %add3A_916 = arith.constant 8 : i32
        %add3A_917 = arith.addi %mul3A_915, %add3A_916 : i32
        %get3A_918 = arith.index_cast %add3A_917 : i32 to index
        %get3A_919 = arith.constant 0 : index
        %get3A_920 = tpu.vector_load %arg9[%get3A_918, %get3A_919] {strides = array<i32>} : memref<128x128xf32, #tpu.memory_space<vmem>>, vector<1x16xf32>,
        %get3A_921 = vector.shape_cast %get3A_920 : vector<1x16xf32> to vector<16xf32>
        %mul3A_922 = arith.mulf %get3A_921, %broadcast_in_dim3A_913 : vector<16xf32>
        %swap3A_923 = arith.index_cast %add3A_917 : i32 to index
        %swap3A_924 = arith.constant 0 : index
        %swap3A_925 = tpu.vector_load %arg9[%swap3A_923, %swap3A_924] {strides = array<i32>} : memref<128x128xf32, #tpu.memory_space<vmem>>, vector<1x16xf32>,
        %swap3A_926 = vector.shape_cast %swap3A_925 : vector<1x16xf32> to vector<16xf32>
        %swap3A_927 = vector.shape_cast %mul3A_922 : vector<16xf32> to vector<1x16xf32>
        tpu.vector_store %arg9[%swap3A_923, %swap3A_924], %swap3A_927 {strides = array<i32>} : memref<128x128xf32, #tpu.memory_space<vmem>>, vector<1x16xf32>,
        %get3A_928 = arith.index_cast %add3A_917 : i32 to index
        %get3A_929 = arith.constant 16 : index
        %get3A_930 = tpu.vector_load %arg9[%get3A_928, %get3A_929] {strides = array<i32>} : memref<128x128xf32, #tpu.memory_space<vmem>>, vector<1x16xf32>,
        %get3A_931 = vector.shape_cast %get3A_930 : vector<1x16xf32> to vector<16xf32>
        %mul3A_932 = arith.mulf %get3A_931, %broadcast_in_dim3A_913 : vector<16xf32>
        %swap3A_933 = arith.index_cast %add3A_917 : i32 to index
        %swap3A_934 = arith.constant 16 : index
        %swap3A_935 = tpu.vector_load %arg9[%swap3A_933, %swap3A_934] {strides = array<i32>} : memref<128x128xf32, #tpu.memory_space<vmem>>, vector<1x16xf32>,
        %swap3A_936 = vector.shape_cast %swap3A_935 : vector<1x16xf32> to vector<16xf32>
        %swap3A_937 = vector.shape_cast %mul3A_932 : vector<16xf32> to vector<1x16xf32>
        tpu.vector_store %arg9[%swap3A_933, %swap3A_934], %swap3A_937 {strides = array<i32>} : memref<128x128xf32, #tpu.memory_space<vmem>>, vector<1x16xf32>,
        %get3A_938 = arith.index_cast %add3A_917 : i32 to index
        %get3A_939 = arith.constant 32 : index
        %get3A_940 = tpu.vector_load %arg9[%get3A_938, %get3A_939] {strides = array<i32>} : memref<128x128xf32, #tpu.memory_space<vmem>>, vector<1x16xf32>,
        %get3A_941 = vector.shape_cast %get3A_940 : vector<1x16xf32> to vector<16xf32>
        %mul3A_942 = arith.mulf %get3A_941, %broadcast_in_dim3A_913 : vector<16xf32>
        %swap3A_943 = arith.index_cast %add3A_917 : i32 to index
        %swap3A_944 = arith.constant 32 : index
        %swap3A_945 = tpu.vector_load %arg9[%swap3A_943, %swap3A_944] {strides = array<i32>} : memref<128x128xf32, #tpu.memory_space<vmem>>, vector<1x16xf32>,
        %swap3A_946 = vector.shape_cast %swap3A_945 : vector<1x16xf32> to vector<16xf32>
        %swap3A_947 = vector.shape_cast %mul3A_942 : vector<16xf32> to vector<1x16xf32>
        tpu.vector_store %arg9[%swap3A_943, %swap3A_944], %swap3A_947 {strides = array<i32>} : memref<128x128xf32, #tpu.memory_space<vmem>>, vector<1x16xf32>,
        %get3A_948 = arith.index_cast %add3A_917 : i32 to index
        %get3A_949 = arith.constant 48 : index
        %get3A_950 = tpu.vector_load %arg9[%get3A_948, %get3A_949] {strides = array<i32>} : memref<128x128xf32, #tpu.memory_space<vmem>>, vector<1x16xf32>,
        %get3A_951 = vector.shape_cast %get3A_950 : vector<1x16xf32> to vector<16xf32>
        %mul3A_952 = arith.mulf %get3A_951, %broadcast_in_dim3A_913 : vector<16xf32>
        %swap3A_953 = arith.index_cast %add3A_917 : i32 to index
        %swap3A_954 = arith.constant 48 : index
        %swap3A_955 = tpu.vector_load %arg9[%swap3A_953, %swap3A_954] {strides = array<i32>} : memref<128x128xf32, #tpu.memory_space<vmem>>, vector<1x16xf32>,
        %swap3A_956 = vector.shape_cast %swap3A_955 : vector<1x16xf32> to vector<16xf32>
        %swap3A_957 = vector.shape_cast %mul3A_952 : vector<16xf32> to vector<1x16xf32>
        tpu.vector_store %arg9[%swap3A_953, %swap3A_954], %swap3A_957 {strides = array<i32>} : memref<128x128xf32, #tpu.memory_space<vmem>>, vector<1x16xf32>,
        %get3A_958 = arith.index_cast %add3A_917 : i32 to index
        %get3A_959 = arith.constant 64 : index
        %get3A_960 = tpu.vector_load %arg9[%get3A_958, %get3A_959] {strides = array<i32>} : memref<128x128xf32, #tpu.memory_space<vmem>>, vector<1x16xf32>,
        %get3A_961 = vector.shape_cast %get3A_960 : vector<1x16xf32> to vector<16xf32>
        %mul3A_962 = arith.mulf %get3A_961, %broadcast_in_dim3A_913 : vector<16xf32>
        %swap3A_963 = arith.index_cast %add3A_917 : i32 to index
        %swap3A_964 = arith.constant 64 : index
        %swap3A_965 = tpu.vector_load %arg9[%swap3A_963, %swap3A_964] {strides = array<i32>} : memref<128x128xf32, #tpu.memory_space<vmem>>, vector<1x16xf32>,
        %swap3A_966 = vector.shape_cast %swap3A_965 : vector<1x16xf32> to vector<16xf32>
        %swap3A_967 = vector.shape_cast %mul3A_962 : vector<16xf32> to vector<1x16xf32>
        tpu.vector_store %arg9[%swap3A_963, %swap3A_964], %swap3A_967 {strides = array<i32>} : memref<128x128xf32, #tpu.memory_space<vmem>>, vector<1x16xf32>,
        %get3A_968 = arith.index_cast %add3A_917 : i32 to index
        %get3A_969 = arith.constant 80 : index
        %get3A_970 = tpu.vector_load %arg9[%get3A_968, %get3A_969] {strides = array<i32>} : memref<128x128xf32, #tpu.memory_space<vmem>>, vector<1x16xf32>,
        %get3A_971 = vector.shape_cast %get3A_970 : vector<1x16xf32> to vector<16xf32>
        %mul3A_972 = arith.mulf %get3A_971, %broadcast_in_dim3A_913 : vector<16xf32>
        %swap3A_973 = arith.index_cast %add3A_917 : i32 to index
        %swap3A_974 = arith.constant 80 : index
        %swap3A_975 = tpu.vector_load %arg9[%swap3A_973, %swap3A_974] {strides = array<i32>} : memref<128x128xf32, #tpu.memory_space<vmem>>, vector<1x16xf32>,
        %swap3A_976 = vector.shape_cast %swap3A_975 : vector<1x16xf32> to vector<16xf32>
        %swap3A_977 = vector.shape_cast %mul3A_972 : vector<16xf32> to vector<1x16xf32>
        tpu.vector_store %arg9[%swap3A_973, %swap3A_974], %swap3A_977 {strides = array<i32>} : memref<128x128xf32, #tpu.memory_space<vmem>>, vector<1x16xf32>,
        %get3A_978 = arith.index_cast %add3A_917 : i32 to index
        %get3A_979 = arith.constant 96 : index
        %get3A_980 = tpu.vector_load %arg9[%get3A_978, %get3A_979] {strides = array<i32>} : memref<128x128xf32, #tpu.memory_space<vmem>>, vector<1x16xf32>,
        %get3A_981 = vector.shape_cast %get3A_980 : vector<1x16xf32> to vector<16xf32>
        %mul3A_982 = arith.mulf %get3A_981, %broadcast_in_dim3A_913 : vector<16xf32>
        %swap3A_983 = arith.index_cast %add3A_917 : i32 to index
        %swap3A_984 = arith.constant 96 : index
        %swap3A_985 = tpu.vector_load %arg9[%swap3A_983, %swap3A_984] {strides = array<i32>} : memref<128x128xf32, #tpu.memory_space<vmem>>, vector<1x16xf32>,
        %swap3A_986 = vector.shape_cast %swap3A_985 : vector<1x16xf32> to vector<16xf32>
        %swap3A_987 = vector.shape_cast %mul3A_982 : vector<16xf32> to vector<1x16xf32>
        tpu.vector_store %arg9[%swap3A_983, %swap3A_984], %swap3A_987 {strides = array<i32>} : memref<128x128xf32, #tpu.memory_space<vmem>>, vector<1x16xf32>,
        %get3A_988 = arith.index_cast %add3A_917 : i32 to index
        %get3A_989 = arith.constant 112 : index
        %get3A_990 = tpu.vector_load %arg9[%get3A_988, %get3A_989] {strides = array<i32>} : memref<128x128xf32, #tpu.memory_space<vmem>>, vector<1x16xf32>,
        %get3A_991 = vector.shape_cast %get3A_990 : vector<1x16xf32> to vector<16xf32>
        %mul3A_992 = arith.mulf %get3A_991, %broadcast_in_dim3A_913 : vector<16xf32>
        %swap3A_993 = arith.index_cast %add3A_917 : i32 to index
        %swap3A_994 = arith.constant 112 : index
        %swap3A_995 = tpu.vector_load %arg9[%swap3A_993, %swap3A_994] {strides = array<i32>} : memref<128x128xf32, #tpu.memory_space<vmem>>, vector<1x16xf32>,
        %swap3A_996 = vector.shape_cast %swap3A_995 : vector<1x16xf32> to vector<16xf32>
        %swap3A_997 = vector.shape_cast %mul3A_992 : vector<16xf32> to vector<1x16xf32>
        tpu.vector_store %arg9[%swap3A_993, %swap3A_994], %swap3A_997 {strides = array<i32>} : memref<128x128xf32, #tpu.memory_space<vmem>>, vector<1x16xf32>,
        %slice3A_998 = vector.extract_strided_slice %get3A_209 {offsets = [9], sizes = [1], strides = [1]} : vector<16xi32> to vector<1xi32>
        %squeeze3A_999 = vector.extract %slice3A_998[0] : i32 from vector<1xi32>
        %bitcast_convert_type3A_1000 = arith.bitcast %squeeze3A_999 : i32 to f32
        %broadcast_in_dim3A_1001 = vector.broadcast %bitcast_convert_type3A_1000 : f32 to vector<16xf32>
        %mul3A_1002 = arith.constant 16 : i32
        %mul3A_1003 = arith.muli %scan3A_200, %mul3A_1002 : i32
        %add3A_1004 = arith.constant 9 : i32
        %add3A_1005 = arith.addi %mul3A_1003, %add3A_1004 : i32
        %get3A_1006 = arith.index_cast %add3A_1005 : i32 to index
        %get3A_1007 = arith.constant 0 : index
        %get3A_1008 = tpu.vector_load %arg9[%get3A_1006, %get3A_1007] {strides = array<i32>} : memref<128x128xf32, #tpu.memory_space<vmem>>, vector<1x16xf32>,
        %get3A_1009 = vector.shape_cast %get3A_1008 : vector<1x16xf32> to vector<16xf32>
        %mul3A_1010 = arith.mulf %get3A_1009, %broadcast_in_dim3A_1001 : vector<16xf32>
        %swap3A_1011 = arith.index_cast %add3A_1005 : i32 to index
        %swap3A_1012 = arith.constant 0 : index
        %swap3A_1013 = tpu.vector_load %arg9[%swap3A_1011, %swap3A_1012] {strides = array<i32>} : memref<128x128xf32, #tpu.memory_space<vmem>>, vector<1x16xf32>,
        %swap3A_1014 = vector.shape_cast %swap3A_1013 : vector<1x16xf32> to vector<16xf32>
        %swap3A_1015 = vector.shape_cast %mul3A_1010 : vector<16xf32> to vector<1x16xf32>
        tpu.vector_store %arg9[%swap3A_1011, %swap3A_1012], %swap3A_1015 {strides = array<i32>} : memref<128x128xf32, #tpu.memory_space<vmem>>, vector<1x16xf32>,
        %get3A_1016 = arith.index_cast %add3A_1005 : i32 to index
        %get3A_1017 = arith.constant 16 : index
        %get3A_1018 = tpu.vector_load %arg9[%get3A_1016, %get3A_1017] {strides = array<i32>} : memref<128x128xf32, #tpu.memory_space<vmem>>, vector<1x16xf32>,
        %get3A_1019 = vector.shape_cast %get3A_1018 : vector<1x16xf32> to vector<16xf32>
        %mul3A_1020 = arith.mulf %get3A_1019, %broadcast_in_dim3A_1001 : vector<16xf32>
        %swap3A_1021 = arith.index_cast %add3A_1005 : i32 to index
        %swap3A_1022 = arith.constant 16 : index
        %swap3A_1023 = tpu.vector_load %arg9[%swap3A_1021, %swap3A_1022] {strides = array<i32>} : memref<128x128xf32, #tpu.memory_space<vmem>>, vector<1x16xf32>,
        %swap3A_1024 = vector.shape_cast %swap3A_1023 : vector<1x16xf32> to vector<16xf32>
        %swap3A_1025 = vector.shape_cast %mul3A_1020 : vector<16xf32> to vector<1x16xf32>
        tpu.vector_store %arg9[%swap3A_1021, %swap3A_1022], %swap3A_1025 {strides = array<i32>} : memref<128x128xf32, #tpu.memory_space<vmem>>, vector<1x16xf32>,
        %get3A_1026 = arith.index_cast %add3A_1005 : i32 to index
        %get3A_1027 = arith.constant 32 : index
        %get3A_1028 = tpu.vector_load %arg9[%get3A_1026, %get3A_1027] {strides = array<i32>} : memref<128x128xf32, #tpu.memory_space<vmem>>, vector<1x16xf32>,
        %get3A_1029 = vector.shape_cast %get3A_1028 : vector<1x16xf32> to vector<16xf32>
        %mul3A_1030 = arith.mulf %get3A_1029, %broadcast_in_dim3A_1001 : vector<16xf32>
        %swap3A_1031 = arith.index_cast %add3A_1005 : i32 to index
        %swap3A_1032 = arith.constant 32 : index
        %swap3A_1033 = tpu.vector_load %arg9[%swap3A_1031, %swap3A_1032] {strides = array<i32>} : memref<128x128xf32, #tpu.memory_space<vmem>>, vector<1x16xf32>,
        %swap3A_1034 = vector.shape_cast %swap3A_1033 : vector<1x16xf32> to vector<16xf32>
        %swap3A_1035 = vector.shape_cast %mul3A_1030 : vector<16xf32> to vector<1x16xf32>
        tpu.vector_store %arg9[%swap3A_1031, %swap3A_1032], %swap3A_1035 {strides = array<i32>} : memref<128x128xf32, #tpu.memory_space<vmem>>, vector<1x16xf32>,
        %get3A_1036 = arith.index_cast %add3A_1005 : i32 to index
        %get3A_1037 = arith.constant 48 : index
        %get3A_1038 = tpu.vector_load %arg9[%get3A_1036, %get3A_1037] {strides = array<i32>} : memref<128x128xf32, #tpu.memory_space<vmem>>, vector<1x16xf32>,
        %get3A_1039 = vector.shape_cast %get3A_1038 : vector<1x16xf32> to vector<16xf32>
        %mul3A_1040 = arith.mulf %get3A_1039, %broadcast_in_dim3A_1001 : vector<16xf32>
        %swap3A_1041 = arith.index_cast %add3A_1005 : i32 to index
        %swap3A_1042 = arith.constant 48 : index
        %swap3A_1043 = tpu.vector_load %arg9[%swap3A_1041, %swap3A_1042] {strides = array<i32>} : memref<128x128xf32, #tpu.memory_space<vmem>>, vector<1x16xf32>,
        %swap3A_1044 = vector.shape_cast %swap3A_1043 : vector<1x16xf32> to vector<16xf32>
        %swap3A_1045 = vector.shape_cast %mul3A_1040 : vector<16xf32> to vector<1x16xf32>
        tpu.vector_store %arg9[%swap3A_1041, %swap3A_1042], %swap3A_1045 {strides = array<i32>} : memref<128x128xf32, #tpu.memory_space<vmem>>, vector<1x16xf32>,
        %get3A_1046 = arith.index_cast %add3A_1005 : i32 to index
        %get3A_1047 = arith.constant 64 : index
        %get3A_1048 = tpu.vector_load %arg9[%get3A_1046, %get3A_1047] {strides = array<i32>} : memref<128x128xf32, #tpu.memory_space<vmem>>, vector<1x16xf32>,
        %get3A_1049 = vector.shape_cast %get3A_1048 : vector<1x16xf32> to vector<16xf32>
        %mul3A_1050 = arith.mulf %get3A_1049, %broadcast_in_dim3A_1001 : vector<16xf32>
        %swap3A_1051 = arith.index_cast %add3A_1005 : i32 to index
        %swap3A_1052 = arith.constant 64 : index
        %swap3A_1053 = tpu.vector_load %arg9[%swap3A_1051, %swap3A_1052] {strides = array<i32>} : memref<128x128xf32, #tpu.memory_space<vmem>>, vector<1x16xf32>,
        %swap3A_1054 = vector.shape_cast %swap3A_1053 : vector<1x16xf32> to vector<16xf32>
        %swap3A_1055 = vector.shape_cast %mul3A_1050 : vector<16xf32> to vector<1x16xf32>
        tpu.vector_store %arg9[%swap3A_1051, %swap3A_1052], %swap3A_1055 {strides = array<i32>} : memref<128x128xf32, #tpu.memory_space<vmem>>, vector<1x16xf32>,
        %get3A_1056 = arith.index_cast %add3A_1005 : i32 to index
        %get3A_1057 = arith.constant 80 : index
        %get3A_1058 = tpu.vector_load %arg9[%get3A_1056, %get3A_1057] {strides = array<i32>} : memref<128x128xf32, #tpu.memory_space<vmem>>, vector<1x16xf32>,
        %get3A_1059 = vector.shape_cast %get3A_1058 : vector<1x16xf32> to vector<16xf32>
        %mul3A_1060 = arith.mulf %get3A_1059, %broadcast_in_dim3A_1001 : vector<16xf32>
        %swap3A_1061 = arith.index_cast %add3A_1005 : i32 to index
        %swap3A_1062 = arith.constant 80 : index
        %swap3A_1063 = tpu.vector_load %arg9[%swap3A_1061, %swap3A_1062] {strides = array<i32>} : memref<128x128xf32, #tpu.memory_space<vmem>>, vector<1x16xf32>,
        %swap3A_1064 = vector.shape_cast %swap3A_1063 : vector<1x16xf32> to vector<16xf32>
        %swap3A_1065 = vector.shape_cast %mul3A_1060 : vector<16xf32> to vector<1x16xf32>
        tpu.vector_store %arg9[%swap3A_1061, %swap3A_1062], %swap3A_1065 {strides = array<i32>} : memref<128x128xf32, #tpu.memory_space<vmem>>, vector<1x16xf32>,
        %get3A_1066 = arith.index_cast %add3A_1005 : i32 to index
        %get3A_1067 = arith.constant 96 : index
        %get3A_1068 = tpu.vector_load %arg9[%get3A_1066, %get3A_1067] {strides = array<i32>} : memref<128x128xf32, #tpu.memory_space<vmem>>, vector<1x16xf32>,
        %get3A_1069 = vector.shape_cast %get3A_1068 : vector<1x16xf32> to vector<16xf32>
        %mul3A_1070 = arith.mulf %get3A_1069, %broadcast_in_dim3A_1001 : vector<16xf32>
        %swap3A_1071 = arith.index_cast %add3A_1005 : i32 to index
        %swap3A_1072 = arith.constant 96 : index
        %swap3A_1073 = tpu.vector_load %arg9[%swap3A_1071, %swap3A_1072] {strides = array<i32>} : memref<128x128xf32, #tpu.memory_space<vmem>>, vector<1x16xf32>,
        %swap3A_1074 = vector.shape_cast %swap3A_1073 : vector<1x16xf32> to vector<16xf32>
        %swap3A_1075 = vector.shape_cast %mul3A_1070 : vector<16xf32> to vector<1x16xf32>
        tpu.vector_store %arg9[%swap3A_1071, %swap3A_1072], %swap3A_1075 {strides = array<i32>} : memref<128x128xf32, #tpu.memory_space<vmem>>, vector<1x16xf32>,
        %get3A_1076 = arith.index_cast %add3A_1005 : i32 to index
        %get3A_1077 = arith.constant 112 : index
        %get3A_1078 = tpu.vector_load %arg9[%get3A_1076, %get3A_1077] {strides = array<i32>} : memref<128x128xf32, #tpu.memory_space<vmem>>, vector<1x16xf32>,
        %get3A_1079 = vector.shape_cast %get3A_1078 : vector<1x16xf32> to vector<16xf32>
        %mul3A_1080 = arith.mulf %get3A_1079, %broadcast_in_dim3A_1001 : vector<16xf32>
        %swap3A_1081 = arith.index_cast %add3A_1005 : i32 to index
        %swap3A_1082 = arith.constant 112 : index
        %swap3A_1083 = tpu.vector_load %arg9[%swap3A_1081, %swap3A_1082] {strides = array<i32>} : memref<128x128xf32, #tpu.memory_space<vmem>>, vector<1x16xf32>,
        %swap3A_1084 = vector.shape_cast %swap3A_1083 : vector<1x16xf32> to vector<16xf32>
        %swap3A_1085 = vector.shape_cast %mul3A_1080 : vector<16xf32> to vector<1x16xf32>
        tpu.vector_store %arg9[%swap3A_1081, %swap3A_1082], %swap3A_1085 {strides = array<i32>} : memref<128x128xf32, #tpu.memory_space<vmem>>, vector<1x16xf32>,
        %slice3A_1086 = vector.extract_strided_slice %get3A_209 {offsets = [10], sizes = [1], strides = [1]} : vector<16xi32> to vector<1xi32>
        %squeeze3A_1087 = vector.extract %slice3A_1086[0] : i32 from vector<1xi32>
        %bitcast_convert_type3A_1088 = arith.bitcast %squeeze3A_1087 : i32 to f32
        %broadcast_in_dim3A_1089 = vector.broadcast %bitcast_convert_type3A_1088 : f32 to vector<16xf32>
        %mul3A_1090 = arith.constant 16 : i32
        %mul3A_1091 = arith.muli %scan3A_200, %mul3A_1090 : i32
        %add3A_1092 = arith.constant 10 : i32
        %add3A_1093 = arith.addi %mul3A_1091, %add3A_1092 : i32
        %get3A_1094 = arith.index_cast %add3A_1093 : i32 to index
        %get3A_1095 = arith.constant 0 : index
        %get3A_1096 = tpu.vector_load %arg9[%get3A_1094, %get3A_1095] {strides = array<i32>} : memref<128x128xf32, #tpu.memory_space<vmem>>, vector<1x16xf32>,
        %get3A_1097 = vector.shape_cast %get3A_1096 : vector<1x16xf32> to vector<16xf32>
        %mul3A_1098 = arith.mulf %get3A_1097, %broadcast_in_dim3A_1089 : vector<16xf32>
        %swap3A_1099 = arith.index_cast %add3A_1093 : i32 to index
        %swap3A_1100 = arith.constant 0 : index
        %swap3A_1101 = tpu.vector_load %arg9[%swap3A_1099, %swap3A_1100] {strides = array<i32>} : memref<128x128xf32, #tpu.memory_space<vmem>>, vector<1x16xf32>,
        %swap3A_1102 = vector.shape_cast %swap3A_1101 : vector<1x16xf32> to vector<16xf32>
        %swap3A_1103 = vector.shape_cast %mul3A_1098 : vector<16xf32> to vector<1x16xf32>
        tpu.vector_store %arg9[%swap3A_1099, %swap3A_1100], %swap3A_1103 {strides = array<i32>} : memref<128x128xf32, #tpu.memory_space<vmem>>, vector<1x16xf32>,
        %get3A_1104 = arith.index_cast %add3A_1093 : i32 to index
        %get3A_1105 = arith.constant 16 : index
        %get3A_1106 = tpu.vector_load %arg9[%get3A_1104, %get3A_1105] {strides = array<i32>} : memref<128x128xf32, #tpu.memory_space<vmem>>, vector<1x16xf32>,
        %get3A_1107 = vector.shape_cast %get3A_1106 : vector<1x16xf32> to vector<16xf32>
        %mul3A_1108 = arith.mulf %get3A_1107, %broadcast_in_dim3A_1089 : vector<16xf32>
        %swap3A_1109 = arith.index_cast %add3A_1093 : i32 to index
        %swap3A_1110 = arith.constant 16 : index
        %swap3A_1111 = tpu.vector_load %arg9[%swap3A_1109, %swap3A_1110] {strides = array<i32>} : memref<128x128xf32, #tpu.memory_space<vmem>>, vector<1x16xf32>,
        %swap3A_1112 = vector.shape_cast %swap3A_1111 : vector<1x16xf32> to vector<16xf32>
        %swap3A_1113 = vector.shape_cast %mul3A_1108 : vector<16xf32> to vector<1x16xf32>
        tpu.vector_store %arg9[%swap3A_1109, %swap3A_1110], %swap3A_1113 {strides = array<i32>} : memref<128x128xf32, #tpu.memory_space<vmem>>, vector<1x16xf32>,
        %get3A_1114 = arith.index_cast %add3A_1093 : i32 to index
        %get3A_1115 = arith.constant 32 : index
        %get3A_1116 = tpu.vector_load %arg9[%get3A_1114, %get3A_1115] {strides = array<i32>} : memref<128x128xf32, #tpu.memory_space<vmem>>, vector<1x16xf32>,
        %get3A_1117 = vector.shape_cast %get3A_1116 : vector<1x16xf32> to vector<16xf32>
        %mul3A_1118 = arith.mulf %get3A_1117, %broadcast_in_dim3A_1089 : vector<16xf32>
        %swap3A_1119 = arith.index_cast %add3A_1093 : i32 to index
        %swap3A_1120 = arith.constant 32 : index
        %swap3A_1121 = tpu.vector_load %arg9[%swap3A_1119, %swap3A_1120] {strides = array<i32>} : memref<128x128xf32, #tpu.memory_space<vmem>>, vector<1x16xf32>,
        %swap3A_1122 = vector.shape_cast %swap3A_1121 : vector<1x16xf32> to vector<16xf32>
        %swap3A_1123 = vector.shape_cast %mul3A_1118 : vector<16xf32> to vector<1x16xf32>
        tpu.vector_store %arg9[%swap3A_1119, %swap3A_1120], %swap3A_1123 {strides = array<i32>} : memref<128x128xf32, #tpu.memory_space<vmem>>, vector<1x16xf32>,
        %get3A_1124 = arith.index_cast %add3A_1093 : i32 to index
        %get3A_1125 = arith.constant 48 : index
        %get3A_1126 = tpu.vector_load %arg9[%get3A_1124, %get3A_1125] {strides = array<i32>} : memref<128x128xf32, #tpu.memory_space<vmem>>, vector<1x16xf32>,
        %get3A_1127 = vector.shape_cast %get3A_1126 : vector<1x16xf32> to vector<16xf32>
        %mul3A_1128 = arith.mulf %get3A_1127, %broadcast_in_dim3A_1089 : vector<16xf32>
        %swap3A_1129 = arith.index_cast %add3A_1093 : i32 to index
        %swap3A_1130 = arith.constant 48 : index
        %swap3A_1131 = tpu.vector_load %arg9[%swap3A_1129, %swap3A_1130] {strides = array<i32>} : memref<128x128xf32, #tpu.memory_space<vmem>>, vector<1x16xf32>,
        %swap3A_1132 = vector.shape_cast %swap3A_1131 : vector<1x16xf32> to vector<16xf32>
        %swap3A_1133 = vector.shape_cast %mul3A_1128 : vector<16xf32> to vector<1x16xf32>
        tpu.vector_store %arg9[%swap3A_1129, %swap3A_1130], %swap3A_1133 {strides = array<i32>} : memref<128x128xf32, #tpu.memory_space<vmem>>, vector<1x16xf32>,
        %get3A_1134 = arith.index_cast %add3A_1093 : i32 to index
        %get3A_1135 = arith.constant 64 : index
        %get3A_1136 = tpu.vector_load %arg9[%get3A_1134, %get3A_1135] {strides = array<i32>} : memref<128x128xf32, #tpu.memory_space<vmem>>, vector<1x16xf32>,
        %get3A_1137 = vector.shape_cast %get3A_1136 : vector<1x16xf32> to vector<16xf32>
        %mul3A_1138 = arith.mulf %get3A_1137, %broadcast_in_dim3A_1089 : vector<16xf32>
        %swap3A_1139 = arith.index_cast %add3A_1093 : i32 to index
        %swap3A_1140 = arith.constant 64 : index
        %swap3A_1141 = tpu.vector_load %arg9[%swap3A_1139, %swap3A_1140] {strides = array<i32>} : memref<128x128xf32, #tpu.memory_space<vmem>>, vector<1x16xf32>,
        %swap3A_1142 = vector.shape_cast %swap3A_1141 : vector<1x16xf32> to vector<16xf32>
        %swap3A_1143 = vector.shape_cast %mul3A_1138 : vector<16xf32> to vector<1x16xf32>
        tpu.vector_store %arg9[%swap3A_1139, %swap3A_1140], %swap3A_1143 {strides = array<i32>} : memref<128x128xf32, #tpu.memory_space<vmem>>, vector<1x16xf32>,
        %get3A_1144 = arith.index_cast %add3A_1093 : i32 to index
        %get3A_1145 = arith.constant 80 : index
        %get3A_1146 = tpu.vector_load %arg9[%get3A_1144, %get3A_1145] {strides = array<i32>} : memref<128x128xf32, #tpu.memory_space<vmem>>, vector<1x16xf32>,
        %get3A_1147 = vector.shape_cast %get3A_1146 : vector<1x16xf32> to vector<16xf32>
        %mul3A_1148 = arith.mulf %get3A_1147, %broadcast_in_dim3A_1089 : vector<16xf32>
        %swap3A_1149 = arith.index_cast %add3A_1093 : i32 to index
        %swap3A_1150 = arith.constant 80 : index
        %swap3A_1151 = tpu.vector_load %arg9[%swap3A_1149, %swap3A_1150] {strides = array<i32>} : memref<128x128xf32, #tpu.memory_space<vmem>>, vector<1x16xf32>,
        %swap3A_1152 = vector.shape_cast %swap3A_1151 : vector<1x16xf32> to vector<16xf32>
        %swap3A_1153 = vector.shape_cast %mul3A_1148 : vector<16xf32> to vector<1x16xf32>
        tpu.vector_store %arg9[%swap3A_1149, %swap3A_1150], %swap3A_1153 {strides = array<i32>} : memref<128x128xf32, #tpu.memory_space<vmem>>, vector<1x16xf32>,
        %get3A_1154 = arith.index_cast %add3A_1093 : i32 to index
        %get3A_1155 = arith.constant 96 : index
        %get3A_1156 = tpu.vector_load %arg9[%get3A_1154, %get3A_1155] {strides = array<i32>} : memref<128x128xf32, #tpu.memory_space<vmem>>, vector<1x16xf32>,
        %get3A_1157 = vector.shape_cast %get3A_1156 : vector<1x16xf32> to vector<16xf32>
        %mul3A_1158 = arith.mulf %get3A_1157, %broadcast_in_dim3A_1089 : vector<16xf32>
        %swap3A_1159 = arith.index_cast %add3A_1093 : i32 to index
        %swap3A_1160 = arith.constant 96 : index
        %swap3A_1161 = tpu.vector_load %arg9[%swap3A_1159, %swap3A_1160] {strides = array<i32>} : memref<128x128xf32, #tpu.memory_space<vmem>>, vector<1x16xf32>,
        %swap3A_1162 = vector.shape_cast %swap3A_1161 : vector<1x16xf32> to vector<16xf32>
        %swap3A_1163 = vector.shape_cast %mul3A_1158 : vector<16xf32> to vector<1x16xf32>
        tpu.vector_store %arg9[%swap3A_1159, %swap3A_1160], %swap3A_1163 {strides = array<i32>} : memref<128x128xf32, #tpu.memory_space<vmem>>, vector<1x16xf32>,
        %get3A_1164 = arith.index_cast %add3A_1093 : i32 to index
        %get3A_1165 = arith.constant 112 : index
        %get3A_1166 = tpu.vector_load %arg9[%get3A_1164, %get3A_1165] {strides = array<i32>} : memref<128x128xf32, #tpu.memory_space<vmem>>, vector<1x16xf32>,
        %get3A_1167 = vector.shape_cast %get3A_1166 : vector<1x16xf32> to vector<16xf32>
        %mul3A_1168 = arith.mulf %get3A_1167, %broadcast_in_dim3A_1089 : vector<16xf32>
        %swap3A_1169 = arith.index_cast %add3A_1093 : i32 to index
        %swap3A_1170 = arith.constant 112 : index
        %swap3A_1171 = tpu.vector_load %arg9[%swap3A_1169, %swap3A_1170] {strides = array<i32>} : memref<128x128xf32, #tpu.memory_space<vmem>>, vector<1x16xf32>,
        %swap3A_1172 = vector.shape_cast %swap3A_1171 : vector<1x16xf32> to vector<16xf32>
        %swap3A_1173 = vector.shape_cast %mul3A_1168 : vector<16xf32> to vector<1x16xf32>
        tpu.vector_store %arg9[%swap3A_1169, %swap3A_1170], %swap3A_1173 {strides = array<i32>} : memref<128x128xf32, #tpu.memory_space<vmem>>, vector<1x16xf32>,
        %slice3A_1174 = vector.extract_strided_slice %get3A_209 {offsets = [11], sizes = [1], strides = [1]} : vector<16xi32> to vector<1xi32>
        %squeeze3A_1175 = vector.extract %slice3A_1174[0] : i32 from vector<1xi32>
        %bitcast_convert_type3A_1176 = arith.bitcast %squeeze3A_1175 : i32 to f32
        %broadcast_in_dim3A_1177 = vector.broadcast %bitcast_convert_type3A_1176 : f32 to vector<16xf32>
        %mul3A_1178 = arith.constant 16 : i32
        %mul3A_1179 = arith.muli %scan3A_200, %mul3A_1178 : i32
        %add3A_1180 = arith.constant 11 : i32
        %add3A_1181 = arith.addi %mul3A_1179, %add3A_1180 : i32
        %get3A_1182 = arith.index_cast %add3A_1181 : i32 to index
        %get3A_1183 = arith.constant 0 : index
        %get3A_1184 = tpu.vector_load %arg9[%get3A_1182, %get3A_1183] {strides = array<i32>} : memref<128x128xf32, #tpu.memory_space<vmem>>, vector<1x16xf32>,
        %get3A_1185 = vector.shape_cast %get3A_1184 : vector<1x16xf32> to vector<16xf32>
        %mul3A_1186 = arith.mulf %get3A_1185, %broadcast_in_dim3A_1177 : vector<16xf32>
        %swap3A_1187 = arith.index_cast %add3A_1181 : i32 to index
        %swap3A_1188 = arith.constant 0 : index
        %swap3A_1189 = tpu.vector_load %arg9[%swap3A_1187, %swap3A_1188] {strides = array<i32>} : memref<128x128xf32, #tpu.memory_space<vmem>>, vector<1x16xf32>,
        %swap3A_1190 = vector.shape_cast %swap3A_1189 : vector<1x16xf32> to vector<16xf32>
        %swap3A_1191 = vector.shape_cast %mul3A_1186 : vector<16xf32> to vector<1x16xf32>
        tpu.vector_store %arg9[%swap3A_1187, %swap3A_1188], %swap3A_1191 {strides = array<i32>} : memref<128x128xf32, #tpu.memory_space<vmem>>, vector<1x16xf32>,
        %get3A_1192 = arith.index_cast %add3A_1181 : i32 to index
        %get3A_1193 = arith.constant 16 : index
        %get3A_1194 = tpu.vector_load %arg9[%get3A_1192, %get3A_1193] {strides = array<i32>} : memref<128x128xf32, #tpu.memory_space<vmem>>, vector<1x16xf32>,
        %get3A_1195 = vector.shape_cast %get3A_1194 : vector<1x16xf32> to vector<16xf32>
        %mul3A_1196 = arith.mulf %get3A_1195, %broadcast_in_dim3A_1177 : vector<16xf32>
        %swap3A_1197 = arith.index_cast %add3A_1181 : i32 to index
        %swap3A_1198 = arith.constant 16 : index
        %swap3A_1199 = tpu.vector_load %arg9[%swap3A_1197, %swap3A_1198] {strides = array<i32>} : memref<128x128xf32, #tpu.memory_space<vmem>>, vector<1x16xf32>,
        %swap3A_1200 = vector.shape_cast %swap3A_1199 : vector<1x16xf32> to vector<16xf32>
        %swap3A_1201 = vector.shape_cast %mul3A_1196 : vector<16xf32> to vector<1x16xf32>
        tpu.vector_store %arg9[%swap3A_1197, %swap3A_1198], %swap3A_1201 {strides = array<i32>} : memref<128x128xf32, #tpu.memory_space<vmem>>, vector<1x16xf32>,
        %get3A_1202 = arith.index_cast %add3A_1181 : i32 to index
        %get3A_1203 = arith.constant 32 : index
        %get3A_1204 = tpu.vector_load %arg9[%get3A_1202, %get3A_1203] {strides = array<i32>} : memref<128x128xf32, #tpu.memory_space<vmem>>, vector<1x16xf32>,
        %get3A_1205 = vector.shape_cast %get3A_1204 : vector<1x16xf32> to vector<16xf32>
        %mul3A_1206 = arith.mulf %get3A_1205, %broadcast_in_dim3A_1177 : vector<16xf32>
        %swap3A_1207 = arith.index_cast %add3A_1181 : i32 to index
        %swap3A_1208 = arith.constant 32 : index
        %swap3A_1209 = tpu.vector_load %arg9[%swap3A_1207, %swap3A_1208] {strides = array<i32>} : memref<128x128xf32, #tpu.memory_space<vmem>>, vector<1x16xf32>,
        %swap3A_1210 = vector.shape_cast %swap3A_1209 : vector<1x16xf32> to vector<16xf32>
        %swap3A_1211 = vector.shape_cast %mul3A_1206 : vector<16xf32> to vector<1x16xf32>
        tpu.vector_store %arg9[%swap3A_1207, %swap3A_1208], %swap3A_1211 {strides = array<i32>} : memref<128x128xf32, #tpu.memory_space<vmem>>, vector<1x16xf32>,
        %get3A_1212 = arith.index_cast %add3A_1181 : i32 to index
        %get3A_1213 = arith.constant 48 : index
        %get3A_1214 = tpu.vector_load %arg9[%get3A_1212, %get3A_1213] {strides = array<i32>} : memref<128x128xf32, #tpu.memory_space<vmem>>, vector<1x16xf32>,
        %get3A_1215 = vector.shape_cast %get3A_1214 : vector<1x16xf32> to vector<16xf32>
        %mul3A_1216 = arith.mulf %get3A_1215, %broadcast_in_dim3A_1177 : vector<16xf32>
        %swap3A_1217 = arith.index_cast %add3A_1181 : i32 to index
        %swap3A_1218 = arith.constant 48 : index
        %swap3A_1219 = tpu.vector_load %arg9[%swap3A_1217, %swap3A_1218] {strides = array<i32>} : memref<128x128xf32, #tpu.memory_space<vmem>>, vector<1x16xf32>,
        %swap3A_1220 = vector.shape_cast %swap3A_1219 : vector<1x16xf32> to vector<16xf32>
        %swap3A_1221 = vector.shape_cast %mul3A_1216 : vector<16xf32> to vector<1x16xf32>
        tpu.vector_store %arg9[%swap3A_1217, %swap3A_1218], %swap3A_1221 {strides = array<i32>} : memref<128x128xf32, #tpu.memory_space<vmem>>, vector<1x16xf32>,
        %get3A_1222 = arith.index_cast %add3A_1181 : i32 to index
        %get3A_1223 = arith.constant 64 : index
        %get3A_1224 = tpu.vector_load %arg9[%get3A_1222, %get3A_1223] {strides = array<i32>} : memref<128x128xf32, #tpu.memory_space<vmem>>, vector<1x16xf32>,
        %get3A_1225 = vector.shape_cast %get3A_1224 : vector<1x16xf32> to vector<16xf32>
        %mul3A_1226 = arith.mulf %get3A_1225, %broadcast_in_dim3A_1177 : vector<16xf32>
        %swap3A_1227 = arith.index_cast %add3A_1181 : i32 to index
        %swap3A_1228 = arith.constant 64 : index
        %swap3A_1229 = tpu.vector_load %arg9[%swap3A_1227, %swap3A_1228] {strides = array<i32>} : memref<128x128xf32, #tpu.memory_space<vmem>>, vector<1x16xf32>,
        %swap3A_1230 = vector.shape_cast %swap3A_1229 : vector<1x16xf32> to vector<16xf32>
        %swap3A_1231 = vector.shape_cast %mul3A_1226 : vector<16xf32> to vector<1x16xf32>
        tpu.vector_store %arg9[%swap3A_1227, %swap3A_1228], %swap3A_1231 {strides = array<i32>} : memref<128x128xf32, #tpu.memory_space<vmem>>, vector<1x16xf32>,
        %get3A_1232 = arith.index_cast %add3A_1181 : i32 to index
        %get3A_1233 = arith.constant 80 : index
        %get3A_1234 = tpu.vector_load %arg9[%get3A_1232, %get3A_1233] {strides = array<i32>} : memref<128x128xf32, #tpu.memory_space<vmem>>, vector<1x16xf32>,
        %get3A_1235 = vector.shape_cast %get3A_1234 : vector<1x16xf32> to vector<16xf32>
        %mul3A_1236 = arith.mulf %get3A_1235, %broadcast_in_dim3A_1177 : vector<16xf32>
        %swap3A_1237 = arith.index_cast %add3A_1181 : i32 to index
        %swap3A_1238 = arith.constant 80 : index
        %swap3A_1239 = tpu.vector_load %arg9[%swap3A_1237, %swap3A_1238] {strides = array<i32>} : memref<128x128xf32, #tpu.memory_space<vmem>>, vector<1x16xf32>,
        %swap3A_1240 = vector.shape_cast %swap3A_1239 : vector<1x16xf32> to vector<16xf32>
        %swap3A_1241 = vector.shape_cast %mul3A_1236 : vector<16xf32> to vector<1x16xf32>
        tpu.vector_store %arg9[%swap3A_1237, %swap3A_1238], %swap3A_1241 {strides = array<i32>} : memref<128x128xf32, #tpu.memory_space<vmem>>, vector<1x16xf32>,
        %get3A_1242 = arith.index_cast %add3A_1181 : i32 to index
        %get3A_1243 = arith.constant 96 : index
        %get3A_1244 = tpu.vector_load %arg9[%get3A_1242, %get3A_1243] {strides = array<i32>} : memref<128x128xf32, #tpu.memory_space<vmem>>, vector<1x16xf32>,
        %get3A_1245 = vector.shape_cast %get3A_1244 : vector<1x16xf32> to vector<16xf32>
        %mul3A_1246 = arith.mulf %get3A_1245, %broadcast_in_dim3A_1177 : vector<16xf32>
        %swap3A_1247 = arith.index_cast %add3A_1181 : i32 to index
        %swap3A_1248 = arith.constant 96 : index
        %swap3A_1249 = tpu.vector_load %arg9[%swap3A_1247, %swap3A_1248] {strides = array<i32>} : memref<128x128xf32, #tpu.memory_space<vmem>>, vector<1x16xf32>,
        %swap3A_1250 = vector.shape_cast %swap3A_1249 : vector<1x16xf32> to vector<16xf32>
        %swap3A_1251 = vector.shape_cast %mul3A_1246 : vector<16xf32> to vector<1x16xf32>
        tpu.vector_store %arg9[%swap3A_1247, %swap3A_1248], %swap3A_1251 {strides = array<i32>} : memref<128x128xf32, #tpu.memory_space<vmem>>, vector<1x16xf32>,
        %get3A_1252 = arith.index_cast %add3A_1181 : i32 to index
        %get3A_1253 = arith.constant 112 : index
        %get3A_1254 = tpu.vector_load %arg9[%get3A_1252, %get3A_1253] {strides = array<i32>} : memref<128x128xf32, #tpu.memory_space<vmem>>, vector<1x16xf32>,
        %get3A_1255 = vector.shape_cast %get3A_1254 : vector<1x16xf32> to vector<16xf32>
        %mul3A_1256 = arith.mulf %get3A_1255, %broadcast_in_dim3A_1177 : vector<16xf32>
        %swap3A_1257 = arith.index_cast %add3A_1181 : i32 to index
        %swap3A_1258 = arith.constant 112 : index
        %swap3A_1259 = tpu.vector_load %arg9[%swap3A_1257, %swap3A_1258] {strides = array<i32>} : memref<128x128xf32, #tpu.memory_space<vmem>>, vector<1x16xf32>,
        %swap3A_1260 = vector.shape_cast %swap3A_1259 : vector<1x16xf32> to vector<16xf32>
        %swap3A_1261 = vector.shape_cast %mul3A_1256 : vector<16xf32> to vector<1x16xf32>
        tpu.vector_store %arg9[%swap3A_1257, %swap3A_1258], %swap3A_1261 {strides = array<i32>} : memref<128x128xf32, #tpu.memory_space<vmem>>, vector<1x16xf32>,
        %slice3A_1262 = vector.extract_strided_slice %get3A_209 {offsets = [12], sizes = [1], strides = [1]} : vector<16xi32> to vector<1xi32>
        %squeeze3A_1263 = vector.extract %slice3A_1262[0] : i32 from vector<1xi32>
        %bitcast_convert_type3A_1264 = arith.bitcast %squeeze3A_1263 : i32 to f32
        %broadcast_in_dim3A_1265 = vector.broadcast %bitcast_convert_type3A_1264 : f32 to vector<16xf32>
        %mul3A_1266 = arith.constant 16 : i32
        %mul3A_1267 = arith.muli %scan3A_200, %mul3A_1266 : i32
        %add3A_1268 = arith.constant 12 : i32
        %add3A_1269 = arith.addi %mul3A_1267, %add3A_1268 : i32
        %get3A_1270 = arith.index_cast %add3A_1269 : i32 to index
        %get3A_1271 = arith.constant 0 : index
        %get3A_1272 = tpu.vector_load %arg9[%get3A_1270, %get3A_1271] {strides = array<i32>} : memref<128x128xf32, #tpu.memory_space<vmem>>, vector<1x16xf32>,
        %get3A_1273 = vector.shape_cast %get3A_1272 : vector<1x16xf32> to vector<16xf32>
        %mul3A_1274 = arith.mulf %get3A_1273, %broadcast_in_dim3A_1265 : vector<16xf32>
        %swap3A_1275 = arith.index_cast %add3A_1269 : i32 to index
        %swap3A_1276 = arith.constant 0 : index
        %swap3A_1277 = tpu.vector_load %arg9[%swap3A_1275, %swap3A_1276] {strides = array<i32>} : memref<128x128xf32, #tpu.memory_space<vmem>>, vector<1x16xf32>,
        %swap3A_1278 = vector.shape_cast %swap3A_1277 : vector<1x16xf32> to vector<16xf32>
        %swap3A_1279 = vector.shape_cast %mul3A_1274 : vector<16xf32> to vector<1x16xf32>
        tpu.vector_store %arg9[%swap3A_1275, %swap3A_1276], %swap3A_1279 {strides = array<i32>} : memref<128x128xf32, #tpu.memory_space<vmem>>, vector<1x16xf32>,
        %get3A_1280 = arith.index_cast %add3A_1269 : i32 to index
        %get3A_1281 = arith.constant 16 : index
        %get3A_1282 = tpu.vector_load %arg9[%get3A_1280, %get3A_1281] {strides = array<i32>} : memref<128x128xf32, #tpu.memory_space<vmem>>, vector<1x16xf32>,
        %get3A_1283 = vector.shape_cast %get3A_1282 : vector<1x16xf32> to vector<16xf32>
        %mul3A_1284 = arith.mulf %get3A_1283, %broadcast_in_dim3A_1265 : vector<16xf32>
        %swap3A_1285 = arith.index_cast %add3A_1269 : i32 to index
        %swap3A_1286 = arith.constant 16 : index
        %swap3A_1287 = tpu.vector_load %arg9[%swap3A_1285, %swap3A_1286] {strides = array<i32>} : memref<128x128xf32, #tpu.memory_space<vmem>>, vector<1x16xf32>,
        %swap3A_1288 = vector.shape_cast %swap3A_1287 : vector<1x16xf32> to vector<16xf32>
        %swap3A_1289 = vector.shape_cast %mul3A_1284 : vector<16xf32> to vector<1x16xf32>
        tpu.vector_store %arg9[%swap3A_1285, %swap3A_1286], %swap3A_1289 {strides = array<i32>} : memref<128x128xf32, #tpu.memory_space<vmem>>, vector<1x16xf32>,
        %get3A_1290 = arith.index_cast %add3A_1269 : i32 to index
        %get3A_1291 = arith.constant 32 : index
        %get3A_1292 = tpu.vector_load %arg9[%get3A_1290, %get3A_1291] {strides = array<i32>} : memref<128x128xf32, #tpu.memory_space<vmem>>, vector<1x16xf32>,
        %get3A_1293 = vector.shape_cast %get3A_1292 : vector<1x16xf32> to vector<16xf32>
        %mul3A_1294 = arith.mulf %get3A_1293, %broadcast_in_dim3A_1265 : vector<16xf32>
        %swap3A_1295 = arith.index_cast %add3A_1269 : i32 to index
        %swap3A_1296 = arith.constant 32 : index
        %swap3A_1297 = tpu.vector_load %arg9[%swap3A_1295, %swap3A_1296] {strides = array<i32>} : memref<128x128xf32, #tpu.memory_space<vmem>>, vector<1x16xf32>,
        %swap3A_1298 = vector.shape_cast %swap3A_1297 : vector<1x16xf32> to vector<16xf32>
        %swap3A_1299 = vector.shape_cast %mul3A_1294 : vector<16xf32> to vector<1x16xf32>
        tpu.vector_store %arg9[%swap3A_1295, %swap3A_1296], %swap3A_1299 {strides = array<i32>} : memref<128x128xf32, #tpu.memory_space<vmem>>, vector<1x16xf32>,
        %get3A_1300 = arith.index_cast %add3A_1269 : i32 to index
        %get3A_1301 = arith.constant 48 : index
        %get3A_1302 = tpu.vector_load %arg9[%get3A_1300, %get3A_1301] {strides = array<i32>} : memref<128x128xf32, #tpu.memory_space<vmem>>, vector<1x16xf32>,
        %get3A_1303 = vector.shape_cast %get3A_1302 : vector<1x16xf32> to vector<16xf32>
        %mul3A_1304 = arith.mulf %get3A_1303, %broadcast_in_dim3A_1265 : vector<16xf32>
        %swap3A_1305 = arith.index_cast %add3A_1269 : i32 to index
        %swap3A_1306 = arith.constant 48 : index
        %swap3A_1307 = tpu.vector_load %arg9[%swap3A_1305, %swap3A_1306] {strides = array<i32>} : memref<128x128xf32, #tpu.memory_space<vmem>>, vector<1x16xf32>,
        %swap3A_1308 = vector.shape_cast %swap3A_1307 : vector<1x16xf32> to vector<16xf32>
        %swap3A_1309 = vector.shape_cast %mul3A_1304 : vector<16xf32> to vector<1x16xf32>
        tpu.vector_store %arg9[%swap3A_1305, %swap3A_1306], %swap3A_1309 {strides = array<i32>} : memref<128x128xf32, #tpu.memory_space<vmem>>, vector<1x16xf32>,
        %get3A_1310 = arith.index_cast %add3A_1269 : i32 to index
        %get3A_1311 = arith.constant 64 : index
        %get3A_1312 = tpu.vector_load %arg9[%get3A_1310, %get3A_1311] {strides = array<i32>} : memref<128x128xf32, #tpu.memory_space<vmem>>, vector<1x16xf32>,
        %get3A_1313 = vector.shape_cast %get3A_1312 : vector<1x16xf32> to vector<16xf32>
        %mul3A_1314 = arith.mulf %get3A_1313, %broadcast_in_dim3A_1265 : vector<16xf32>
        %swap3A_1315 = arith.index_cast %add3A_1269 : i32 to index
        %swap3A_1316 = arith.constant 64 : index
        %swap3A_1317 = tpu.vector_load %arg9[%swap3A_1315, %swap3A_1316] {strides = array<i32>} : memref<128x128xf32, #tpu.memory_space<vmem>>, vector<1x16xf32>,
        %swap3A_1318 = vector.shape_cast %swap3A_1317 : vector<1x16xf32> to vector<16xf32>
        %swap3A_1319 = vector.shape_cast %mul3A_1314 : vector<16xf32> to vector<1x16xf32>
        tpu.vector_store %arg9[%swap3A_1315, %swap3A_1316], %swap3A_1319 {strides = array<i32>} : memref<128x128xf32, #tpu.memory_space<vmem>>, vector<1x16xf32>,
        %get3A_1320 = arith.index_cast %add3A_1269 : i32 to index
        %get3A_1321 = arith.constant 80 : index
        %get3A_1322 = tpu.vector_load %arg9[%get3A_1320, %get3A_1321] {strides = array<i32>} : memref<128x128xf32, #tpu.memory_space<vmem>>, vector<1x16xf32>,
        %get3A_1323 = vector.shape_cast %get3A_1322 : vector<1x16xf32> to vector<16xf32>
        %mul3A_1324 = arith.mulf %get3A_1323, %broadcast_in_dim3A_1265 : vector<16xf32>
        %swap3A_1325 = arith.index_cast %add3A_1269 : i32 to index
        %swap3A_1326 = arith.constant 80 : index
        %swap3A_1327 = tpu.vector_load %arg9[%swap3A_1325, %swap3A_1326] {strides = array<i32>} : memref<128x128xf32, #tpu.memory_space<vmem>>, vector<1x16xf32>,
        %swap3A_1328 = vector.shape_cast %swap3A_1327 : vector<1x16xf32> to vector<16xf32>
        %swap3A_1329 = vector.shape_cast %mul3A_1324 : vector<16xf32> to vector<1x16xf32>
        tpu.vector_store %arg9[%swap3A_1325, %swap3A_1326], %swap3A_1329 {strides = array<i32>} : memref<128x128xf32, #tpu.memory_space<vmem>>, vector<1x16xf32>,
        %get3A_1330 = arith.index_cast %add3A_1269 : i32 to index
        %get3A_1331 = arith.constant 96 : index
        %get3A_1332 = tpu.vector_load %arg9[%get3A_1330, %get3A_1331] {strides = array<i32>} : memref<128x128xf32, #tpu.memory_space<vmem>>, vector<1x16xf32>,
        %get3A_1333 = vector.shape_cast %get3A_1332 : vector<1x16xf32> to vector<16xf32>
        %mul3A_1334 = arith.mulf %get3A_1333, %broadcast_in_dim3A_1265 : vector<16xf32>
        %swap3A_1335 = arith.index_cast %add3A_1269 : i32 to index
        %swap3A_1336 = arith.constant 96 : index
        %swap3A_1337 = tpu.vector_load %arg9[%swap3A_1335, %swap3A_1336] {strides = array<i32>} : memref<128x128xf32, #tpu.memory_space<vmem>>, vector<1x16xf32>,
        %swap3A_1338 = vector.shape_cast %swap3A_1337 : vector<1x16xf32> to vector<16xf32>
        %swap3A_1339 = vector.shape_cast %mul3A_1334 : vector<16xf32> to vector<1x16xf32>
        tpu.vector_store %arg9[%swap3A_1335, %swap3A_1336], %swap3A_1339 {strides = array<i32>} : memref<128x128xf32, #tpu.memory_space<vmem>>, vector<1x16xf32>,
        %get3A_1340 = arith.index_cast %add3A_1269 : i32 to index
        %get3A_1341 = arith.constant 112 : index
        %get3A_1342 = tpu.vector_load %arg9[%get3A_1340, %get3A_1341] {strides = array<i32>} : memref<128x128xf32, #tpu.memory_space<vmem>>, vector<1x16xf32>,
        %get3A_1343 = vector.shape_cast %get3A_1342 : vector<1x16xf32> to vector<16xf32>
        %mul3A_1344 = arith.mulf %get3A_1343, %broadcast_in_dim3A_1265 : vector<16xf32>
        %swap3A_1345 = arith.index_cast %add3A_1269 : i32 to index
        %swap3A_1346 = arith.constant 112 : index
        %swap3A_1347 = tpu.vector_load %arg9[%swap3A_1345, %swap3A_1346] {strides = array<i32>} : memref<128x128xf32, #tpu.memory_space<vmem>>, vector<1x16xf32>,
        %swap3A_1348 = vector.shape_cast %swap3A_1347 : vector<1x16xf32> to vector<16xf32>
        %swap3A_1349 = vector.shape_cast %mul3A_1344 : vector<16xf32> to vector<1x16xf32>
        tpu.vector_store %arg9[%swap3A_1345, %swap3A_1346], %swap3A_1349 {strides = array<i32>} : memref<128x128xf32, #tpu.memory_space<vmem>>, vector<1x16xf32>,
        %slice3A_1350 = vector.extract_strided_slice %get3A_209 {offsets = [13], sizes = [1], strides = [1]} : vector<16xi32> to vector<1xi32>
        %squeeze3A_1351 = vector.extract %slice3A_1350[0] : i32 from vector<1xi32>
        %bitcast_convert_type3A_1352 = arith.bitcast %squeeze3A_1351 : i32 to f32
        %broadcast_in_dim3A_1353 = vector.broadcast %bitcast_convert_type3A_1352 : f32 to vector<16xf32>
        %mul3A_1354 = arith.constant 16 : i32
        %mul3A_1355 = arith.muli %scan3A_200, %mul3A_1354 : i32
        %add3A_1356 = arith.constant 13 : i32
        %add3A_1357 = arith.addi %mul3A_1355, %add3A_1356 : i32
        %get3A_1358 = arith.index_cast %add3A_1357 : i32 to index
        %get3A_1359 = arith.constant 0 : index
        %get3A_1360 = tpu.vector_load %arg9[%get3A_1358, %get3A_1359] {strides = array<i32>} : memref<128x128xf32, #tpu.memory_space<vmem>>, vector<1x16xf32>,
        %get3A_1361 = vector.shape_cast %get3A_1360 : vector<1x16xf32> to vector<16xf32>
        %mul3A_1362 = arith.mulf %get3A_1361, %broadcast_in_dim3A_1353 : vector<16xf32>
        %swap3A_1363 = arith.index_cast %add3A_1357 : i32 to index
        %swap3A_1364 = arith.constant 0 : index
        %swap3A_1365 = tpu.vector_load %arg9[%swap3A_1363, %swap3A_1364] {strides = array<i32>} : memref<128x128xf32, #tpu.memory_space<vmem>>, vector<1x16xf32>,
        %swap3A_1366 = vector.shape_cast %swap3A_1365 : vector<1x16xf32> to vector<16xf32>
        %swap3A_1367 = vector.shape_cast %mul3A_1362 : vector<16xf32> to vector<1x16xf32>
        tpu.vector_store %arg9[%swap3A_1363, %swap3A_1364], %swap3A_1367 {strides = array<i32>} : memref<128x128xf32, #tpu.memory_space<vmem>>, vector<1x16xf32>,
        %get3A_1368 = arith.index_cast %add3A_1357 : i32 to index
        %get3A_1369 = arith.constant 16 : index
        %get3A_1370 = tpu.vector_load %arg9[%get3A_1368, %get3A_1369] {strides = array<i32>} : memref<128x128xf32, #tpu.memory_space<vmem>>, vector<1x16xf32>,
        %get3A_1371 = vector.shape_cast %get3A_1370 : vector<1x16xf32> to vector<16xf32>
        %mul3A_1372 = arith.mulf %get3A_1371, %broadcast_in_dim3A_1353 : vector<16xf32>
        %swap3A_1373 = arith.index_cast %add3A_1357 : i32 to index
        %swap3A_1374 = arith.constant 16 : index
        %swap3A_1375 = tpu.vector_load %arg9[%swap3A_1373, %swap3A_1374] {strides = array<i32>} : memref<128x128xf32, #tpu.memory_space<vmem>>, vector<1x16xf32>,
        %swap3A_1376 = vector.shape_cast %swap3A_1375 : vector<1x16xf32> to vector<16xf32>
        %swap3A_1377 = vector.shape_cast %mul3A_1372 : vector<16xf32> to vector<1x16xf32>
        tpu.vector_store %arg9[%swap3A_1373, %swap3A_1374], %swap3A_1377 {strides = array<i32>} : memref<128x128xf32, #tpu.memory_space<vmem>>, vector<1x16xf32>,
        %get3A_1378 = arith.index_cast %add3A_1357 : i32 to index
        %get3A_1379 = arith.constant 32 : index
        %get3A_1380 = tpu.vector_load %arg9[%get3A_1378, %get3A_1379] {strides = array<i32>} : memref<128x128xf32, #tpu.memory_space<vmem>>, vector<1x16xf32>,
        %get3A_1381 = vector.shape_cast %get3A_1380 : vector<1x16xf32> to vector<16xf32>
        %mul3A_1382 = arith.mulf %get3A_1381, %broadcast_in_dim3A_1353 : vector<16xf32>
        %swap3A_1383 = arith.index_cast %add3A_1357 : i32 to index
        %swap3A_1384 = arith.constant 32 : index
        %swap3A_1385 = tpu.vector_load %arg9[%swap3A_1383, %swap3A_1384] {strides = array<i32>} : memref<128x128xf32, #tpu.memory_space<vmem>>, vector<1x16xf32>,
        %swap3A_1386 = vector.shape_cast %swap3A_1385 : vector<1x16xf32> to vector<16xf32>
        %swap3A_1387 = vector.shape_cast %mul3A_1382 : vector<16xf32> to vector<1x16xf32>
        tpu.vector_store %arg9[%swap3A_1383, %swap3A_1384], %swap3A_1387 {strides = array<i32>} : memref<128x128xf32, #tpu.memory_space<vmem>>, vector<1x16xf32>,
        %get3A_1388 = arith.index_cast %add3A_1357 : i32 to index
        %get3A_1389 = arith.constant 48 : index
        %get3A_1390 = tpu.vector_load %arg9[%get3A_1388, %get3A_1389] {strides = array<i32>} : memref<128x128xf32, #tpu.memory_space<vmem>>, vector<1x16xf32>,
        %get3A_1391 = vector.shape_cast %get3A_1390 : vector<1x16xf32> to vector<16xf32>
        %mul3A_1392 = arith.mulf %get3A_1391, %broadcast_in_dim3A_1353 : vector<16xf32>
        %swap3A_1393 = arith.index_cast %add3A_1357 : i32 to index
        %swap3A_1394 = arith.constant 48 : index
        %swap3A_1395 = tpu.vector_load %arg9[%swap3A_1393, %swap3A_1394] {strides = array<i32>} : memref<128x128xf32, #tpu.memory_space<vmem>>, vector<1x16xf32>,
        %swap3A_1396 = vector.shape_cast %swap3A_1395 : vector<1x16xf32> to vector<16xf32>
        %swap3A_1397 = vector.shape_cast %mul3A_1392 : vector<16xf32> to vector<1x16xf32>
        tpu.vector_store %arg9[%swap3A_1393, %swap3A_1394], %swap3A_1397 {strides = array<i32>} : memref<128x128xf32, #tpu.memory_space<vmem>>, vector<1x16xf32>,
        %get3A_1398 = arith.index_cast %add3A_1357 : i32 to index
        %get3A_1399 = arith.constant 64 : index
        %get3A_1400 = tpu.vector_load %arg9[%get3A_1398, %get3A_1399] {strides = array<i32>} : memref<128x128xf32, #tpu.memory_space<vmem>>, vector<1x16xf32>,
        %get3A_1401 = vector.shape_cast %get3A_1400 : vector<1x16xf32> to vector<16xf32>
        %mul3A_1402 = arith.mulf %get3A_1401, %broadcast_in_dim3A_1353 : vector<16xf32>
        %swap3A_1403 = arith.index_cast %add3A_1357 : i32 to index
        %swap3A_1404 = arith.constant 64 : index
        %swap3A_1405 = tpu.vector_load %arg9[%swap3A_1403, %swap3A_1404] {strides = array<i32>} : memref<128x128xf32, #tpu.memory_space<vmem>>, vector<1x16xf32>,
        %swap3A_1406 = vector.shape_cast %swap3A_1405 : vector<1x16xf32> to vector<16xf32>
        %swap3A_1407 = vector.shape_cast %mul3A_1402 : vector<16xf32> to vector<1x16xf32>
        tpu.vector_store %arg9[%swap3A_1403, %swap3A_1404], %swap3A_1407 {strides = array<i32>} : memref<128x128xf32, #tpu.memory_space<vmem>>, vector<1x16xf32>,
        %get3A_1408 = arith.index_cast %add3A_1357 : i32 to index
        %get3A_1409 = arith.constant 80 : index
        %get3A_1410 = tpu.vector_load %arg9[%get3A_1408, %get3A_1409] {strides = array<i32>} : memref<128x128xf32, #tpu.memory_space<vmem>>, vector<1x16xf32>,
        %get3A_1411 = vector.shape_cast %get3A_1410 : vector<1x16xf32> to vector<16xf32>
        %mul3A_1412 = arith.mulf %get3A_1411, %broadcast_in_dim3A_1353 : vector<16xf32>
        %swap3A_1413 = arith.index_cast %add3A_1357 : i32 to index
        %swap3A_1414 = arith.constant 80 : index
        %swap3A_1415 = tpu.vector_load %arg9[%swap3A_1413, %swap3A_1414] {strides = array<i32>} : memref<128x128xf32, #tpu.memory_space<vmem>>, vector<1x16xf32>,
        %swap3A_1416 = vector.shape_cast %swap3A_1415 : vector<1x16xf32> to vector<16xf32>
        %swap3A_1417 = vector.shape_cast %mul3A_1412 : vector<16xf32> to vector<1x16xf32>
        tpu.vector_store %arg9[%swap3A_1413, %swap3A_1414], %swap3A_1417 {strides = array<i32>} : memref<128x128xf32, #tpu.memory_space<vmem>>, vector<1x16xf32>,
        %get3A_1418 = arith.index_cast %add3A_1357 : i32 to index
        %get3A_1419 = arith.constant 96 : index
        %get3A_1420 = tpu.vector_load %arg9[%get3A_1418, %get3A_1419] {strides = array<i32>} : memref<128x128xf32, #tpu.memory_space<vmem>>, vector<1x16xf32>,
        %get3A_1421 = vector.shape_cast %get3A_1420 : vector<1x16xf32> to vector<16xf32>
        %mul3A_1422 = arith.mulf %get3A_1421, %broadcast_in_dim3A_1353 : vector<16xf32>
        %swap3A_1423 = arith.index_cast %add3A_1357 : i32 to index
        %swap3A_1424 = arith.constant 96 : index
        %swap3A_1425 = tpu.vector_load %arg9[%swap3A_1423, %swap3A_1424] {strides = array<i32>} : memref<128x128xf32, #tpu.memory_space<vmem>>, vector<1x16xf32>,
        %swap3A_1426 = vector.shape_cast %swap3A_1425 : vector<1x16xf32> to vector<16xf32>
        %swap3A_1427 = vector.shape_cast %mul3A_1422 : vector<16xf32> to vector<1x16xf32>
        tpu.vector_store %arg9[%swap3A_1423, %swap3A_1424], %swap3A_1427 {strides = array<i32>} : memref<128x128xf32, #tpu.memory_space<vmem>>, vector<1x16xf32>,
        %get3A_1428 = arith.index_cast %add3A_1357 : i32 to index
        %get3A_1429 = arith.constant 112 : index
        %get3A_1430 = tpu.vector_load %arg9[%get3A_1428, %get3A_1429] {strides = array<i32>} : memref<128x128xf32, #tpu.memory_space<vmem>>, vector<1x16xf32>,
        %get3A_1431 = vector.shape_cast %get3A_1430 : vector<1x16xf32> to vector<16xf32>
        %mul3A_1432 = arith.mulf %get3A_1431, %broadcast_in_dim3A_1353 : vector<16xf32>
        %swap3A_1433 = arith.index_cast %add3A_1357 : i32 to index
        %swap3A_1434 = arith.constant 112 : index
        %swap3A_1435 = tpu.vector_load %arg9[%swap3A_1433, %swap3A_1434] {strides = array<i32>} : memref<128x128xf32, #tpu.memory_space<vmem>>, vector<1x16xf32>,
        %swap3A_1436 = vector.shape_cast %swap3A_1435 : vector<1x16xf32> to vector<16xf32>
        %swap3A_1437 = vector.shape_cast %mul3A_1432 : vector<16xf32> to vector<1x16xf32>
        tpu.vector_store %arg9[%swap3A_1433, %swap3A_1434], %swap3A_1437 {strides = array<i32>} : memref<128x128xf32, #tpu.memory_space<vmem>>, vector<1x16xf32>,
        %slice3A_1438 = vector.extract_strided_slice %get3A_209 {offsets = [14], sizes = [1], strides = [1]} : vector<16xi32> to vector<1xi32>
        %squeeze3A_1439 = vector.extract %slice3A_1438[0] : i32 from vector<1xi32>
        %bitcast_convert_type3A_1440 = arith.bitcast %squeeze3A_1439 : i32 to f32
        %broadcast_in_dim3A_1441 = vector.broadcast %bitcast_convert_type3A_1440 : f32 to vector<16xf32>
        %mul3A_1442 = arith.constant 16 : i32
        %mul3A_1443 = arith.muli %scan3A_200, %mul3A_1442 : i32
        %add3A_1444 = arith.constant 14 : i32
        %add3A_1445 = arith.addi %mul3A_1443, %add3A_1444 : i32
        %get3A_1446 = arith.index_cast %add3A_1445 : i32 to index
        %get3A_1447 = arith.constant 0 : index
        %get3A_1448 = tpu.vector_load %arg9[%get3A_1446, %get3A_1447] {strides = array<i32>} : memref<128x128xf32, #tpu.memory_space<vmem>>, vector<1x16xf32>,
        %get3A_1449 = vector.shape_cast %get3A_1448 : vector<1x16xf32> to vector<16xf32>
        %mul3A_1450 = arith.mulf %get3A_1449, %broadcast_in_dim3A_1441 : vector<16xf32>
        %swap3A_1451 = arith.index_cast %add3A_1445 : i32 to index
        %swap3A_1452 = arith.constant 0 : index
        %swap3A_1453 = tpu.vector_load %arg9[%swap3A_1451, %swap3A_1452] {strides = array<i32>} : memref<128x128xf32, #tpu.memory_space<vmem>>, vector<1x16xf32>,
        %swap3A_1454 = vector.shape_cast %swap3A_1453 : vector<1x16xf32> to vector<16xf32>
        %swap3A_1455 = vector.shape_cast %mul3A_1450 : vector<16xf32> to vector<1x16xf32>
        tpu.vector_store %arg9[%swap3A_1451, %swap3A_1452], %swap3A_1455 {strides = array<i32>} : memref<128x128xf32, #tpu.memory_space<vmem>>, vector<1x16xf32>,
        %get3A_1456 = arith.index_cast %add3A_1445 : i32 to index
        %get3A_1457 = arith.constant 16 : index
        %get3A_1458 = tpu.vector_load %arg9[%get3A_1456, %get3A_1457] {strides = array<i32>} : memref<128x128xf32, #tpu.memory_space<vmem>>, vector<1x16xf32>,
        %get3A_1459 = vector.shape_cast %get3A_1458 : vector<1x16xf32> to vector<16xf32>
        %mul3A_1460 = arith.mulf %get3A_1459, %broadcast_in_dim3A_1441 : vector<16xf32>
        %swap3A_1461 = arith.index_cast %add3A_1445 : i32 to index
        %swap3A_1462 = arith.constant 16 : index
        %swap3A_1463 = tpu.vector_load %arg9[%swap3A_1461, %swap3A_1462] {strides = array<i32>} : memref<128x128xf32, #tpu.memory_space<vmem>>, vector<1x16xf32>,
        %swap3A_1464 = vector.shape_cast %swap3A_1463 : vector<1x16xf32> to vector<16xf32>
        %swap3A_1465 = vector.shape_cast %mul3A_1460 : vector<16xf32> to vector<1x16xf32>
        tpu.vector_store %arg9[%swap3A_1461, %swap3A_1462], %swap3A_1465 {strides = array<i32>} : memref<128x128xf32, #tpu.memory_space<vmem>>, vector<1x16xf32>,
        %get3A_1466 = arith.index_cast %add3A_1445 : i32 to index
        %get3A_1467 = arith.constant 32 : index
        %get3A_1468 = tpu.vector_load %arg9[%get3A_1466, %get3A_1467] {strides = array<i32>} : memref<128x128xf32, #tpu.memory_space<vmem>>, vector<1x16xf32>,
        %get3A_1469 = vector.shape_cast %get3A_1468 : vector<1x16xf32> to vector<16xf32>
        %mul3A_1470 = arith.mulf %get3A_1469, %broadcast_in_dim3A_1441 : vector<16xf32>
        %swap3A_1471 = arith.index_cast %add3A_1445 : i32 to index
        %swap3A_1472 = arith.constant 32 : index
        %swap3A_1473 = tpu.vector_load %arg9[%swap3A_1471, %swap3A_1472] {strides = array<i32>} : memref<128x128xf32, #tpu.memory_space<vmem>>, vector<1x16xf32>,
        %swap3A_1474 = vector.shape_cast %swap3A_1473 : vector<1x16xf32> to vector<16xf32>
        %swap3A_1475 = vector.shape_cast %mul3A_1470 : vector<16xf32> to vector<1x16xf32>
        tpu.vector_store %arg9[%swap3A_1471, %swap3A_1472], %swap3A_1475 {strides = array<i32>} : memref<128x128xf32, #tpu.memory_space<vmem>>, vector<1x16xf32>,
        %get3A_1476 = arith.index_cast %add3A_1445 : i32 to index
        %get3A_1477 = arith.constant 48 : index
        %get3A_1478 = tpu.vector_load %arg9[%get3A_1476, %get3A_1477] {strides = array<i32>} : memref<128x128xf32, #tpu.memory_space<vmem>>, vector<1x16xf32>,
        %get3A_1479 = vector.shape_cast %get3A_1478 : vector<1x16xf32> to vector<16xf32>
        %mul3A_1480 = arith.mulf %get3A_1479, %broadcast_in_dim3A_1441 : vector<16xf32>
        %swap3A_1481 = arith.index_cast %add3A_1445 : i32 to index
        %swap3A_1482 = arith.constant 48 : index
        %swap3A_1483 = tpu.vector_load %arg9[%swap3A_1481, %swap3A_1482] {strides = array<i32>} : memref<128x128xf32, #tpu.memory_space<vmem>>, vector<1x16xf32>,
        %swap3A_1484 = vector.shape_cast %swap3A_1483 : vector<1x16xf32> to vector<16xf32>
        %swap3A_1485 = vector.shape_cast %mul3A_1480 : vector<16xf32> to vector<1x16xf32>
        tpu.vector_store %arg9[%swap3A_1481, %swap3A_1482], %swap3A_1485 {strides = array<i32>} : memref<128x128xf32, #tpu.memory_space<vmem>>, vector<1x16xf32>,
        %get3A_1486 = arith.index_cast %add3A_1445 : i32 to index
        %get3A_1487 = arith.constant 64 : index
        %get3A_1488 = tpu.vector_load %arg9[%get3A_1486, %get3A_1487] {strides = array<i32>} : memref<128x128xf32, #tpu.memory_space<vmem>>, vector<1x16xf32>,
        %get3A_1489 = vector.shape_cast %get3A_1488 : vector<1x16xf32> to vector<16xf32>
        %mul3A_1490 = arith.mulf %get3A_1489, %broadcast_in_dim3A_1441 : vector<16xf32>
        %swap3A_1491 = arith.index_cast %add3A_1445 : i32 to index
        %swap3A_1492 = arith.constant 64 : index
        %swap3A_1493 = tpu.vector_load %arg9[%swap3A_1491, %swap3A_1492] {strides = array<i32>} : memref<128x128xf32, #tpu.memory_space<vmem>>, vector<1x16xf32>,
        %swap3A_1494 = vector.shape_cast %swap3A_1493 : vector<1x16xf32> to vector<16xf32>
        %swap3A_1495 = vector.shape_cast %mul3A_1490 : vector<16xf32> to vector<1x16xf32>
        tpu.vector_store %arg9[%swap3A_1491, %swap3A_1492], %swap3A_1495 {strides = array<i32>} : memref<128x128xf32, #tpu.memory_space<vmem>>, vector<1x16xf32>,
        %get3A_1496 = arith.index_cast %add3A_1445 : i32 to index
        %get3A_1497 = arith.constant 80 : index
        %get3A_1498 = tpu.vector_load %arg9[%get3A_1496, %get3A_1497] {strides = array<i32>} : memref<128x128xf32, #tpu.memory_space<vmem>>, vector<1x16xf32>,
        %get3A_1499 = vector.shape_cast %get3A_1498 : vector<1x16xf32> to vector<16xf32>
        %mul3A_1500 = arith.mulf %get3A_1499, %broadcast_in_dim3A_1441 : vector<16xf32>
        %swap3A_1501 = arith.index_cast %add3A_1445 : i32 to index
        %swap3A_1502 = arith.constant 80 : index
        %swap3A_1503 = tpu.vector_load %arg9[%swap3A_1501, %swap3A_1502] {strides = array<i32>} : memref<128x128xf32, #tpu.memory_space<vmem>>, vector<1x16xf32>,
        %swap3A_1504 = vector.shape_cast %swap3A_1503 : vector<1x16xf32> to vector<16xf32>
        %swap3A_1505 = vector.shape_cast %mul3A_1500 : vector<16xf32> to vector<1x16xf32>
        tpu.vector_store %arg9[%swap3A_1501, %swap3A_1502], %swap3A_1505 {strides = array<i32>} : memref<128x128xf32, #tpu.memory_space<vmem>>, vector<1x16xf32>,
        %get3A_1506 = arith.index_cast %add3A_1445 : i32 to index
        %get3A_1507 = arith.constant 96 : index
        %get3A_1508 = tpu.vector_load %arg9[%get3A_1506, %get3A_1507] {strides = array<i32>} : memref<128x128xf32, #tpu.memory_space<vmem>>, vector<1x16xf32>,
        %get3A_1509 = vector.shape_cast %get3A_1508 : vector<1x16xf32> to vector<16xf32>
        %mul3A_1510 = arith.mulf %get3A_1509, %broadcast_in_dim3A_1441 : vector<16xf32>
        %swap3A_1511 = arith.index_cast %add3A_1445 : i32 to index
        %swap3A_1512 = arith.constant 96 : index
        %swap3A_1513 = tpu.vector_load %arg9[%swap3A_1511, %swap3A_1512] {strides = array<i32>} : memref<128x128xf32, #tpu.memory_space<vmem>>, vector<1x16xf32>,
        %swap3A_1514 = vector.shape_cast %swap3A_1513 : vector<1x16xf32> to vector<16xf32>
        %swap3A_1515 = vector.shape_cast %mul3A_1510 : vector<16xf32> to vector<1x16xf32>
        tpu.vector_store %arg9[%swap3A_1511, %swap3A_1512], %swap3A_1515 {strides = array<i32>} : memref<128x128xf32, #tpu.memory_space<vmem>>, vector<1x16xf32>,
        %get3A_1516 = arith.index_cast %add3A_1445 : i32 to index
        %get3A_1517 = arith.constant 112 : index
        %get3A_1518 = tpu.vector_load %arg9[%get3A_1516, %get3A_1517] {strides = array<i32>} : memref<128x128xf32, #tpu.memory_space<vmem>>, vector<1x16xf32>,
        %get3A_1519 = vector.shape_cast %get3A_1518 : vector<1x16xf32> to vector<16xf32>
        %mul3A_1520 = arith.mulf %get3A_1519, %broadcast_in_dim3A_1441 : vector<16xf32>
        %swap3A_1521 = arith.index_cast %add3A_1445 : i32 to index
        %swap3A_1522 = arith.constant 112 : index
        %swap3A_1523 = tpu.vector_load %arg9[%swap3A_1521, %swap3A_1522] {strides = array<i32>} : memref<128x128xf32, #tpu.memory_space<vmem>>, vector<1x16xf32>,
        %swap3A_1524 = vector.shape_cast %swap3A_1523 : vector<1x16xf32> to vector<16xf32>
        %swap3A_1525 = vector.shape_cast %mul3A_1520 : vector<16xf32> to vector<1x16xf32>
        tpu.vector_store %arg9[%swap3A_1521, %swap3A_1522], %swap3A_1525 {strides = array<i32>} : memref<128x128xf32, #tpu.memory_space<vmem>>, vector<1x16xf32>,
        %slice3A_1526 = vector.extract_strided_slice %get3A_209 {offsets = [15], sizes = [1], strides = [1]} : vector<16xi32> to vector<1xi32>
        %squeeze3A_1527 = vector.extract %slice3A_1526[0] : i32 from vector<1xi32>
        %bitcast_convert_type3A_1528 = arith.bitcast %squeeze3A_1527 : i32 to f32
        %broadcast_in_dim3A_1529 = vector.broadcast %bitcast_convert_type3A_1528 : f32 to vector<16xf32>
        %mul3A_1530 = arith.constant 16 : i32
        %mul3A_1531 = arith.muli %scan3A_200, %mul3A_1530 : i32
        %add3A_1532 = arith.constant 15 : i32
        %add3A_1533 = arith.addi %mul3A_1531, %add3A_1532 : i32
        %get3A_1534 = arith.index_cast %add3A_1533 : i32 to index
        %get3A_1535 = arith.constant 0 : index
        %get3A_1536 = tpu.vector_load %arg9[%get3A_1534, %get3A_1535] {strides = array<i32>} : memref<128x128xf32, #tpu.memory_space<vmem>>, vector<1x16xf32>,
        %get3A_1537 = vector.shape_cast %get3A_1536 : vector<1x16xf32> to vector<16xf32>
        %mul3A_1538 = arith.mulf %get3A_1537, %broadcast_in_dim3A_1529 : vector<16xf32>
        %swap3A_1539 = arith.index_cast %add3A_1533 : i32 to index
        %swap3A_1540 = arith.constant 0 : index
        %swap3A_1541 = tpu.vector_load %arg9[%swap3A_1539, %swap3A_1540] {strides = array<i32>} : memref<128x128xf32, #tpu.memory_space<vmem>>, vector<1x16xf32>,
        %swap3A_1542 = vector.shape_cast %swap3A_1541 : vector<1x16xf32> to vector<16xf32>
        %swap3A_1543 = vector.shape_cast %mul3A_1538 : vector<16xf32> to vector<1x16xf32>
        tpu.vector_store %arg9[%swap3A_1539, %swap3A_1540], %swap3A_1543 {strides = array<i32>} : memref<128x128xf32, #tpu.memory_space<vmem>>, vector<1x16xf32>,
        %get3A_1544 = arith.index_cast %add3A_1533 : i32 to index
        %get3A_1545 = arith.constant 16 : index
        %get3A_1546 = tpu.vector_load %arg9[%get3A_1544, %get3A_1545] {strides = array<i32>} : memref<128x128xf32, #tpu.memory_space<vmem>>, vector<1x16xf32>,
        %get3A_1547 = vector.shape_cast %get3A_1546 : vector<1x16xf32> to vector<16xf32>
        %mul3A_1548 = arith.mulf %get3A_1547, %broadcast_in_dim3A_1529 : vector<16xf32>
        %swap3A_1549 = arith.index_cast %add3A_1533 : i32 to index
        %swap3A_1550 = arith.constant 16 : index
        %swap3A_1551 = tpu.vector_load %arg9[%swap3A_1549, %swap3A_1550] {strides = array<i32>} : memref<128x128xf32, #tpu.memory_space<vmem>>, vector<1x16xf32>,
        %swap3A_1552 = vector.shape_cast %swap3A_1551 : vector<1x16xf32> to vector<16xf32>
        %swap3A_1553 = vector.shape_cast %mul3A_1548 : vector<16xf32> to vector<1x16xf32>
        tpu.vector_store %arg9[%swap3A_1549, %swap3A_1550], %swap3A_1553 {strides = array<i32>} : memref<128x128xf32, #tpu.memory_space<vmem>>, vector<1x16xf32>,
        %get3A_1554 = arith.index_cast %add3A_1533 : i32 to index
        %get3A_1555 = arith.constant 32 : index
        %get3A_1556 = tpu.vector_load %arg9[%get3A_1554, %get3A_1555] {strides = array<i32>} : memref<128x128xf32, #tpu.memory_space<vmem>>, vector<1x16xf32>,
        %get3A_1557 = vector.shape_cast %get3A_1556 : vector<1x16xf32> to vector<16xf32>
        %mul3A_1558 = arith.mulf %get3A_1557, %broadcast_in_dim3A_1529 : vector<16xf32>
        %swap3A_1559 = arith.index_cast %add3A_1533 : i32 to index
        %swap3A_1560 = arith.constant 32 : index
        %swap3A_1561 = tpu.vector_load %arg9[%swap3A_1559, %swap3A_1560] {strides = array<i32>} : memref<128x128xf32, #tpu.memory_space<vmem>>, vector<1x16xf32>,
        %swap3A_1562 = vector.shape_cast %swap3A_1561 : vector<1x16xf32> to vector<16xf32>
        %swap3A_1563 = vector.shape_cast %mul3A_1558 : vector<16xf32> to vector<1x16xf32>
        tpu.vector_store %arg9[%swap3A_1559, %swap3A_1560], %swap3A_1563 {strides = array<i32>} : memref<128x128xf32, #tpu.memory_space<vmem>>, vector<1x16xf32>,
        %get3A_1564 = arith.index_cast %add3A_1533 : i32 to index
        %get3A_1565 = arith.constant 48 : index
        %get3A_1566 = tpu.vector_load %arg9[%get3A_1564, %get3A_1565] {strides = array<i32>} : memref<128x128xf32, #tpu.memory_space<vmem>>, vector<1x16xf32>,
        %get3A_1567 = vector.shape_cast %get3A_1566 : vector<1x16xf32> to vector<16xf32>
        %mul3A_1568 = arith.mulf %get3A_1567, %broadcast_in_dim3A_1529 : vector<16xf32>
        %swap3A_1569 = arith.index_cast %add3A_1533 : i32 to index
        %swap3A_1570 = arith.constant 48 : index
        %swap3A_1571 = tpu.vector_load %arg9[%swap3A_1569, %swap3A_1570] {strides = array<i32>} : memref<128x128xf32, #tpu.memory_space<vmem>>, vector<1x16xf32>,
        %swap3A_1572 = vector.shape_cast %swap3A_1571 : vector<1x16xf32> to vector<16xf32>
        %swap3A_1573 = vector.shape_cast %mul3A_1568 : vector<16xf32> to vector<1x16xf32>
        tpu.vector_store %arg9[%swap3A_1569, %swap3A_1570], %swap3A_1573 {strides = array<i32>} : memref<128x128xf32, #tpu.memory_space<vmem>>, vector<1x16xf32>,
        %get3A_1574 = arith.index_cast %add3A_1533 : i32 to index
        %get3A_1575 = arith.constant 64 : index
        %get3A_1576 = tpu.vector_load %arg9[%get3A_1574, %get3A_1575] {strides = array<i32>} : memref<128x128xf32, #tpu.memory_space<vmem>>, vector<1x16xf32>,
        %get3A_1577 = vector.shape_cast %get3A_1576 : vector<1x16xf32> to vector<16xf32>
        %mul3A_1578 = arith.mulf %get3A_1577, %broadcast_in_dim3A_1529 : vector<16xf32>
        %swap3A_1579 = arith.index_cast %add3A_1533 : i32 to index
        %swap3A_1580 = arith.constant 64 : index
        %swap3A_1581 = tpu.vector_load %arg9[%swap3A_1579, %swap3A_1580] {strides = array<i32>} : memref<128x128xf32, #tpu.memory_space<vmem>>, vector<1x16xf32>,
        %swap3A_1582 = vector.shape_cast %swap3A_1581 : vector<1x16xf32> to vector<16xf32>
        %swap3A_1583 = vector.shape_cast %mul3A_1578 : vector<16xf32> to vector<1x16xf32>
        tpu.vector_store %arg9[%swap3A_1579, %swap3A_1580], %swap3A_1583 {strides = array<i32>} : memref<128x128xf32, #tpu.memory_space<vmem>>, vector<1x16xf32>,
        %get3A_1584 = arith.index_cast %add3A_1533 : i32 to index
        %get3A_1585 = arith.constant 80 : index
        %get3A_1586 = tpu.vector_load %arg9[%get3A_1584, %get3A_1585] {strides = array<i32>} : memref<128x128xf32, #tpu.memory_space<vmem>>, vector<1x16xf32>,
        %get3A_1587 = vector.shape_cast %get3A_1586 : vector<1x16xf32> to vector<16xf32>
        %mul3A_1588 = arith.mulf %get3A_1587, %broadcast_in_dim3A_1529 : vector<16xf32>
        %swap3A_1589 = arith.index_cast %add3A_1533 : i32 to index
        %swap3A_1590 = arith.constant 80 : index
        %swap3A_1591 = tpu.vector_load %arg9[%swap3A_1589, %swap3A_1590] {strides = array<i32>} : memref<128x128xf32, #tpu.memory_space<vmem>>, vector<1x16xf32>,
        %swap3A_1592 = vector.shape_cast %swap3A_1591 : vector<1x16xf32> to vector<16xf32>
        %swap3A_1593 = vector.shape_cast %mul3A_1588 : vector<16xf32> to vector<1x16xf32>
        tpu.vector_store %arg9[%swap3A_1589, %swap3A_1590], %swap3A_1593 {strides = array<i32>} : memref<128x128xf32, #tpu.memory_space<vmem>>, vector<1x16xf32>,
        %get3A_1594 = arith.index_cast %add3A_1533 : i32 to index
        %get3A_1595 = arith.constant 96 : index
        %get3A_1596 = tpu.vector_load %arg9[%get3A_1594, %get3A_1595] {strides = array<i32>} : memref<128x128xf32, #tpu.memory_space<vmem>>, vector<1x16xf32>,
        %get3A_1597 = vector.shape_cast %get3A_1596 : vector<1x16xf32> to vector<16xf32>
        %mul3A_1598 = arith.mulf %get3A_1597, %broadcast_in_dim3A_1529 : vector<16xf32>
        %swap3A_1599 = arith.index_cast %add3A_1533 : i32 to index
        %swap3A_1600 = arith.constant 96 : index
        %swap3A_1601 = tpu.vector_load %arg9[%swap3A_1599, %swap3A_1600] {strides = array<i32>} : memref<128x128xf32, #tpu.memory_space<vmem>>, vector<1x16xf32>,
        %swap3A_1602 = vector.shape_cast %swap3A_1601 : vector<1x16xf32> to vector<16xf32>
        %swap3A_1603 = vector.shape_cast %mul3A_1598 : vector<16xf32> to vector<1x16xf32>
        tpu.vector_store %arg9[%swap3A_1599, %swap3A_1600], %swap3A_1603 {strides = array<i32>} : memref<128x128xf32, #tpu.memory_space<vmem>>, vector<1x16xf32>,
        %get3A_1604 = arith.index_cast %add3A_1533 : i32 to index
        %get3A_1605 = arith.constant 112 : index
        %get3A_1606 = tpu.vector_load %arg9[%get3A_1604, %get3A_1605] {strides = array<i32>} : memref<128x128xf32, #tpu.memory_space<vmem>>, vector<1x16xf32>,
        %get3A_1607 = vector.shape_cast %get3A_1606 : vector<1x16xf32> to vector<16xf32>
        %mul3A_1608 = arith.mulf %get3A_1607, %broadcast_in_dim3A_1529 : vector<16xf32>
        %swap3A_1609 = arith.index_cast %add3A_1533 : i32 to index
        %swap3A_1610 = arith.constant 112 : index
        %swap3A_1611 = tpu.vector_load %arg9[%swap3A_1609, %swap3A_1610] {strides = array<i32>} : memref<128x128xf32, #tpu.memory_space<vmem>>, vector<1x16xf32>,
        %swap3A_1612 = vector.shape_cast %swap3A_1611 : vector<1x16xf32> to vector<16xf32>
        %swap3A_1613 = vector.shape_cast %mul3A_1608 : vector<16xf32> to vector<1x16xf32>
        tpu.vector_store %arg9[%swap3A_1609, %swap3A_1610], %swap3A_1613 {strides = array<i32>} : memref<128x128xf32, #tpu.memory_space<vmem>>, vector<1x16xf32>,
        %scan3A_1614 = arith.constant 0 : i32
        scf.yield %scan3A_1614 : i32
      }
      %scan3A_196 = arith.constant 8 : i32
      "tpu.region"() ({
        %run_scoped3A = tpu.sem_alloc : memref<!tpu.dma_semaphore, #tpu.memory_space<semaphore_mem>>
        %dma_start3A_200 = arith.constant 0 : i32
        %dma_start3A_201 = arith.constant 0 : i32
        %dma_start3A_202 = tpu.memref_slice %arg5[%dma_start3A_200, %dma_start3A_201] : memref<10000x128xf32, #tpu.memory_space<vmem_shared>> -> memref<10000x128xf32, #tpu.memory_space<vmem_shared>>
        tpu.enqueue_indirect_dma source(%arg9 : memref<128x128xf32, #tpu.memory_space<vmem>>) target(%dma_start3A_202 : memref<10000x128xf32, #tpu.memory_space<vmem_shared>>) offsets(%arg8 : memref<128xi32, #tpu.memory_space<vmem>>) semaphore(%run_scoped3A : memref<!tpu.dma_semaphore, #tpu.memory_space<semaphore_mem>>) {add = true}
        %dma_wait3A_203 = arith.constant 0 : i32
        %dma_wait3A_204 = arith.constant 0 : i32
        %dma_wait3A_205 = tpu.memref_slice %arg5[%dma_wait3A_203, %dma_wait3A_204] : memref<10000x128xf32, #tpu.memory_space<vmem_shared>> -> memref<10000x128xf32, #tpu.memory_space<vmem_shared>>
        tpu.wait_indirect_dma semaphore(%run_scoped3A : memref<!tpu.dma_semaphore, #tpu.memory_space<semaphore_mem>>) src(%arg9 : memref<128x128xf32, #tpu.memory_space<vmem>>) dst(%dma_wait3A_205 : memref<10000x128xf32, #tpu.memory_space<vmem_shared>>)
        tpu.yield
      }) : () -> ()
      %scan3A_197 = arith.constant 0 : i32
      %scan3A_198 = arith.constant 1 : i32
      %scan3A_199 = arith.constant 0 : i32
      scf.yield %scan3A_199 : i32
    }
    %scan3A_10 = arith.constant 79 : i32
    %barrier3A_11 = arith.constant 0 : index
    tpu.barrier barrier_id(%barrier3A_11)
    %lt3A_12 = arith.constant 10 : i32
    %lt3A_13 = arith.cmpi slt, %arg1, %lt3A_12 : i32
    %convert_element_type3A_14 = arith.extui %lt3A_13 : i1 to i32
    %cond3A_15 = arith.constant 0 : i32
    %cond3A_16 = arith.cmpi ne, %convert_element_type3A_14, %cond3A_15 : i32
    scf.if %cond3A_16 {
      %mul3A_17 = arith.constant 1000 : i32
      %mul3A_18 = arith.muli %arg1, %mul3A_17 : i32
      %mul3A_19 = arith.constant 1000 : i32
      %mul3A_20 = arith.muli %arg1, %mul3A_19 : i32
      "tpu.region"() ({
        %run_scoped3A = tpu.sem_alloc : memref<!tpu.dma_semaphore, #tpu.memory_space<semaphore_mem>>
        %dma_start3A = arith.constant 0 : i32
        %dma_start3A_21 = tpu.memref_slice %arg4[%arg0, %mul3A_20, %dma_start3A] : memref<2x10000x128xf32, #tpu.memory_space<hbm>> -> memref<1x1000x128xf32, #tpu.memory_space<hbm>>
        %dma_start3A_22 = tpu.memref_squeeze %dma_start3A_21 : memref<1x1000x128xf32, #tpu.memory_space<hbm>> -> memref<1000x128xf32, #tpu.memory_space<hbm>>
        %dma_start3A_23 = arith.constant 0 : i32
        %dma_start3A_24 = tpu.memref_slice %arg5[%mul3A_18, %dma_start3A_23] : memref<10000x128xf32, #tpu.memory_space<vmem_shared>> -> memref<1000x128xf32, #tpu.memory_space<vmem_shared>>
        tpu.enqueue_dma source(%dma_start3A_24 : memref<1000x128xf32, #tpu.memory_space<vmem_shared>>) target(%dma_start3A_22 : memref<1000x128xf32, #tpu.memory_space<hbm>>) target_semaphore(%run_scoped3A : memref<!tpu.dma_semaphore, #tpu.memory_space<semaphore_mem>>)
        %dma_wait3A = arith.constant 0 : i32
        %dma_wait3A_25 = tpu.memref_slice %arg4[%arg0, %mul3A_20, %dma_wait3A] : memref<2x10000x128xf32, #tpu.memory_space<hbm>> -> memref<1x1000x128xf32, #tpu.memory_space<hbm>>
        %dma_wait3A_26 = tpu.memref_squeeze %dma_wait3A_25 : memref<1x1000x128xf32, #tpu.memory_space<hbm>> -> memref<1000x128xf32, #tpu.memory_space<hbm>>
        %dma_wait3A_27 = arith.constant 0 : i32
        %dma_wait3A_28 = tpu.memref_slice %arg5[%mul3A_18, %dma_wait3A_27] : memref<10000x128xf32, #tpu.memory_space<vmem_shared>> -> memref<1000x128xf32, #tpu.memory_space<vmem_shared>>
        tpu.wait_dma2 semaphore(%run_scoped3A : memref<!tpu.dma_semaphore, #tpu.memory_space<semaphore_mem>>) src(%dma_wait3A_28 : memref<1000x128xf32, #tpu.memory_space<vmem_shared>>) dst(%dma_wait3A_26 : memref<1000x128xf32, #tpu.memory_space<hbm>>)
        tpu.yield
      }) : () -> ()
    } else {
    }
    return
  }
}

module attributes {stable_mosaic.version = 14 : i64} {
  func.func @_combine_body(%arg0: i32, %arg1: memref<2x1000x128xf32, #tpu.memory_space<vmem>>, %arg2: memref<1000x128xf32, #tpu.memory_space<vmem>>) attributes {dimension_semantics = [#tpu.dimension_semantics<arbitrary>], iteration_bounds = array<i64: 10>, scalar_prefetch = 0 : i64, scratch_operands = 0 : i64, tpu.core_type = #tpu.core_type<tc>, window_params = [{transform_indices = @transform_0, window_bounds = array<i64: 2, 1000, 128>}, {transform_indices = @transform_1, window_bounds = array<i64: 1000, 128>}]} {
    %get3A = arith.constant 0 : index
    %get3A_0 = arith.constant 0 : index
    %get3A_1 = arith.constant 0 : index
    %get3A_2 = vector.load %arg1[%get3A, %get3A_0, %get3A_1] : memref<2x1000x128xf32, #tpu.memory_space<vmem>>, vector<1x1000x128xf32>
    %get3A_3 = vector.shape_cast %get3A_2 : vector<1x1000x128xf32> to vector<1000x128xf32>
    %get3A_4 = arith.constant 1 : index
    %get3A_5 = arith.constant 0 : index
    %get3A_6 = arith.constant 0 : index
    %get3A_7 = vector.load %arg1[%get3A_4, %get3A_5, %get3A_6] : memref<2x1000x128xf32, #tpu.memory_space<vmem>>, vector<1x1000x128xf32>
    %get3A_8 = vector.shape_cast %get3A_7 : vector<1x1000x128xf32> to vector<1000x128xf32>
    %add3A = arith.addf %get3A_3, %get3A_8 : vector<1000x128xf32>
    %swap3A = arith.constant 0 : index
    %swap3A_9 = arith.constant 0 : index
    %swap3A_10 = vector.load %arg2[%swap3A, %swap3A_9] : memref<1000x128xf32, #tpu.memory_space<vmem>>, vector<1000x128xf32>
    tpu.vector_store %arg2[%swap3A, %swap3A_9], %add3A {strides = array<i32>} : memref<1000x128xf32, #tpu.memory_space<vmem>>, vector<1000x128xf32>,
    return
  }
  func.func @transform_0(%arg0: i32) -> (i32, i32, i32) {
    %c0_i32 = arith.constant 0 : i32
    %c0_i32_0 = arith.constant 0 : i32
    %c0_i32_1 = arith.constant 0 : i32
    return %c0_i32, %arg0, %c0_i32_0 : i32, i32, i32
  }
  func.func @transform_1(%arg0: i32) -> (i32, i32) {
    %c0_i32 = arith.constant 0 : i32
    %c0_i32_0 = arith.constant 0 : i32
    return %arg0, %c0_i32 : i32, i32
  }
}

</mosaic_0001>

<sc_bundles>
// kernel: kernel.4.cloned.1.call-start
scs
__scs_entry_jumppad:
0x0: {  	(pc) =	sbr.rel $0x88, $3  }
0x1: {  	(tag) =	ssettag $0x0;
	lr =	simm.s32 $0x1  }
0x2: {  	[smem:$0x3F9E] =	sst lr;
	_ =	strace $0xD0000000  }
0x3: {  	_ = 	snop  }
0x4: {  	_ = 	snop  }
0x5: {  	_ = 	snop  }
0x6: {  	_ = 	snop  }
0x7: {  	_ = 	snop  }
__scs_overlays_trampoline_lowered:
0x8: {  	[smem:$0x3FAD] =	sst s0  }
0x9: {  	[smem:$0x3FAE] =	sst s1  }
0xa: {  	[smem:$0x3FAF] =	sst s2  }
0xb: {  	[smem:$0x3FB0] =	sst s3  }
0xc: {  	[smem:$0x3FB1] =	sst s4  }
0xd: {  	[smem:$0x3FB2] =	sst s5  }
0xe: {  	[smem:$0x3FB3] =	sst s6  }
0xf: {  	[smem:$0x3FB4] =	sst s7  }
0x10: {  	[smem:$0x3FB5] =	sst s8  }
0x11: {  	[smem:$0x3FB6] =	sst s9;
	s0 =	simm.s32 @!p0 $0x0  }
0x12: {  	s1 =	sld [smem:$0x3F9C];
	s0 =	simm.s32 @p0 $0x1  }
0x13: {  	[smem:$0x3FB7] =	sst s0;
	s0 =	simm.s32 @!p1 $0x0  }
0x14: {  	s2 =	sld [smem:$0x3F9B];
	s0 =	simm.s32 @p1 $0x1  }
0x15: {  	[smem:$0x3FB8] =	sst s0;
	s0 =	simm.s32 @!p2 $0x0  }
0x16: {  	s3 =	sld [smem:$0x3FDB];
	s0 =	simm.s32 @p2 $0x1  }
0x17: {  	s4 =	simm.s32 $0x1BF5;
	[smem:$0x3FBA] =	sst s0  }
0x18: {  	s0 =	sld [smem:$0x3F9D];
	_ =	swait.ge [sflag:s4], $0x0  }
0x19: {  	s7 =	sld [smem:$0x3F9E]  }
0x1a: {  	s8 =	sadd.s32 $0xFFFFE003, lr  }
0x1b: {  	s9 =	sadd.s32 $0xFFFFFEF7, lr;
	s5 =	simm.s32 $0xFFFFFFFF;
	p2 =	slt.u32 s8, $0xFFFFF086  }
0x1c: {  	p1 =	slt.u32 s9, $0xF7A;
	s5 =	simm.s32 @!p2 $0x0  }
0x1d: {  	s5 =	simm.s32 @p1 $0x1;
	p0 =	seq.s32 s7, s2  }
0x1e: {  	s7 =	smul.u32 @!p0 $0xF7A, s2;
	p2 =	seq.s32 @!p0 s5, $0x0  }
0x1f: {  	s9 =	smul.u32 $0xF7A, s1;
	s8 =	simm.s32 @!p0 $0x1BF5;
	p2 =	por !p2, p0  }
0x20: {  	[sflag:s8] =	ssyncset.s32 @!p0 $0xFFFFF086;
	s6 =	sadd.s32 @!p0 s3, s7;
	s7 =	simm.s32 @!p0 $0x108  }
0x21: {  	s3 =	sadd.s32 s3, s9;
	s6 =	sadd.s32 @!p0 $0x88, s6;
	s7 =	simm.s32 @p2 $0x1082  }
0x22: {  	[simem:s7], [sflag:s8] =	dma.local @!p0 [hbm:s6], $0xF7A  }
0x23: {  	s9 =	sor.u32 $0xD0000000, s2;
	s6 =	simm.s32 $0x108;
	_ =	swait.ge @!p0 [sflag:s8], $0x0  }
0x24: {  	s3 =	sadd.s32 $0x88, s3;
	s6 =	simm.s32 @!p1 $0x1082;
	[sflag:s4] =	ssyncset.s32 $0xFFFFF086  }
0x25: {  	[simem:s6], [sflag:s4] =	dma.local [hbm:s3], $0xF7A  }
0x26: {  	[smem:$0x3F9E] =	sst s1;
	(tag) =	ssettag s2;
	_ =	strace s9  }
0x27: {  	s1 =	sld [smem:$0x3FAE]  }
0x28: {  	s2 =	sld [smem:$0x3FAF]  }
0x29: {  	s4 =	sld [smem:$0x3FB1]  }
0x2a: {  	p0 =	seq.s32 s5, $0x0;
	s5 =	sld [smem:$0x3FB2]  }
0x2b: {  	s6 =	sld [smem:$0x3FB3]  }
0x2c: {  	s7 =	sld [smem:$0x3FB4]  }
0x2d: {  	s3 =	simm.s32 $0x108;
	s8 =	sld [smem:$0x3FB5]  }
0x2e: {  	s3 =	simm.s32 @!p0 $0x1082;
	s9 =	sld [smem:$0x3FB6]  }
0x2f: {  	lr =	sadd.s32 s0, s3;
	s0 =	sld [smem:$0x3FAD]  }
0x30: {  	s3 =	sld [smem:$0x3FB0]  }
0x31: {  	[smem:$0x3FB9] =	sst s10  }
0x32: {  	s10 =	sld [smem:$0x3FB7];
	_ =	sdelay $0x3  }
0x33: {  	p0 =	seq.s32 s10, $0x1;
	s10 =	sld [smem:$0x3FB9];
	_ =	sdelay $0x3  }
0x34: {  	[smem:$0x3FB9] =	sst s10  }
0x35: {  	s10 =	sld [smem:$0x3FB8];
	_ =	sdelay $0x3  }
0x36: {  	p1 =	seq.s32 s10, $0x1;
	s10 =	sld [smem:$0x3FB9];
	_ =	sdelay $0x3  }
0x37: {  	[smem:$0x3FB9] =	sst s10  }
0x38: {  	s10 =	sld [smem:$0x3FBA]  }
0x39: {  	_ = 	snop;
	(pc) =	sbr.ind lr, $3  }
0x3a: {  	_ = 	snop  }
0x3b: {  	_ = 	snop  }
0x3c: {  	p2 =	seq.s32 s10, $0x1;
	s10 =	sld [smem:$0x3FB9]  }
0x3d: {  	_ =	shalt  }
0x3e: {  	_ =	shalt  }
0x3f: {  	_ =	shalt  }
0x40: {  	_ =	shalt  }
0x41: {  	_ =	shalt  }
0x42: {  	_ =	shalt  }
0x43: {  	_ =	shalt  }
0x44: {  	_ =	shalt  }
0x45: {  	_ =	shalt  }
0x46: {  	_ =	shalt  }
0x47: {  	_ =	shalt  }
0x48: {  	_ =	shalt  }
0x49: {  	_ =	shalt  }
0x4a: {  	_ =	shalt  }
0x4b: {  	_ =	shalt  }
0x4c: {  	_ =	shalt  }
0x4d: {  	_ =	shalt  }
0x4e: {  	_ =	shalt  }
0x4f: {  	_ =	shalt  }
0x50: {  	_ =	shalt  }
0x51: {  	_ =	shalt  }
0x52: {  	_ =	shalt  }
0x53: {  	_ =	shalt  }
0x54: {  	_ =	shalt  }
0x55: {  	_ =	shalt  }
0x56: {  	_ =	shalt  }
0x57: {  	_ =	shalt  }
0x58: {  	_ =	shalt  }
0x59: {  	_ =	shalt  }
0x5a: {  	_ =	shalt  }
0x5b: {  	_ =	shalt  }
0x5c: {  	_ =	shalt  }
0x5d: {  	_ =	shalt  }
0x5e: {  	_ =	shalt  }
0x5f: {  	_ =	shalt  }
0x60: {  	_ =	shalt  }
0x61: {  	_ =	shalt  }
0x62: {  	_ =	shalt  }
0x63: {  	_ =	shalt  }
0x64: {  	_ =	shalt  }
0x65: {  	_ =	shalt  }
0x66: {  	_ =	shalt  }
0x67: {  	_ =	shalt  }
0x68: {  	_ =	shalt  }
0x69: {  	_ =	shalt  }
0x6a: {  	_ =	shalt  }
0x6b: {  	_ =	shalt  }
0x6c: {  	_ =	shalt  }
0x6d: {  	_ =	shalt  }
0x6e: {  	_ =	shalt  }
0x6f: {  	_ =	shalt  }
0x70: {  	_ =	shalt  }
0x71: {  	_ =	shalt  }
0x72: {  	_ =	shalt  }
0x73: {  	_ =	shalt  }
0x74: {  	_ =	shalt  }
0x75: {  	_ =	shalt  }
0x76: {  	_ =	shalt  }
0x77: {  	_ =	shalt  }
0x78: {  	_ =	shalt  }
0x79: {  	_ =	shalt  }
0x7a: {  	_ =	shalt  }
0x7b: {  	_ =	shalt  }
0x7c: {  	_ =	shalt  }
0x7d: {  	_ =	shalt  }
0x7e: {  	_ =	shalt  }
0x7f: {  	_ =	shalt  }
0x80: {  	_ =	shalt  }
0x81: {  	_ =	shalt  }
0x82: {  	_ =	shalt  }
0x83: {  	_ =	shalt  }
0x84: {  	_ =	shalt  }
0x85: {  	_ =	shalt  }
0x86: {  	_ =	shalt  }
0x87: {  	_ =	shalt  }
.Lfunc_end0:
.L_simem_size_0:
called_computation_lowered:
.L_overlay_start_0:
0x88: {  	s2 =	sld [smem:$0x3FD9]  }
0x89: {  	s3 =	sld [smem:$0x3FFE];
	_ =	sdelay $0x1  }
0x8a: {  	s1 =	srdreg.scid  }
0x8b: {  	s0 =	sand.u32 $0x1, s1  }
0x8c: {  	s17 =	sshll.u32 s0, $0xA;
	s2 =	sadd.s32 s3, s2  }
0x8d: {  	s2 =	sadd.s32 s2, s17  }
0x8e: {  	[smem:$0x3FC5] =	sst s2  }
0x8f: {  	_ = 	snop  }
0x90: {  	s2 =	sld [smem:$0x3FC9]  }
0x91: {  	s18 =	sld [smem:$0x3FD0];
	(tm) =	ssettm $0x1  }
0x92: {  	s4 =	sld [smem:$0x3FFB];
	_ =	sdelay $0x3  }
0x93: {  	_ =	strace s4  }
0x94: {  	s4 =	sld [smem:$0x3FFC];
	_ =	sdelay $0x3  }
0x95: {  	_ =	strace s4  }
0x96: {  	s4 =	sld [smem:$0x3FFD];
	_ =	sdelay $0x3  }
0x97: {  	_ =	strace s4  }
0x98: {  	_ =	strace $0x8FFFFFFF  }
0x99: {  	s19 =	sld [smem:$0x3FDB];
	_ =	sdelay $0x1  }
0x9a: {  	s5 =	simm.s32 $_scs_section_size  }
0x9b: {  	s6 =	simm.s32 $_size__tile_overlayer_lowered;
	s7 =	simm.s32 $_tile_overlayer_lowered  }
0x9c: {  	s22 =	simm.s32 $0x1BFF;
	s21 =	sshll.u32 s7, $0x1;
	s4 =	sadd.s32 s5, s19  }
0x9d: {  	s8 =	simm.s32 $0x0;
	s20 =	sshll.u32 s6, $0x1;
	s6 =	sadd.s32 s21, s4  }
0x9e: {  	[timem:s8], [sflag:s22] =	dma.local [hbm:s6], s20  }
0x9f: {  	_ =	swait.ge [sflag:s22], s20  }
0xa0: {  	s5 =	ssub.s32 $0x0, s20;
	[sflag:s22] =	ssyncset.done $0x0  }
0xa1: {  	[sflag:s22] =	ssyncadd.s32 s5;
	_ =	sdelay $0x1  }
0xa2: {  	s23 =	simm.s32 $0x1B8B  }
0xa3: {  	_ =	swait.ge [sflag:s23], $0x1  }
0xa4: {  	[sflag:s23] =	ssyncset.done $0x0  }
0xa5: {  	s25 =	simm.s32 $0x1B8E;
	s24 =	sld [smem:$0x3FFE];
	[sflag:s23] =	ssyncadd.s32 $0xFFFFFFFF  }
0xa6: {  	s26 =	simm.s32 $execute0_lowered;
	[smem:$0x3FD2] =	sst s25  }
0xa7: {  	s6 =	sshll.u32 s26, $0x1;
	_ =	strace $0x80000046;
	[dreg:$0x1] =	wrdreg $0xFFFFFFFF  }
0xa8: {  	s28 =	simm.s32 $_size_execute0_lowered;
	s4 =	sadd.s32 s4, s6;
	[dreg:$0x0] =	wrdreg $0x0  }
0xa9: {  	s6 =	sshll.u32 s28, $0x1;
	[dreg:$0x2] =	wrdreg s4  }
0xaa: {  	[dreg:$0x3] =	wrdreg s6  }
0xab: {  	[dreg:$0x4] =	wrdreg $0xC0  }
0xac: {  	_ =	task [dreg:s8], $0x5FFFF  }
0xad: {  	[dreg:$0x1] =	wrdreg $0xFFFFFFFF  }
0xae: {  	[dreg:$0x0] =	wrdreg $0x60  }
0xaf: {  	[dreg:$0x2] =	wrdreg s2  }
0xb0: {  	[dreg:$0x3] =	wrdreg s18  }
0xb1: {  	[dreg:$0x4] =	wrdreg s24  }
0xb2: {  	[dreg:$0x5] =	wrdreg $0x0  }
0xb3: {  	[dreg:$0x6] =	wrdreg $0x9  }
0xb4: {  	_ =	task.clear_ibuf [dreg:s8], $0x7FFFF;
	_ =	strace $0x90000046  }
0xb5: {  	s29 =	simm.s32 $0x9;
	_ =	strace $0x80000048  }
0xb6: {  	_ =	swait.ge [sflag:s29], $0x1  }
0xb7: {  	[sflag:s29] =	ssyncadd.s32 $0xFFFFFFFF  }
0xb8: {  	_ =	strace $0x90000048  }
0xb9: {  	_ =	sfence  }
0xba: {  	s30 =	sld [smem:$0x0];
	_ =	sdelay $0x2  }
0xbb: {  	s31 =	sshll.u32 s1, $0xD;
	s1 =	sshrl.u32 s1, $0x2  }
0xbc: {  	s3 =	sand.u32 $0x4000, s31;
	s1 =	sadd.s32 s1, s30  }
0xbd: {  	s0 =	sor.u32 s3, s0;
	s1 =	sshll.u32 s1, $0x11  }
0xbe: {  	s0 =	sor.u32 s1, s0  }
0xbf: {  	s0 =	sadd.s32 $0x8F2B, s0  }
0xc0: {  	[sflag:s0] =	ssyncadd.remote.s32 $0x1  }
0xc1: {  	_ =	sfence.sel $0xFFFF  }
0xc2: {  	[dreg:$0x0] =	wrdreg $0xFFFFFFFF;
	(pc) =	sbr.abs _section_cstart, $3  }
0xc3: {  	[dreg:$0x1] =	wrdreg $0xFFFFFFFF  }
0xc4: {  	_ =	task.clear_ibuf [dreg:s8], $0x2FFFF;
	_ =	strace $0x9FFFFFFF  }
0xc5: {  	(tm) =	ssettm $0x7FFFFFFF  }
tec
execute0_lowered:
.L_overlay_start_1:
0x0: {  	(tag) =	ssettag $0x1  }
0x1: {  	s0 =	rddreg [dreg:$0x0]  }
0x2: {  	s2 =	rddreg [dreg:$0x1]  }
0x3: {  	s6 =	rddreg [dreg:$0x2]  }
0x4: {  	s4 =	rddreg [dreg:$0x3]  }
0x5: {  	s1 =	srdreg.scid;
	s3 =	rddreg [dreg:$0x4];
	s5 =	simm.s32 $0x0  }
0x6: {  	s17 =	simm.s32 $0x13B00;
	s18 =	simm.s32 $0x2;
	s19 =	simm.s32 $0x13880  }
0x7: {  	s20 =	simm.s32 $0x80;
	s21 =	simm.s32 $0x13A00;
	s7 =	sand.u32 $0x1, s1  }
0x8: {  	s22 =	simm.s32 $0x1;
	s1 =	stileid.u32;
	s8 =	smul.u32 $0x138800, s7  }
0x9: {  	s23 =	simm.s32 $0x13A80;
	[smem:$0x7FF] =	sst s5;
	s9 =	smul.u32 $0x1F400, s1  }
0xa: {  	s26 =	simm.s32 $0x0;
	s28 =	smul.u32 $0x7D000, s1;
	_ =	strace $0x80000047  }
0xb: {  	s29 =	ssub.s32 $0x2, s7;
	s7 =	sshll.u32 s7, $0x4;
	p0 =	sgt.u32 s1, $0x9  }
0xc: {  	s31 =	sshrl.u32 s29, $0x1;
	s14 =	sor.u32 s1, s7;
	s24 =	sshll.u32 @!p0 s1, $0x6  }
0xd: {  	s8 =	sadd.s32 s9, s8;
	s30 =	sshrl.u32 s28, $0x2;
	s16 =	ssub.s32 s29, s31  }
0xe: {  	s14 =	smul.u32 $0x7680, s14;
	s24 =	sor.u32 @!p0 $0x1C02, s24;
	s8 =	sshrl.u32 s8, $0x3  }
0xf: {  	s16 =	smax.u32 s16, $0x1;
	s15 =	sadd.s32 s8, s6;
	s6 =	sadd.s32 s30, s4  }
0x10: {  	s7 =	sadd.s32 $0x4000, s6;
	s8 =	sadd.s32 $0x8000, s6;
	s9 =	sadd.s32 $0xC000, s6  }
0x11: {  	s10 =	sadd.s32 $0x10000, s6;
	s11 =	sadd.s32 $0x14000, s6;
	s12 =	sadd.s32 $0x18000, s6  }
0x12: {  	v0 =	vimm.f32 $0.0e+00;
	s13 =	sadd.s32 $0x1C000, s6;
	s15 =	sadd.s32 $0x200, s15;
	s25 =	sshrl.u32 @!p0 s6, $0x3  }
.LBB2_1:
.Ltmp0:
0x13: {  	(pc) =	sbr.rel @p0 .LBB2_5-.Ltmp0, $1  }
0x14: {  	_ =	sdelay $0x3  }
0x15: {  	s28 =	sshra.s32 s5, $0x2;
	s29 =	sadd.s32 $0x200, s5  }
.LBB2_3:
0x16: {  	p1 =	sne.s32 s29, $0xFE00;
	[tilespmem:s28+$0x13B70] =	vst v0  }
0x17: {  	[tilespmem:s28+$0x13B00] =	vst v0  }
0x18: {  	[tilespmem:s28+$0x13B10] =	vst v0  }
.Ltmp1:
0x19: {  	[tilespmem:s28+$0x13B20] =	vst v0;
	(pc) =	sbr.rel @p1 .LBB2_3-.Ltmp1, $4  }
0x1a: {  	[tilespmem:s28+$0x13B30] =	vst v0  }
0x1b: {  	[tilespmem:s28+$0x13B40] =	vst v0  }
0x1c: {  	[tilespmem:s28+$0x13B50] =	vst v0  }
0x1d: {  	[tilespmem:s28+$0x13B60] =	vst v0;
	s28 =	sshra.s32 s29, $0x2;
	s29 =	sadd.s32 $0x200, s29  }
0x1e: {  	[tilespmem:s28+$0x13B70] =	vst v0  }
0x1f: {  	[tilespmem:s28+$0x13B00] =	vst v0  }
0x20: {  	[tilespmem:s28+$0x13B10] =	vst v0  }
0x21: {  	[tilespmem:s28+$0x13B20] =	vst v0  }
0x22: {  	[tilespmem:s28+$0x13B30] =	vst v0  }
0x23: {  	[tilespmem:s28+$0x13B40] =	vst v0  }
0x24: {  	[tilespmem:s28+$0x13B50] =	vst v0  }
0x25: {  	[tilespmem:s28+$0x13B60] =	vst v0  }
0x26: {  	[spmem:s6] =	stream.linear.scatter [tilespmem:s17], [sflag:$0x2], $0x4000, $0x38;
	[tilespmem:$0x17B00] =	vst v63  }
0x27: {  	_ =	swait.ge [sflag:s18], $0x4000  }
0x28: {  	[sflag:s18] =	ssyncset.done $0x0  }
0x29: {  	[sflag:s18] =	ssyncadd.s32 $0xFFFFC000  }
0x2a: {  	[spmem:s7] =	stream.linear.scatter [tilespmem:s17], [sflag:$0x2], $0x4000, $0x38;
	[tilespmem:$0x17B00] =	vst v63  }
0x2b: {  	_ =	swait.ge [sflag:s18], $0x4000  }
0x2c: {  	[sflag:s18] =	ssyncset.done $0x0  }
0x2d: {  	[sflag:s18] =	ssyncadd.s32 $0xFFFFC000  }
0x2e: {  	[spmem:s8] =	stream.linear.scatter [tilespmem:s17], [sflag:$0x2], $0x4000, $0x38;
	[tilespmem:$0x17B00] =	vst v63  }
0x2f: {  	_ =	swait.ge [sflag:s18], $0x4000  }
0x30: {  	[sflag:s18] =	ssyncset.done $0x0  }
0x31: {  	[sflag:s18] =	ssyncadd.s32 $0xFFFFC000  }
0x32: {  	[spmem:s9] =	stream.linear.scatter [tilespmem:s17], [sflag:$0x2], $0x4000, $0x38;
	[tilespmem:$0x17B00] =	vst v63  }
0x33: {  	_ =	swait.ge [sflag:s18], $0x4000  }
0x34: {  	[sflag:s18] =	ssyncset.done $0x0  }
0x35: {  	[sflag:s18] =	ssyncadd.s32 $0xFFFFC000  }
0x36: {  	[spmem:s10] =	stream.linear.scatter [tilespmem:s17], [sflag:$0x2], $0x4000, $0x38;
	[tilespmem:$0x17B00] =	vst v63  }
0x37: {  	_ =	swait.ge [sflag:s18], $0x4000  }
0x38: {  	[sflag:s18] =	ssyncset.done $0x0  }
0x39: {  	[sflag:s18] =	ssyncadd.s32 $0xFFFFC000  }
0x3a: {  	[spmem:s11] =	stream.linear.scatter [tilespmem:s17], [sflag:$0x2], $0x4000, $0x38;
	[tilespmem:$0x17B00] =	vst v63  }
0x3b: {  	_ =	swait.ge [sflag:s18], $0x4000  }
0x3c: {  	[sflag:s18] =	ssyncset.done $0x0  }
0x3d: {  	[sflag:s18] =	ssyncadd.s32 $0xFFFFC000  }
0x3e: {  	[spmem:s12] =	stream.linear.scatter [tilespmem:s17], [sflag:$0x2], $0x4000, $0x38;
	[tilespmem:$0x17B00] =	vst v63  }
0x3f: {  	_ =	swait.ge [sflag:s18], $0x4000  }
0x40: {  	[sflag:s18] =	ssyncset.done $0x0  }
0x41: {  	[sflag:s18] =	ssyncadd.s32 $0xFFFFC000  }
0x42: {  	[spmem:s13] =	stream.linear.scatter [tilespmem:s17], [sflag:$0x2], $0x3400, $0x38;
	[tilespmem:$0x17B00] =	vst v63  }
0x43: {  	_ =	swait.ge [sflag:s18], $0x3400  }
0x44: {  	[sflag:s18] =	ssyncset.done $0x0  }
0x45: {  	[sflag:s18] =	ssyncadd.s32 $0xFFFFCC00  }
.LBB2_5:
0x46: {  	[bflag:$0x0] =	sbarrier.arrive $0xFFFF;
	s28 =	simm.s32 $0x0;
	s29 =	simm.s32 $0x0  }
.LBB2_6:
0x47: {  	s30 =	smul.u32 $0x180, s29;
	_ =	sdelay $0x1  }
0x48: {  	s30 =	sadd.s32 s14, s30  }
0x49: {  	s30 =	sshrl.u32 s30, $0x3  }
0x4a: {  	s30 =	sadd.s32 s2, s30  }
0x4b: {  	[tilespmem:s19], [sflag:$0x2] =	stream.linear.gather [hbm4b:s30+s28], $0x180, $0x38;
	[tilespmem:$0x17B00] =	vst v63  }
0x4c: {  	_ =	swait.ge [sflag:s18], $0x180  }
0x4d: {  	[sflag:s18] =	ssyncset.done $0x0  }
0x4e: {  	[sflag:s18] =	ssyncadd.s32 $0xFFFFFE80  }
0x4f: {  	v1 =	vld [tilespmem:$0x13880]  }
0x50: {  	v2 =	vld [tilespmem:$0x13900]  }
0x51: {  	v3 =	vld [tilespmem:$0x13890]  }
0x52: {  	v4 =	vld [tilespmem:$0x13910]  }
0x53: {  	v5 =	vld [tilespmem:$0x138A0]  }
0x54: {  	[tilespmem:$0x13A00] =	vst v1;
	v1 =	vld [tilespmem:$0x13920]  }
0x55: {  	v60 =	vld [tilespmem:$0x138C0];
	[tilespmem:$0x13A80] =	vst v2  }
0x56: {  	v61 =	vld [tilespmem:$0x13940];
	[tilespmem:$0x13A10] =	vst v3  }
0x57: {  	v2 =	vld [tilespmem:$0x138B0];
	[tilespmem:$0x13A90] =	vst v4  }
0x58: {  	v3 =	vld [tilespmem:$0x13930];
	[tilespmem:$0x13A20] =	vst v5  }
0x59: {  	[tilespmem:$0x13AA0] =	vst v1;
	v1 =	vld [tilespmem:$0x138D0]  }
0x5a: {  	v62 =	vld [tilespmem:$0x13960];
	[tilespmem:$0x13A40] =	vst v60  }
0x5b: {  	v63 =	vld [tilespmem:$0x138F0];
	[tilespmem:$0x13AC0] =	vst v61  }
0x5c: {  	[tilespmem:$0x13A30] =	vst v2;
	v2 =	vld [tilespmem:$0x13950]  }
0x5d: {  	[tilespmem:$0x13AB0] =	vst v3;
	v3 =	vld [tilespmem:$0x138E0]  }
0x5e: {  	[tilespmem:$0x13A50] =	vst v1;
	v1 =	vld [tilespmem:$0x13970]  }
0x5f: {  	[tilespmem:$0x13AE0] =	vst v62  }
0x60: {  	[tilespmem:$0x13A70] =	vst v63  }
0x61: {  	[tilespmem:$0x13AD0] =	vst v2  }
0x62: {  	[tilespmem:$0x13A60] =	vst v3  }
0x63: {  	[tilespmem:$0x13AF0] =	vst v1  }
0x64: {  	[tilespmem:s17], [sflag:$0x1] =	stream.indirect.gather [hbm4b:s0+s20], $0x80, s21, s20, $0xb8;
	[tilespmem:$0x17B00] =	vst v63  }
0x65: {  	_ =	swait.ge [sflag:s22], $0x4000  }
0x66: {  	[sflag:s22] =	ssyncset.done $0x0  }
0x67: {  	s30 =	simm.s32 $0x0;
	[sflag:s22] =	ssyncadd.s32 $0xFFFFC000  }
.LBB2_7:
0x68: {  	s31 =	sshll.u32 s30, $0x4  }
0x69: {  	s31 =	sand.u32 $0x3FFFFFF0, s31  }
0x6a: {  	v1 =	vld [tilespmem:s31+$0x13980];
	s31 =	sshll.u32 s30, $0xB  }
0x6b: {  	s31 =	sand.u32 $0x3FFFF800, s31  }
0x6c: {  	v2 =	vld [tilespmem:s31+$0x13B00]  }
0x6d: {  	v3 =	vld [tilespmem:s31+$0x13B10]  }
0x6e: {  	v4 =	vld [tilespmem:s31+$0x13B20]  }
0x6f: {  	v6 =	vld [tilespmem:s31+$0x13B30];
	v5 =	vbroadcast v1, $0x0  }
0x70: {  	v7 =	vld [tilespmem:s31+$0x13B40]  }
0x71: {  	v8 =	vld [tilespmem:s31+$0x13B50];
	v2 =	vmul.f32 v5, v2  }
0x72: {  	v9 =	vld [tilespmem:s31+$0x13B60];
	v3 =	vmul.f32 v3, v5  }
0x73: {  	v34 =	vld [tilespmem:s31+$0x13B70];
	[tilespmem:s31+$0x13B00] =	vst v2;
	v2 =	vmul.f32 v4, v5  }
0x74: {  	v35 =	vld [tilespmem:s31+$0x13B80];
	[tilespmem:s31+$0x13B10] =	vst v3;
	v3 =	vmul.f32 v6, v5  }
0x75: {  	v36 =	vld [tilespmem:s31+$0x13B90];
	[tilespmem:s31+$0x13B20] =	vst v2;
	v2 =	vmul.f32 v7, v5  }
0x76: {  	v37 =	vld [tilespmem:s31+$0x13BA0];
	[tilespmem:s31+$0x13B30] =	vst v3;
	v3 =	vmul.f32 v8, v5  }
0x77: {  	v10 =	vld [tilespmem:s31+$0x13BB0];
	v38 =	vbroadcast v1, $0x1;
	[tilespmem:s31+$0x13B40] =	vst v2;
	v2 =	vmul.f32 v9, v5  }
0x78: {  	v39 =	vld [tilespmem:s31+$0x13BC0];
	[tilespmem:s31+$0x13B50] =	vst v3;
	v3 =	vmul.f32 v34, v5  }
0x79: {  	v40 =	vld [tilespmem:s31+$0x13BD0];
	[tilespmem:s31+$0x13B60] =	vst v2;
	v2 =	vmul.f32 v35, v38  }
0x7a: {  	v41 =	vld [tilespmem:s31+$0x13BE0];
	[tilespmem:s31+$0x13B70] =	vst v3;
	v3 =	vmul.f32 v36, v38  }
0x7b: {  	v42 =	vld [tilespmem:s31+$0x13BF0];
	[tilespmem:s31+$0x13B80] =	vst v2;
	v2 =	vmul.f32 v37, v38  }
0x7c: {  	v43 =	vld [tilespmem:s31+$0x13C00];
	[tilespmem:s31+$0x13B90] =	vst v3;
	v3 =	vmul.f32 v10, v38  }
0x7d: {  	v44 =	vld [tilespmem:s31+$0x13C10];
	[tilespmem:s31+$0x13BA0] =	vst v2;
	v2 =	vmul.f32 v39, v38  }
0x7e: {  	v45 =	vld [tilespmem:s31+$0x13C20];
	[tilespmem:s31+$0x13BB0] =	vst v3;
	v3 =	vmul.f32 v40, v38  }
0x7f: {  	v47 =	vld [tilespmem:s31+$0x13C30];
	v46 =	vbroadcast v1, $0x2;
	[tilespmem:s31+$0x13BC0] =	vst v2;
	v2 =	vmul.f32 v41, v38  }
0x80: {  	v48 =	vld [tilespmem:s31+$0x13C40];
	[tilespmem:s31+$0x13BD0] =	vst v3;
	v3 =	vmul.f32 v42, v38  }
0x81: {  	v49 =	vld [tilespmem:s31+$0x13C50];
	[tilespmem:s31+$0x13BE0] =	vst v2;
	v2 =	vmul.f32 v43, v46  }
0x82: {  	v50 =	vld [tilespmem:s31+$0x13C60];
	[tilespmem:s31+$0x13BF0] =	vst v3;
	v3 =	vmul.f32 v44, v46  }
0x83: {  	v51 =	vld [tilespmem:s31+$0x13C70];
	[tilespmem:s31+$0x13C00] =	vst v2;
	v2 =	vmul.f32 v45, v46  }
0x84: {  	v52 =	vld [tilespmem:s31+$0x13C80];
	[tilespmem:s31+$0x13C10] =	vst v3;
	v3 =	vmul.f32 v47, v46  }
0x85: {  	v53 =	vld [tilespmem:s31+$0x13C90];
	[tilespmem:s31+$0x13C20] =	vst v2;
	v2 =	vmul.f32 v48, v46  }
0x86: {  	v54 =	vld [tilespmem:s31+$0x13CA0];
	[tilespmem:s31+$0x13C30] =	vst v3;
	v3 =	vmul.f32 v49, v46  }
0x87: {  	v56 =	vld [tilespmem:s31+$0x13CB0];
	v55 =	vbroadcast v1, $0x3;
	[tilespmem:s31+$0x13C40] =	vst v2;
	v2 =	vmul.f32 v50, v46  }
0x88: {  	v57 =	vld [tilespmem:s31+$0x13CC0];
	[tilespmem:s31+$0x13C50] =	vst v3;
	v3 =	vmul.f32 v51, v46  }
0x89: {  	v58 =	vld [tilespmem:s31+$0x13CD0];
	[tilespmem:s31+$0x13C60] =	vst v2;
	v2 =	vmul.f32 v52, v55  }
0x8a: {  	v59 =	vld [tilespmem:s31+$0x13CE0];
	[tilespmem:s31+$0x13C70] =	vst v3;
	v3 =	vmul.f32 v53, v55  }
0x8b: {  	v60 =	vld [tilespmem:s31+$0x13CF0];
	[tilespmem:s31+$0x13C80] =	vst v2;
	v2 =	vmul.f32 v54, v55  }
0x8c: {  	v61 =	vld [tilespmem:s31+$0x13D00];
	[tilespmem:s31+$0x13C90] =	vst v3;
	v3 =	vmul.f32 v56, v55  }
0x8d: {  	v62 =	vld [tilespmem:s31+$0x13D10];
	[tilespmem:s31+$0x13CA0] =	vst v2;
	v2 =	vmul.f32 v57, v55  }
0x8e: {  	v63 =	vld [tilespmem:s31+$0x13D20];
	[tilespmem:s31+$0x13CB0] =	vst v3;
	v3 =	vmul.f32 v58, v55  }
0x8f: {  	v13 =	vld [tilespmem:s31+$0x13D30];
	v12 =	vbroadcast v1, $0x4;
	[tilespmem:s31+$0x13CC0] =	vst v2;
	v2 =	vmul.f32 v59, v55  }
0x90: {  	v14 =	vld [tilespmem:s31+$0x13D40];
	[tilespmem:s31+$0x13CD0] =	vst v3;
	v3 =	vmul.f32 v60, v55  }
0x91: {  	v15 =	vld [tilespmem:s31+$0x13D50];
	[tilespmem:s31+$0x13CE0] =	vst v2;
	v2 =	vmul.f32 v61, v12  }
0x92: {  	v16 =	vld [tilespmem:s31+$0x13D60];
	[tilespmem:s31+$0x13CF0] =	vst v3;
	v3 =	vmul.f32 v62, v12  }
0x93: {  	v17 =	vld [tilespmem:s31+$0x13D70];
	[tilespmem:s31+$0x13D00] =	vst v2;
	v2 =	vmul.f32 v63, v12  }
0x94: {  	v18 =	vld [tilespmem:s31+$0x13D80];
	[tilespmem:s31+$0x13D10] =	vst v3;
	v3 =	vmul.f32 v13, v12  }
0x95: {  	v19 =	vld [tilespmem:s31+$0x13D90];
	[tilespmem:s31+$0x13D20] =	vst v2;
	v2 =	vmul.f32 v14, v12  }
0x96: {  	v20 =	vld [tilespmem:s31+$0x13DA0];
	[tilespmem:s31+$0x13D30] =	vst v3;
	v3 =	vmul.f32 v15, v12  }
0x97: {  	v22 =	vld [tilespmem:s31+$0x13DB0];
	v21 =	vbroadcast v1, $0x5;
	[tilespmem:s31+$0x13D40] =	vst v2;
	v2 =	vmul.f32 v16, v12  }
0x98: {  	v23 =	vld [tilespmem:s31+$0x13DC0];
	[tilespmem:s31+$0x13D50] =	vst v3;
	v3 =	vmul.f32 v17, v12  }
0x99: {  	v24 =	vld [tilespmem:s31+$0x13DD0];
	[tilespmem:s31+$0x13D60] =	vst v2;
	v2 =	vmul.f32 v18, v21  }
0x9a: {  	v25 =	vld [tilespmem:s31+$0x13DE0];
	[tilespmem:s31+$0x13D70] =	vst v3;
	v3 =	vmul.f32 v19, v21  }
0x9b: {  	v26 =	vld [tilespmem:s31+$0x13DF0];
	[tilespmem:s31+$0x13D80] =	vst v2;
	v2 =	vmul.f32 v20, v21  }
0x9c: {  	v27 =	vld [tilespmem:s31+$0x13E00];
	[tilespmem:s31+$0x13D90] =	vst v3;
	v3 =	vmul.f32 v22, v21  }
0x9d: {  	v28 =	vld [tilespmem:s31+$0x13E10];
	[tilespmem:s31+$0x13DA0] =	vst v2;
	v2 =	vmul.f32 v23, v21  }
0x9e: {  	v29 =	vld [tilespmem:s31+$0x13E20];
	[tilespmem:s31+$0x13DB0] =	vst v3;
	v3 =	vmul.f32 v24, v21  }
0x9f: {  	v31 =	vld [tilespmem:s31+$0x13E30];
	v30 =	vbroadcast v1, $0x6;
	[tilespmem:s31+$0x13DC0] =	vst v2;
	v2 =	vmul.f32 v25, v21  }
0xa0: {  	v32 =	vld [tilespmem:s31+$0x13E40];
	[tilespmem:s31+$0x13DD0] =	vst v3;
	v3 =	vmul.f32 v26, v21  }
0xa1: {  	v33 =	vld [tilespmem:s31+$0x13E50];
	[tilespmem:s31+$0x13DE0] =	vst v2;
	v2 =	vmul.f32 v27, v30  }
0xa2: {  	v34 =	vld [tilespmem:s31+$0x13E60];
	[tilespmem:s31+$0x13DF0] =	vst v3;
	v3 =	vmul.f32 v28, v30  }
0xa3: {  	v35 =	vld [tilespmem:s31+$0x13E70];
	[tilespmem:s31+$0x13E00] =	vst v2;
	v2 =	vmul.f32 v29, v30  }
0xa4: {  	v36 =	vld [tilespmem:s31+$0x13E80];
	[tilespmem:s31+$0x13E10] =	vst v3;
	v3 =	vmul.f32 v31, v30  }
0xa5: {  	v37 =	vld [tilespmem:s31+$0x13E90];
	[tilespmem:s31+$0x13E20] =	vst v2;
	v2 =	vmul.f32 v32, v30  }
0xa6: {  	v38 =	vld [tilespmem:s31+$0x13EA0];
	[tilespmem:s31+$0x13E30] =	vst v3;
	v3 =	vmul.f32 v33, v30  }
0xa7: {  	v39 =	vbroadcast v1, $0x7;
	v40 =	vld [tilespmem:s31+$0x13EB0];
	[tilespmem:s31+$0x13E40] =	vst v2;
	v2 =	vmul.f32 v34, v30  }
0xa8: {  	v41 =	vld [tilespmem:s31+$0x13EC0];
	[tilespmem:s31+$0x13E50] =	vst v3;
	v3 =	vmul.f32 v35, v30  }
0xa9: {  	v42 =	vld [tilespmem:s31+$0x13ED0];
	[tilespmem:s31+$0x13E60] =	vst v2;
	v2 =	vmul.f32 v36, v39  }
0xaa: {  	v43 =	vld [tilespmem:s31+$0x13EE0];
	[tilespmem:s31+$0x13E70] =	vst v3;
	v3 =	vmul.f32 v37, v39  }
0xab: {  	v44 =	vld [tilespmem:s31+$0x13EF0];
	[tilespmem:s31+$0x13E80] =	vst v2;
	v2 =	vmul.f32 v38, v39  }
0xac: {  	v45 =	vld [tilespmem:s31+$0x13F00];
	[tilespmem:s31+$0x13E90] =	vst v3;
	v3 =	vmul.f32 v40, v39  }
0xad: {  	v46 =	vld [tilespmem:s31+$0x13F10];
	[tilespmem:s31+$0x13EA0] =	vst v2;
	v2 =	vmul.f32 v41, v39  }
0xae: {  	v47 =	vld [tilespmem:s31+$0x13F20];
	[tilespmem:s31+$0x13EB0] =	vst v3;
	v3 =	vmul.f32 v42, v39  }
0xaf: {  	v48 =	vbroadcast v1, $0x8;
	v49 =	vld [tilespmem:s31+$0x13F30];
	[tilespmem:s31+$0x13EC0] =	vst v2;
	v2 =	vmul.f32 v43, v39  }
0xb0: {  	v50 =	vld [tilespmem:s31+$0x13F40];
	[tilespmem:s31+$0x13ED0] =	vst v3;
	v3 =	vmul.f32 v44, v39  }
0xb1: {  	v51 =	vld [tilespmem:s31+$0x13F50];
	[tilespmem:s31+$0x13EE0] =	vst v2;
	v2 =	vmul.f32 v45, v48  }
0xb2: {  	v52 =	vld [tilespmem:s31+$0x13F60];
	[tilespmem:s31+$0x13EF0] =	vst v3;
	v3 =	vmul.f32 v46, v48  }
0xb3: {  	v53 =	vld [tilespmem:s31+$0x13F70];
	[tilespmem:s31+$0x13F00] =	vst v2;
	v2 =	vmul.f32 v47, v48  }
0xb4: {  	v54 =	vld [tilespmem:s31+$0x13F80];
	[tilespmem:s31+$0x13F10] =	vst v3;
	v3 =	vmul.f32 v49, v48  }
0xb5: {  	v55 =	vld [tilespmem:s31+$0x13F90];
	[tilespmem:s31+$0x13F20] =	vst v2;
	v2 =	vmul.f32 v50, v48  }
0xb6: {  	v56 =	vld [tilespmem:s31+$0x13FA0];
	[tilespmem:s31+$0x13F30] =	vst v3;
	v3 =	vmul.f32 v51, v48  }
0xb7: {  	v57 =	vbroadcast v1, $0x9;
	v58 =	vld [tilespmem:s31+$0x13FB0];
	[tilespmem:s31+$0x13F40] =	vst v2;
	v2 =	vmul.f32 v52, v48  }
0xb8: {  	v59 =	vld [tilespmem:s31+$0x13FC0];
	[tilespmem:s31+$0x13F50] =	vst v3;
	v3 =	vmul.f32 v53, v48  }
0xb9: {  	v60 =	vld [tilespmem:s31+$0x13FD0];
	[tilespmem:s31+$0x13F60] =	vst v2;
	v2 =	vmul.f32 v54, v57  }
0xba: {  	v61 =	vld [tilespmem:s31+$0x13FE0];
	[tilespmem:s31+$0x13F70] =	vst v3;
	v3 =	vmul.f32 v55, v57  }
0xbb: {  	v62 =	vld [tilespmem:s31+$0x13FF0];
	[tilespmem:s31+$0x13F80] =	vst v2;
	v2 =	vmul.f32 v56, v57  }
0xbc: {  	v63 =	vld [tilespmem:s31+$0x14000];
	[tilespmem:s31+$0x13F90] =	vst v3;
	v3 =	vmul.f32 v58, v57  }
0xbd: {  	v12 =	vld [tilespmem:s31+$0x14010];
	[tilespmem:s31+$0x13FA0] =	vst v2;
	v2 =	vmul.f32 v59, v57  }
0xbe: {  	v13 =	vld [tilespmem:s31+$0x14020];
	[tilespmem:s31+$0x13FB0] =	vst v3;
	v3 =	vmul.f32 v60, v57  }
0xbf: {  	v14 =	vbroadcast v1, $0xA;
	v15 =	vld [tilespmem:s31+$0x14030];
	[tilespmem:s31+$0x13FC0] =	vst v2;
	v2 =	vmul.f32 v61, v57  }
0xc0: {  	v16 =	vld [tilespmem:s31+$0x14040];
	[tilespmem:s31+$0x13FD0] =	vst v3;
	v3 =	vmul.f32 v62, v57  }
0xc1: {  	v17 =	vld [tilespmem:s31+$0x14050];
	[tilespmem:s31+$0x13FE0] =	vst v2;
	v2 =	vmul.f32 v63, v14  }
0xc2: {  	v18 =	vld [tilespmem:s31+$0x14060];
	[tilespmem:s31+$0x13FF0] =	vst v3;
	v3 =	vmul.f32 v12, v14  }
0xc3: {  	v19 =	vld [tilespmem:s31+$0x14070];
	[tilespmem:s31+$0x14000] =	vst v2;
	v2 =	vmul.f32 v13, v14  }
0xc4: {  	v20 =	vld [tilespmem:s31+$0x14080];
	[tilespmem:s31+$0x14010] =	vst v3;
	v3 =	vmul.f32 v15, v14  }
0xc5: {  	v21 =	vld [tilespmem:s31+$0x14090];
	[tilespmem:s31+$0x14020] =	vst v2;
	v2 =	vmul.f32 v16, v14  }
0xc6: {  	v22 =	vld [tilespmem:s31+$0x140A0];
	[tilespmem:s31+$0x14030] =	vst v3;
	v3 =	vmul.f32 v17, v14  }
0xc7: {  	v23 =	vbroadcast v1, $0xB;
	v24 =	vld [tilespmem:s31+$0x140B0];
	[tilespmem:s31+$0x14040] =	vst v2;
	v2 =	vmul.f32 v18, v14  }
0xc8: {  	v25 =	vld [tilespmem:s31+$0x140C0];
	[tilespmem:s31+$0x14050] =	vst v3;
	v3 =	vmul.f32 v19, v14  }
0xc9: {  	v26 =	vld [tilespmem:s31+$0x140D0];
	[tilespmem:s31+$0x14060] =	vst v2;
	v2 =	vmul.f32 v20, v23  }
0xca: {  	v27 =	vld [tilespmem:s31+$0x140E0];
	[tilespmem:s31+$0x14070] =	vst v3;
	v3 =	vmul.f32 v21, v23  }
0xcb: {  	v28 =	vld [tilespmem:s31+$0x140F0];
	[tilespmem:s31+$0x14080] =	vst v2;
	v2 =	vmul.f32 v22, v23  }
0xcc: {  	v29 =	vld [tilespmem:s31+$0x14100];
	[tilespmem:s31+$0x14090] =	vst v3;
	v3 =	vmul.f32 v24, v23  }
0xcd: {  	v30 =	vld [tilespmem:s31+$0x14110];
	[tilespmem:s31+$0x140A0] =	vst v2;
	v2 =	vmul.f32 v25, v23  }
0xce: {  	v31 =	vld [tilespmem:s31+$0x14120];
	[tilespmem:s31+$0x140B0] =	vst v3;
	v3 =	vmul.f32 v26, v23  }
0xcf: {  	v32 =	vbroadcast v1, $0xC;
	v33 =	vld [tilespmem:s31+$0x14130];
	[tilespmem:s31+$0x140C0] =	vst v2;
	v2 =	vmul.f32 v27, v23  }
0xd0: {  	v34 =	vld [tilespmem:s31+$0x14140];
	[tilespmem:s31+$0x140D0] =	vst v3;
	v3 =	vmul.f32 v28, v23  }
0xd1: {  	v35 =	vld [tilespmem:s31+$0x14150];
	[tilespmem:s31+$0x140E0] =	vst v2;
	v2 =	vmul.f32 v29, v32  }
0xd2: {  	v36 =	vld [tilespmem:s31+$0x14160];
	[tilespmem:s31+$0x140F0] =	vst v3;
	v3 =	vmul.f32 v30, v32  }
0xd3: {  	v37 =	vld [tilespmem:s31+$0x14170];
	[tilespmem:s31+$0x14100] =	vst v2;
	v2 =	vmul.f32 v31, v32  }
0xd4: {  	v38 =	vld [tilespmem:s31+$0x14180];
	[tilespmem:s31+$0x14110] =	vst v3;
	v3 =	vmul.f32 v33, v32  }
0xd5: {  	v39 =	vld [tilespmem:s31+$0x14190];
	[tilespmem:s31+$0x14120] =	vst v2;
	v2 =	vmul.f32 v34, v32  }
0xd6: {  	v40 =	vld [tilespmem:s31+$0x141A0];
	[tilespmem:s31+$0x14130] =	vst v3;
	v3 =	vmul.f32 v35, v32  }
0xd7: {  	v41 =	vbroadcast v1, $0xD;
	v42 =	vld [tilespmem:s31+$0x141B0];
	[tilespmem:s31+$0x14140] =	vst v2;
	v2 =	vmul.f32 v36, v32  }
0xd8: {  	v43 =	vld [tilespmem:s31+$0x141C0];
	[tilespmem:s31+$0x14150] =	vst v3;
	v3 =	vmul.f32 v37, v32  }
0xd9: {  	v44 =	vld [tilespmem:s31+$0x141D0];
	[tilespmem:s31+$0x14160] =	vst v2;
	v2 =	vmul.f32 v38, v41  }
0xda: {  	v45 =	vld [tilespmem:s31+$0x141E0];
	[tilespmem:s31+$0x14170] =	vst v3;
	v3 =	vmul.f32 v39, v41  }
0xdb: {  	v46 =	vld [tilespmem:s31+$0x141F0];
	[tilespmem:s31+$0x14180] =	vst v2;
	v2 =	vmul.f32 v40, v41  }
0xdc: {  	v47 =	vld [tilespmem:s31+$0x14200];
	[tilespmem:s31+$0x14190] =	vst v3;
	v3 =	vmul.f32 v42, v41  }
0xdd: {  	v48 =	vld [tilespmem:s31+$0x14210];
	[tilespmem:s31+$0x141A0] =	vst v2;
	v2 =	vmul.f32 v43, v41  }
0xde: {  	v49 =	vld [tilespmem:s31+$0x14220];
	[tilespmem:s31+$0x141B0] =	vst v3;
	v3 =	vmul.f32 v44, v41  }
0xdf: {  	v50 =	vbroadcast v1, $0xE;
	v51 =	vld [tilespmem:s31+$0x14230];
	[tilespmem:s31+$0x141C0] =	vst v2;
	v2 =	vmul.f32 v45, v41  }
0xe0: {  	v52 =	vld [tilespmem:s31+$0x14240];
	[tilespmem:s31+$0x141D0] =	vst v3;
	v3 =	vmul.f32 v46, v41  }
0xe1: {  	v53 =	vld [tilespmem:s31+$0x14250];
	[tilespmem:s31+$0x141E0] =	vst v2;
	v2 =	vmul.f32 v47, v50  }
0xe2: {  	v54 =	vld [tilespmem:s31+$0x14260];
	[tilespmem:s31+$0x141F0] =	vst v3;
	v3 =	vmul.f32 v48, v50  }
0xe3: {  	v55 =	vld [tilespmem:s31+$0x14270];
	[tilespmem:s31+$0x14200] =	vst v2;
	v2 =	vmul.f32 v49, v50  }
0xe4: {  	v56 =	vld [tilespmem:s31+$0x14280];
	[tilespmem:s31+$0x14210] =	vst v3;
	v3 =	vmul.f32 v51, v50  }
0xe5: {  	v57 =	vld [tilespmem:s31+$0x14290];
	[tilespmem:s31+$0x14220] =	vst v2;
	v2 =	vmul.f32 v52, v50  }
0xe6: {  	v58 =	vld [tilespmem:s31+$0x142A0];
	[tilespmem:s31+$0x14230] =	vst v3;
	v3 =	vmul.f32 v53, v50  }
0xe7: {  	v1 =	vbroadcast v1, $0xF;
	v59 =	vld [tilespmem:s31+$0x142B0];
	[tilespmem:s31+$0x14240] =	vst v2;
	v2 =	vmul.f32 v54, v50  }
0xe8: {  	v60 =	vld [tilespmem:s31+$0x142C0];
	[tilespmem:s31+$0x14250] =	vst v3;
	v3 =	vmul.f32 v55, v50  }
0xe9: {  	v61 =	vld [tilespmem:s31+$0x142D0];
	[tilespmem:s31+$0x14260] =	vst v2;
	v2 =	vmul.f32 v56, v1  }
0xea: {  	v62 =	vld [tilespmem:s31+$0x142E0];
	[tilespmem:s31+$0x14270] =	vst v3;
	v3 =	vmul.f32 v57, v1  }
0xeb: {  	v63 =	vld [tilespmem:s31+$0x142F0];
	[tilespmem:s31+$0x14280] =	vst v2;
	v2 =	vmul.f32 v58, v1  }
0xec: {  	[tilespmem:s31+$0x14290] =	vst v3;
	v3 =	vmul.f32 v59, v1  }
0xed: {  	p1 =	sne.s32 s30, $0x7;
	[tilespmem:s31+$0x142A0] =	vst v2;
	v2 =	vmul.f32 v60, v1  }
.Ltmp2:
0xee: {  	[tilespmem:s31+$0x142B0] =	vst v3;
	v3 =	vmul.f32 v61, v1;
	(pc) =	sbr.rel @p1 .LBB2_7-.Ltmp2, $4  }
0xef: {  	[tilespmem:s31+$0x142C0] =	vst v2;
	v2 =	vmul.f32 v62, v1  }
0xf0: {  	[tilespmem:s31+$0x142D0] =	vst v3;
	v1 =	vmul.f32 v63, v1  }
0xf1: {  	[tilespmem:s31+$0x142E0] =	vst v2  }
0xf2: {  	s30 =	sadd.s32 $0x1, s30;
	[tilespmem:s31+$0x142F0] =	vst v1  }
0xf3: {  	s29 =	sadd.s32 $0x1, s29  }
0xf4: {  	p1 =	sne.s32 s29, $0x4F  }
.Ltmp3:
0xf5: {  	_ = 	snop;
	(pc) =	sbr.rel @p1 .LBB2_6-.Ltmp3, $4  }
0xf6: {  	[spmem:s4] =	stream.indirect.scatter.add.f32 [tilespmem:s17], [sflag:$0x2], $0x80, s23, s20, $0xb8;
	[tilespmem:$0x17B00] =	vst v63  }
0xf7: {  	_ =	swait.ge [sflag:s18], $0x4000  }
0xf8: {  	[sflag:s18] =	ssyncset.done $0x0  }
0xf9: {  	[sflag:s18] =	ssyncadd.s32 $0xFFFFC000  }
0xfa: {  	s26 =	sadd.s32 $0x1, s26  }
0xfb: {  	p1 =	sne.s32 s26, s16  }
.Ltmp4:
0xfc: {  	[bflag:$0x0] =	sbarrier.arrive $0xFFFF;
	s28 =	simm.s32 @!p0 $0x2;
	(pc) =	sbr.rel @p1 .LBB2_1-.Ltmp4, $4  }
0xfd: {  	[hbm:s15], [sflag:s24] =	dma.local @!p0 [spmem:s25], $0x3E80  }
0xfe: {  	_ =	swait.ge @!p0 [sflag:s28], $0x3E80  }
0xff: {  	[sflag:s28] =	ssyncset.done @!p0 $0x0  }
0x100: {  	[sflag:s28] =	ssyncadd.s32 @!p0 $0xFFFFC180  }
0x101: {  	_ =	sfence.sel $0x180000  }
0x102: {  	[bflag:$0x0] =	sbarrier.arrive $0xFFFF  }
0x103: {  	p0 =	sne.s32 s1, $0x0;
	_ =	strace $0x90000047  }
0x104: {  	s0 =	sadd.s32 @!p0 $0x100000, s3;
	[bflag:$0x2] =	sbarrier.arrive $0xFFFF  }
0x105: {  	[sflag:s0] =	ssyncadd.tile.s32 @!p0 $0x1;
	_ =	shalt  }
.Lfunc_end2:
_tile_overlayer_lowered:
.L_overlay_start_2:
0x106: {  	(tag) =	ssettag $0x2  }
0x107: {  	s0 =	rddreg [dreg:$0x0];
	s2 =	stileid.u32  }
0x108: {  	s1 =	rddreg [dreg:$0x1];
	p0 =	sne.s32 s2, $0x0  }
0x109: {  	s3 =	rddreg [dreg:$0x2];
	[bflag:$0x3] =	sbarrier.arrive $0xFFFF;
	s2 =	simm.s32 @!p0 $0x1C02  }
0x10a: {  	[timem:s3], [sflag:s2] =	dma.local @!p0 [hbm:s0], s1  }
0x10b: {  	s0 =	simm.s32 @!p0 $0x2  }
0x10c: {  	_ =	swait.ge @!p0 [sflag:s0], s1  }
0x10d: {  	s1 =	ssub.s32 @!p0 $0x0, s1;
	[sflag:s0] =	ssyncset.done @!p0 $0x0  }
0x10e: {  	[sflag:s0] =	ssyncadd.s32 @!p0 s1  }
0x10f: {  	[bflag:$0x3] =	sbarrier.arrive $0xFFFF  }
0x110: {  	_ =	shalt  }

</sc_bundles>
